<compile_context>
chip_gen: v7x
topology: tpu7x:2x2x1
jax: 0.10.2.dev20260603
libtpu: 0.0.44.dev20260713+nightly
codegen_flags: <defaults>
</compile_context>

<pallas_src>
import functools

import jax
import jax.numpy as jnp
from jax import lax
from jax.experimental import pallas as pl
from jax.experimental.pallas import tpu as pltpu
from jax.experimental.pallas import tpu_sc as plsc

N = 10000
E = 320000
F_IN = 128
H = 64

NC = 2
NS = 16
NW = NC * NS
EPW = E // NW
CH = 80
NCHUNK = EPW // CH

ROWS_PAD = 10240
ROWS_SL = ROWS_PAD // NS

_mesh = plsc.VectorSubcoreMesh(core_axis_name="c", subcore_axis_name="s")
_sc_params = pltpu.CompilerParams(use_tc_tiling_on_sc=False,
                                  needs_layout_passes=False)


@functools.partial(
    pl.kernel,
    mesh=_mesh,
    out_type=jax.ShapeDtypeStruct((NW, N), jnp.float32),
    scratch_types=[
        pltpu.VMEM((NCHUNK, CH), jnp.int32),
        pltpu.VMEM((NCHUNK, CH), jnp.float32),
        pltpu.VMEM((N,), jnp.float32),
    ],
    compiler_params=_sc_params,
)
def _deg_sc(el_hbm, ew_hbm, out_hbm, dst_t, ew_t, dloc):
    cid = lax.axis_index("c")
    sid = lax.axis_index("s")
    wid = sid * NC + cid

    def zb(k, c):
        dloc[pl.ds(k * 16, 16)] = jnp.zeros((16,), jnp.float32)
        return c
    lax.fori_loop(0, N // 16, zb, 0)

    pltpu.sync_copy(el_hbm.at[1, wid], dst_t)
    pltpu.sync_copy(ew_hbm.at[wid], ew_t)

    @plsc.parallel_loop(0, NCHUNK * (CH // 16), unroll=4)
    def _acc(k):
        j = k // (CH // 16)
        g = k % (CH // 16)
        d16 = dst_t[j, pl.ds(g * 16, 16)]
        w16 = ew_t[j, pl.ds(g * 16, 16)]
        plsc.addupdate_scatter(dloc, [d16], w16)

    pltpu.sync_copy(dloc, out_hbm.at[wid])


@functools.partial(
    pl.kernel,
    mesh=_mesh,
    out_type=jax.ShapeDtypeStruct((NC, ROWS_PAD, H), jnp.float32),
    scratch_types=[
        pltpu.VMEM((NCHUNK, CH), jnp.int32),
        pltpu.VMEM((NCHUNK, CH), jnp.int32),
        pltpu.VMEM((NCHUNK, CH), jnp.float32),
        pltpu.VMEM((N,), jnp.float32),
        pltpu.VMEM((CH, H), jnp.float32),
        pltpu.VMEM((CH, H), jnp.float32),
        pltpu.VMEM((CH, H), jnp.float32),
        pltpu.VMEM((CH, H), jnp.float32),
        pltpu.VMEM_SHARED((ROWS_PAD, H), jnp.float32),
        pltpu.SemaphoreType.DMA,
        pltpu.SemaphoreType.DMA,
        pltpu.SemaphoreType.DMA,
        pltpu.SemaphoreType.DMA,
        pltpu.SemaphoreType.DMA,
        pltpu.SemaphoreType.DMA,
        pltpu.SemaphoreType.DMA,
        pltpu.SemaphoreType.DMA,
    ],
    compiler_params=_sc_params,
)
def _agg_sc(el_hbm, ew_hbm, hs_hbm, dis_hbm, out_hbm,
            src_t, dst_t, ew_t, dis_t, r0, r1, r2, r3, g_sh,
            g0s, g1s, g2s, g3s, s0s, s1s, s2s, s3s):
    cid = lax.axis_index("c")
    sid = lax.axis_index("s")
    wid = sid * NC + cid
    rows = (r0, r1, r2, r3)
    gsem = (g0s, g1s, g2s, g3s)
    ssem = (s0s, s1s, s2s, s3s)

    @plsc.parallel_loop(0, CH, unroll=4)
    def _zero(r):
        for f in range(H // 16):
            r0[r, pl.ds(f * 16, 16)] = jnp.zeros((16,), jnp.float32)
    for k in range(ROWS_SL // CH):
        pltpu.sync_copy(r0, g_sh.at[pl.ds(sid * ROWS_SL + k * CH, CH)])

    pltpu.sync_copy(el_hbm.at[0, wid], src_t)
    pltpu.sync_copy(el_hbm.at[1, wid], dst_t)
    pltpu.sync_copy(ew_hbm.at[wid], ew_t)
    pltpu.sync_copy(dis_hbm.at[0], dis_t)
    plsc.subcore_barrier()

    def issue_gather(j, b):
        pltpu.async_copy(hs_hbm.at[src_t.at[j]], rows[b], gsem[b])

    def wait_gather(b):
        pltpu.make_async_copy(hs_hbm.at[pl.ds(0, CH)], rows[b], gsem[b]).wait()

    def issue_scatter(j, b):
        pltpu.async_copy(rows[b], g_sh.at[dst_t.at[j]], ssem[b], add=True)

    def wait_scatter(b):
        pltpu.make_async_copy(rows[b], g_sh.at[pl.ds(0, CH)], ssem[b]).wait()

    def process(j, b):
        wait_gather(b)

        @plsc.parallel_loop(0, CH, unroll=8)
        def _scale(i):
            jv = jnp.full((16,), j, jnp.int32)
            iv = jnp.full((16,), i, jnp.int32)
            ewv = plsc.load_gather(ew_t, [jv, iv])
            srcv = plsc.load_gather(src_t, [jv, iv])
            disv = plsc.load_gather(dis_t, [srcv])
            fv = ewv * disv
            for f in range(H // 16):
                rows[b][i, pl.ds(f * 16, 16)] = (
                    rows[b][i, pl.ds(f * 16, 16)] * fv)
        issue_scatter(j, b)

        nb = (b + 3) % 4
        @pl.when(j + 3 < NCHUNK)
        def _():
            @pl.when(j >= 1)
            def _():
                wait_scatter(nb)
            issue_gather(j + 3, nb)

    issue_gather(0, 0)
    issue_gather(1, 1)
    issue_gather(2, 2)

    def quad(p, c):
        j = p * 4
        process(j, 0)
        process(j + 1, 1)
        process(j + 2, 2)
        process(j + 3, 3)
        return c
    lax.fori_loop(0, NCHUNK // 4, quad, 0)
    process(NCHUNK - 1, 0)
    wait_scatter(1)
    wait_scatter(2)
    wait_scatter(3)
    wait_scatter(0)

    plsc.subcore_barrier()
    pltpu.sync_copy(g_sh.at[pl.ds(sid * ROWS_SL, ROWS_SL)],
                    out_hbm.at[cid, pl.ds(sid * ROWS_SL, ROWS_SL)])


def _t0_body(deg_ref, disb_ref, disrow_ref):
    dsum = jnp.sum(deg_ref[...], axis=0, keepdims=True) + 1.0
    dis = lax.rsqrt(dsum)
    disrow_ref[...] = dis
    ones = jnp.ones((1, H), jnp.float32)
    disb_ref[...] = lax.dot_general(dis, ones, (((0,), (0,)), ((), ())),
                                    preferred_element_type=jnp.float32)


def _t0(deg_raw):
    return pl.pallas_call(
        _t0_body,
        out_shape=(jax.ShapeDtypeStruct((N, H), jnp.float32),
                   jax.ShapeDtypeStruct((1, N), jnp.float32)),
    )(deg_raw)


_RB = 1000


def _t1a_body(x_ref, w_ref, h_ref):
    h_ref[...] = jnp.dot(x_ref[...], w_ref[...],
                         preferred_element_type=jnp.float32)


def _t1a(x, W):
    return pl.pallas_call(
        _t1a_body,
        grid=(N // _RB,),
        in_specs=[
            pl.BlockSpec((_RB, F_IN), lambda i: (i, 0)),
            pl.BlockSpec((F_IN, H), lambda i: (0, 0)),
        ],
        out_specs=pl.BlockSpec((_RB, H), lambda i: (i, 0)),
        out_shape=jax.ShapeDtypeStruct((N, H), jnp.float32),
    )(x, W)


def _t2_body(disb_ref, g_ref, hs_ref, b_ref, wfc_ref, bfc_ref, out_ref):
    i = pl.program_id(0)

    @pl.when(i == 0)
    def _():
        out_ref[...] = jnp.zeros_like(out_ref)

    d = disb_ref[...]
    gsum = g_ref[0] + g_ref[1]
    o = jnp.maximum(d * gsum + d * d * hs_ref[...] + b_ref[...], 0.0)
    out_ref[...] = out_ref[...] + jnp.sum(o * wfc_ref[...])

    @pl.when(i == pl.num_programs(0) - 1)
    def _():
        acc = out_ref[...] + bfc_ref[...]
        out_ref[...] = 1.0 / (1.0 + jnp.exp(-acc))


def _t2(disb, g2, hs, b2, wfc2, bfc2):
    return pl.pallas_call(
        _t2_body,
        grid=(N // _RB,),
        in_specs=[
            pl.BlockSpec((_RB, H), lambda i: (i, 0)),
            pl.BlockSpec((NC, _RB, H), lambda i: (0, i, 0)),
            pl.BlockSpec((_RB, H), lambda i: (i, 0)),
            pl.BlockSpec((1, H), lambda i: (0, 0)),
            pl.BlockSpec((_RB, H), lambda i: (i, 0)),
            pl.BlockSpec((1, 1), lambda i: (0, 0)),
        ],
        out_specs=pl.BlockSpec((1, 1), lambda i: (0, 0)),
        out_shape=jax.ShapeDtypeStruct((1, 1), jnp.float32),
    )(disb, g2, hs, b2, wfc2, bfc2)


def kernel(x, edge_list, edge_attr, W, b, W_fc, b_fc):
    el4 = edge_list.reshape(2, NW, NCHUNK, CH)
    ew3 = edge_attr.reshape(NW, NCHUNK, CH)
    deg_raw = _deg_sc(el4, ew3)
    h = _t1a(x, W)
    disb, disrow = _t0(deg_raw)
    g2 = _agg_sc(el4, ew3, h, disrow)
    y = _t2(disb, g2, h, b.reshape(1, H),
            W_fc.reshape(N, H), b_fc.reshape(1, 1))
    return y.reshape(())

# --- scband reference (transcript-rebuilt; emitter-appended) ---
"""Pipeline reference for scband-discriminator-82471962018373 (READ-ONLY COPY).

The authoritative reference and input builder live on the scoring server;
editing this copy changes nothing except your own understanding.
"""

import jax, jax.numpy as jnp
import numpy as np

N = 10000
E = 320000
F_IN = 128
H = 64

def setup_inputs(seed: int = 0) -> dict:
    key = jax.random.key(seed)
    k1, k2, k3, k4, k5 = jax.random.split(key, 5)
    x = jax.random.normal(k1, (N, F_IN), dtype=jnp.float32)
    edge_list = jax.random.randint(k2, (2, E), 0, N, dtype=jnp.int32)
    edge_attr = jax.random.uniform(k3, (E,), dtype=jnp.float32)
    # GCNConv(F_IN, H) params: weight [F_IN, H] (x @ W convention), bias [H]
    W = jax.random.normal(k4, (F_IN, H), dtype=jnp.float32) * 0.05
    b = jnp.zeros((H,), dtype=jnp.float32)
    # fc: Linear(N*H, 1)
    W_fc = jax.random.normal(k5, (1, N * H), dtype=jnp.float32) * 0.001
    b_fc = jnp.zeros((1,), dtype=jnp.float32)
    return {"x": x, "edge_list": edge_list, "edge_attr": edge_attr,
            "W": W, "b": b, "W_fc": W_fc, "b_fc": b_fc}


def reference(x, edge_list, edge_attr, W, b, W_fc, b_fc):
    # GCNConv with edge weights (PyG semantics):
    # add self-loops (weight 1), symmetric gcn_norm, weighted scatter-add aggregation.
    n = x.shape[0]
    src = edge_list[0]
    dst = edge_list[1]
    loop = jnp.arange(n, dtype=src.dtype)
    src_f = jnp.concatenate([src, loop])
    dst_f = jnp.concatenate([dst, loop])
    ew = jnp.concatenate([edge_attr, jnp.ones((n,), dtype=edge_attr.dtype)])
    deg = jnp.zeros((n,), dtype=x.dtype).at[dst_f].add(ew)
    deg_inv_sqrt = jnp.where(deg > 0, 1.0 / jnp.sqrt(deg), 0.0)
    norm = deg_inv_sqrt[src_f] * ew * deg_inv_sqrt[dst_f]
    h = x @ W  # [N, H]
    msg = norm[:, None] * jnp.take(h, src_f, axis=0)
    out = jnp.zeros((n, H), dtype=x.dtype).at[dst_f].add(msg) + b
    # training=False: no gaussian noise, dropout is identity
    out = jax.nn.relu(out)
    flat = out.reshape(-1)  # flatten to [N*H]
    y = flat @ W_fc.T + b_fc  # [1]
    return jax.nn.sigmoid(y).squeeze()

if __name__ == "__main__":
    import jax
    _d = setup_inputs()
    print(jax.jit(kernel)(*tuple(_d.values())))

</pallas_src>

<mosaic_0001>
#map = affine_map<(d0, d1) -> (0, 0, 0, 0)>
#map1 = affine_map<(d0, d1) -> (0, 0, 0)>
#map2 = affine_map<(d0, d1) -> (0, 0)>
module attributes {stable_mosaic.version = 14 : i64} {
  func.func @_deg_sc(%arg0: i32, %arg1: i32, %arg2: memref<2x32x125x80xi32, #tpu.memory_space<hbm>>, %arg3: memref<32x125x80xf32, #tpu.memory_space<hbm>>, %arg4: memref<32x10000xf32, #tpu.memory_space<hbm>>, %arg5: memref<125x80xi32, #tpu.memory_space<vmem>>, %arg6: memref<125x80xf32, #tpu.memory_space<vmem>>, %arg7: memref<10000xf32, #tpu.memory_space<vmem>>) attributes {dimension_semantics = [#tpu.dimension_semantics<core_parallel>, #tpu.dimension_semantics<subcore_parallel>], iteration_bounds = array<i64: 2, 16>, scalar_prefetch = 0 : i64, scratch_operands = 3 : i64, tpu.core_type = #tpu.core_type<sc_vector_subcore>, window_params = [{transform_indices = #map}, {transform_indices = #map1}, {transform_indices = #map2}]} {
    %mul3A = arith.constant 2 : i32
    %mul3A_0 = arith.muli %arg1, %mul3A : i32
    %add3A = arith.addi %mul3A_0, %arg0 : i32
    %scan3A = arith.constant 0 : i32
    %scan3A_1 = arith.constant 0 : i32
    %scan3A_2 = arith.constant 625 : i32
    %scan3A_3 = arith.addi %scan3A_1, %scan3A_2 : i32
    %scan3A_4 = arith.constant 1 : i32
    scf.for %scan3A_8 = %scan3A_1 to %scan3A_3 step %scan3A_4  : i32 {
      %broadcast_in_dim3A = arith.constant 0.000000e+00 : f32
      %broadcast_in_dim3A_9 = vector.broadcast %broadcast_in_dim3A : f32 to vector<16xf32>
      %mul3A_10 = arith.constant 16 : i32
      %mul3A_11 = arith.muli %scan3A_8, %mul3A_10 : i32
      %swap3A = arith.index_cast %mul3A_11 : i32 to index
      %swap3A_12 = tpu.vector_load %arg7[%swap3A] {strides = array<i32>} : memref<10000xf32, #tpu.memory_space<vmem>>, vector<16xf32>,
      tpu.vector_store %arg7[%swap3A], %broadcast_in_dim3A_9 {strides = array<i32>} : memref<10000xf32, #tpu.memory_space<vmem>>, vector<16xf32>,
    }
    %scan3A_5 = arith.constant 625 : i32
    %run_scoped3A = arith.constant 1 : i32
    "tpu.region"() ({
      %run_scoped3A_8 = tpu.sem_alloc : memref<!tpu.dma_semaphore, #tpu.memory_space<semaphore_mem>>
      %dma_start3A = arith.constant 0 : i32
      %dma_start3A_9 = arith.constant 0 : i32
      %dma_start3A_10 = tpu.memref_slice %arg2[%run_scoped3A, %add3A, %dma_start3A, %dma_start3A_9] : memref<2x32x125x80xi32, #tpu.memory_space<hbm>> -> memref<1x1x125x80xi32, #tpu.memory_space<hbm>>
      %dma_start3A_11 = tpu.memref_squeeze %dma_start3A_10 : memref<1x1x125x80xi32, #tpu.memory_space<hbm>> -> memref<125x80xi32, #tpu.memory_space<hbm>>
      %dma_start3A_12 = arith.constant 0 : i32
      %dma_start3A_13 = arith.constant 0 : i32
      %dma_start3A_14 = tpu.memref_slice %arg2[%run_scoped3A, %add3A, %dma_start3A_12, %dma_start3A_13] : memref<2x32x125x80xi32, #tpu.memory_space<hbm>> -> memref<1x1x125x80xi32, #tpu.memory_space<hbm>>
      %dma_start3A_15 = tpu.memref_squeeze %dma_start3A_14 : memref<1x1x125x80xi32, #tpu.memory_space<hbm>> -> memref<125x80xi32, #tpu.memory_space<hbm>>
      tpu.enqueue_dma source(%dma_start3A_15 : memref<125x80xi32, #tpu.memory_space<hbm>>) target(%arg5 : memref<125x80xi32, #tpu.memory_space<vmem>>) target_semaphore(%run_scoped3A_8 : memref<!tpu.dma_semaphore, #tpu.memory_space<semaphore_mem>>)
      %dma_wait3A = arith.constant 0 : i32
      %dma_wait3A_16 = arith.constant 0 : i32
      %dma_wait3A_17 = tpu.memref_slice %arg2[%run_scoped3A, %add3A, %dma_wait3A, %dma_wait3A_16] : memref<2x32x125x80xi32, #tpu.memory_space<hbm>> -> memref<1x1x125x80xi32, #tpu.memory_space<hbm>>
      %dma_wait3A_18 = tpu.memref_squeeze %dma_wait3A_17 : memref<1x1x125x80xi32, #tpu.memory_space<hbm>> -> memref<125x80xi32, #tpu.memory_space<hbm>>
      %dma_wait3A_19 = arith.constant 0 : i32
      %dma_wait3A_20 = arith.constant 0 : i32
      %dma_wait3A_21 = tpu.memref_slice %arg2[%run_scoped3A, %add3A, %dma_wait3A_19, %dma_wait3A_20] : memref<2x32x125x80xi32, #tpu.memory_space<hbm>> -> memref<1x1x125x80xi32, #tpu.memory_space<hbm>>
      %dma_wait3A_22 = tpu.memref_squeeze %dma_wait3A_21 : memref<1x1x125x80xi32, #tpu.memory_space<hbm>> -> memref<125x80xi32, #tpu.memory_space<hbm>>
      tpu.wait_dma2 semaphore(%run_scoped3A_8 : memref<!tpu.dma_semaphore, #tpu.memory_space<semaphore_mem>>) src(%dma_wait3A_22 : memref<125x80xi32, #tpu.memory_space<hbm>>) dst(%arg5 : memref<125x80xi32, #tpu.memory_space<vmem>>)
      tpu.yield
    }) : () -> ()
    "tpu.region"() ({
      %run_scoped3A_8 = tpu.sem_alloc : memref<!tpu.dma_semaphore, #tpu.memory_space<semaphore_mem>>
      %dma_start3A = arith.constant 0 : i32
      %dma_start3A_9 = arith.constant 0 : i32
      %dma_start3A_10 = tpu.memref_slice %arg3[%add3A, %dma_start3A, %dma_start3A_9] : memref<32x125x80xf32, #tpu.memory_space<hbm>> -> memref<1x125x80xf32, #tpu.memory_space<hbm>>
      %dma_start3A_11 = tpu.memref_squeeze %dma_start3A_10 : memref<1x125x80xf32, #tpu.memory_space<hbm>> -> memref<125x80xf32, #tpu.memory_space<hbm>>
      %dma_start3A_12 = arith.constant 0 : i32
      %dma_start3A_13 = arith.constant 0 : i32
      %dma_start3A_14 = tpu.memref_slice %arg3[%add3A, %dma_start3A_12, %dma_start3A_13] : memref<32x125x80xf32, #tpu.memory_space<hbm>> -> memref<1x125x80xf32, #tpu.memory_space<hbm>>
      %dma_start3A_15 = tpu.memref_squeeze %dma_start3A_14 : memref<1x125x80xf32, #tpu.memory_space<hbm>> -> memref<125x80xf32, #tpu.memory_space<hbm>>
      tpu.enqueue_dma source(%dma_start3A_15 : memref<125x80xf32, #tpu.memory_space<hbm>>) target(%arg6 : memref<125x80xf32, #tpu.memory_space<vmem>>) target_semaphore(%run_scoped3A_8 : memref<!tpu.dma_semaphore, #tpu.memory_space<semaphore_mem>>)
      %dma_wait3A = arith.constant 0 : i32
      %dma_wait3A_16 = arith.constant 0 : i32
      %dma_wait3A_17 = tpu.memref_slice %arg3[%add3A, %dma_wait3A, %dma_wait3A_16] : memref<32x125x80xf32, #tpu.memory_space<hbm>> -> memref<1x125x80xf32, #tpu.memory_space<hbm>>
      %dma_wait3A_18 = tpu.memref_squeeze %dma_wait3A_17 : memref<1x125x80xf32, #tpu.memory_space<hbm>> -> memref<125x80xf32, #tpu.memory_space<hbm>>
      %dma_wait3A_19 = arith.constant 0 : i32
      %dma_wait3A_20 = arith.constant 0 : i32
      %dma_wait3A_21 = tpu.memref_slice %arg3[%add3A, %dma_wait3A_19, %dma_wait3A_20] : memref<32x125x80xf32, #tpu.memory_space<hbm>> -> memref<1x125x80xf32, #tpu.memory_space<hbm>>
      %dma_wait3A_22 = tpu.memref_squeeze %dma_wait3A_21 : memref<1x125x80xf32, #tpu.memory_space<hbm>> -> memref<125x80xf32, #tpu.memory_space<hbm>>
      tpu.wait_dma2 semaphore(%run_scoped3A_8 : memref<!tpu.dma_semaphore, #tpu.memory_space<semaphore_mem>>) src(%dma_wait3A_22 : memref<125x80xf32, #tpu.memory_space<hbm>>) dst(%arg6 : memref<125x80xf32, #tpu.memory_space<vmem>>)
      tpu.yield
    }) : () -> ()
    %parallel_loop3A = arith.constant 0 : i32
    %parallel_loop3A_6 = arith.constant 625 : i32
    %parallel_loop3A_7 = arith.constant 1 : i32
    scf.for %parallel_loop3A_8 = %parallel_loop3A to %parallel_loop3A_6 step %parallel_loop3A_7  : i32 {
      %parallel_loop3A_9 = arith.constant 5 : i32
      %parallel_loop3A_10 = arith.divsi %parallel_loop3A_8, %parallel_loop3A_9 : i32
      %parallel_loop3A_11 = arith.constant 0 : i32
      %parallel_loop3A_12 = arith.cmpi sgt, %parallel_loop3A_8, %parallel_loop3A_11 : i32
      %parallel_loop3A_13 = arith.extui %parallel_loop3A_12 : i1 to i32
      %parallel_loop3A_14 = arith.constant 0 : i32
      %parallel_loop3A_15 = arith.cmpi slt, %parallel_loop3A_8, %parallel_loop3A_14 : i32
      %parallel_loop3A_16 = arith.extui %parallel_loop3A_15 : i1 to i32
      %parallel_loop3A_17 = arith.subi %parallel_loop3A_13, %parallel_loop3A_16 : i32
      %parallel_loop3A_18 = arith.constant 0 : i32
      %parallel_loop3A_19 = arith.cmpi sgt, %parallel_loop3A_9, %parallel_loop3A_18 : i32
      %parallel_loop3A_20 = arith.extui %parallel_loop3A_19 : i1 to i32
      %parallel_loop3A_21 = arith.constant 0 : i32
      %parallel_loop3A_22 = arith.cmpi slt, %parallel_loop3A_9, %parallel_loop3A_21 : i32
      %parallel_loop3A_23 = arith.extui %parallel_loop3A_22 : i1 to i32
      %parallel_loop3A_24 = arith.subi %parallel_loop3A_20, %parallel_loop3A_23 : i32
      %parallel_loop3A_25 = arith.cmpi ne, %parallel_loop3A_17, %parallel_loop3A_24 : i32
      %parallel_loop3A_26 = arith.remsi %parallel_loop3A_8, %parallel_loop3A_9 : i32
      %parallel_loop3A_27 = arith.constant 0 : i32
      %parallel_loop3A_28 = arith.cmpi ne, %parallel_loop3A_26, %parallel_loop3A_27 : i32
      %parallel_loop3A_29 = arith.andi %parallel_loop3A_25, %parallel_loop3A_28 : i1
      %parallel_loop3A_30 = arith.constant 1 : i32
      %parallel_loop3A_31 = arith.subi %parallel_loop3A_10, %parallel_loop3A_30 : i32
      %parallel_loop3A_32 = arith.select %parallel_loop3A_29, %parallel_loop3A_31, %parallel_loop3A_10 : i32
      %parallel_loop3A_33 = arith.constant 5 : i32
      %parallel_loop3A_34 = arith.constant 0 : i32
      %parallel_loop3A_35 = arith.cmpi eq, %parallel_loop3A_33, %parallel_loop3A_34 : i32
      %parallel_loop3A_36 = arith.constant 1 : i32
      %parallel_loop3A_37 = arith.select %parallel_loop3A_35, %parallel_loop3A_36, %parallel_loop3A_33 : i32
      %parallel_loop3A_38 = arith.remsi %parallel_loop3A_8, %parallel_loop3A_37 : i32
      %parallel_loop3A_39 = arith.constant 0 : i32
      %parallel_loop3A_40 = arith.cmpi ne, %parallel_loop3A_38, %parallel_loop3A_39 : i32
      %parallel_loop3A_41 = arith.constant 0 : i32
      %parallel_loop3A_42 = arith.cmpi slt, %parallel_loop3A_38, %parallel_loop3A_41 : i32
      %parallel_loop3A_43 = arith.constant 0 : i32
      %parallel_loop3A_44 = arith.cmpi slt, %parallel_loop3A_37, %parallel_loop3A_43 : i32
      %parallel_loop3A_45 = arith.xori %parallel_loop3A_42, %parallel_loop3A_44 : i1
      %parallel_loop3A_46 = arith.andi %parallel_loop3A_45, %parallel_loop3A_40 : i1
      %parallel_loop3A_47 = arith.addi %parallel_loop3A_38, %parallel_loop3A_37 : i32
      %parallel_loop3A_48 = arith.select %parallel_loop3A_46, %parallel_loop3A_47, %parallel_loop3A_38 : i32
      %parallel_loop3A_49 = arith.constant 16 : i32
      %parallel_loop3A_50 = arith.muli %parallel_loop3A_48, %parallel_loop3A_49 : i32
      %parallel_loop3A_51 = arith.index_cast %parallel_loop3A_32 : i32 to index
      %parallel_loop3A_52 = arith.index_cast %parallel_loop3A_50 : i32 to index
      %parallel_loop3A_53 = tpu.vector_load %arg5[%parallel_loop3A_51, %parallel_loop3A_52] {strides = array<i32>} : memref<125x80xi32, #tpu.memory_space<vmem>>, vector<16xi32>,
      %parallel_loop3A_54 = arith.constant 16 : i32
      %parallel_loop3A_55 = arith.muli %parallel_loop3A_48, %parallel_loop3A_54 : i32
      %parallel_loop3A_56 = arith.index_cast %parallel_loop3A_32 : i32 to index
      %parallel_loop3A_57 = arith.index_cast %parallel_loop3A_55 : i32 to index
      %parallel_loop3A_58 = tpu.vector_load %arg6[%parallel_loop3A_56, %parallel_loop3A_57] {strides = array<i32>} : memref<125x80xf32, #tpu.memory_space<vmem>>, vector<16xf32>,
      tpu.vector_store_idx %arg7[%parallel_loop3A_53], %parallel_loop3A_58 {add = true} : memref<10000xf32, #tpu.memory_space<vmem>>[vector<16xi32>], vector<16xf32>,
    } {sc.loop_unroll_factor = 4 : i64, sc.parallel_access}
    "tpu.region"() ({
      %run_scoped3A_8 = tpu.sem_alloc : memref<!tpu.dma_semaphore, #tpu.memory_space<semaphore_mem>>
      %dma_start3A = arith.constant 0 : i32
      %dma_start3A_9 = tpu.memref_slice %arg4[%add3A, %dma_start3A] : memref<32x10000xf32, #tpu.memory_space<hbm>> -> memref<1x10000xf32, #tpu.memory_space<hbm>>
      %dma_start3A_10 = tpu.memref_squeeze %dma_start3A_9 : memref<1x10000xf32, #tpu.memory_space<hbm>> -> memref<10000xf32, #tpu.memory_space<hbm>>
      %dma_start3A_11 = arith.constant 0 : i32
      %dma_start3A_12 = tpu.memref_slice %arg4[%add3A, %dma_start3A_11] : memref<32x10000xf32, #tpu.memory_space<hbm>> -> memref<1x10000xf32, #tpu.memory_space<hbm>>
      %dma_start3A_13 = tpu.memref_squeeze %dma_start3A_12 : memref<1x10000xf32, #tpu.memory_space<hbm>> -> memref<10000xf32, #tpu.memory_space<hbm>>
      tpu.enqueue_dma source(%arg7 : memref<10000xf32, #tpu.memory_space<vmem>>) target(%dma_start3A_13 : memref<10000xf32, #tpu.memory_space<hbm>>) target_semaphore(%run_scoped3A_8 : memref<!tpu.dma_semaphore, #tpu.memory_space<semaphore_mem>>)
      %dma_wait3A = arith.constant 0 : i32
      %dma_wait3A_14 = tpu.memref_slice %arg4[%add3A, %dma_wait3A] : memref<32x10000xf32, #tpu.memory_space<hbm>> -> memref<1x10000xf32, #tpu.memory_space<hbm>>
      %dma_wait3A_15 = tpu.memref_squeeze %dma_wait3A_14 : memref<1x10000xf32, #tpu.memory_space<hbm>> -> memref<10000xf32, #tpu.memory_space<hbm>>
      %dma_wait3A_16 = arith.constant 0 : i32
      %dma_wait3A_17 = tpu.memref_slice %arg4[%add3A, %dma_wait3A_16] : memref<32x10000xf32, #tpu.memory_space<hbm>> -> memref<1x10000xf32, #tpu.memory_space<hbm>>
      %dma_wait3A_18 = tpu.memref_squeeze %dma_wait3A_17 : memref<1x10000xf32, #tpu.memory_space<hbm>> -> memref<10000xf32, #tpu.memory_space<hbm>>
      tpu.wait_dma2 semaphore(%run_scoped3A_8 : memref<!tpu.dma_semaphore, #tpu.memory_space<semaphore_mem>>) src(%arg7 : memref<10000xf32, #tpu.memory_space<vmem>>) dst(%dma_wait3A_18 : memref<10000xf32, #tpu.memory_space<hbm>>)
      tpu.yield
    }) : () -> ()
    return
  }
}

#map = affine_map<(d0, d1) -> (0, 0, 0, 0)>
#map1 = affine_map<(d0, d1) -> (0, 0, 0)>
#map2 = affine_map<(d0, d1) -> (0, 0)>
module attributes {stable_mosaic.version = 14 : i64} {
  func.func @_agg_sc(%arg0: i32, %arg1: i32, %arg2: memref<2x32x125x80xi32, #tpu.memory_space<hbm>>, %arg3: memref<32x125x80xf32, #tpu.memory_space<hbm>>, %arg4: memref<10000x64xf32, #tpu.memory_space<hbm>>, %arg5: memref<1x10000xf32, #tpu.memory_space<hbm>>, %arg6: memref<2x10240x64xf32, #tpu.memory_space<hbm>>, %arg7: memref<125x80xi32, #tpu.memory_space<vmem>>, %arg8: memref<125x80xi32, #tpu.memory_space<vmem>>, %arg9: memref<125x80xf32, #tpu.memory_space<vmem>>, %arg10: memref<10000xf32, #tpu.memory_space<vmem>>, %arg11: memref<80x64xf32, #tpu.memory_space<vmem>>, %arg12: memref<80x64xf32, #tpu.memory_space<vmem>>, %arg13: memref<80x64xf32, #tpu.memory_space<vmem>>, %arg14: memref<80x64xf32, #tpu.memory_space<vmem>>, %arg15: memref<10240x64xf32, #tpu.memory_space<vmem_shared>>, %arg16: memref<!tpu.dma_semaphore, #tpu.memory_space<semaphore_mem>>, %arg17: memref<!tpu.dma_semaphore, #tpu.memory_space<semaphore_mem>>, %arg18: memref<!tpu.dma_semaphore, #tpu.memory_space<semaphore_mem>>, %arg19: memref<!tpu.dma_semaphore, #tpu.memory_space<semaphore_mem>>, %arg20: memref<!tpu.dma_semaphore, #tpu.memory_space<semaphore_mem>>, %arg21: memref<!tpu.dma_semaphore, #tpu.memory_space<semaphore_mem>>, %arg22: memref<!tpu.dma_semaphore, #tpu.memory_space<semaphore_mem>>, %arg23: memref<!tpu.dma_semaphore, #tpu.memory_space<semaphore_mem>>) attributes {dimension_semantics = [#tpu.dimension_semantics<core_parallel>, #tpu.dimension_semantics<subcore_parallel>], iteration_bounds = array<i64: 2, 16>, scalar_prefetch = 0 : i64, scratch_operands = 17 : i64, tpu.core_type = #tpu.core_type<sc_vector_subcore>, window_params = [{transform_indices = #map}, {transform_indices = #map1}, {transform_indices = #map2}, {transform_indices = #map2}, {transform_indices = #map1}]} {
    %mul3A = arith.constant 2 : i32
    %mul3A_0 = arith.muli %arg1, %mul3A : i32
    %add3A = arith.addi %mul3A_0, %arg0 : i32
    %parallel_loop3A = arith.constant 0 : i32
    %parallel_loop3A_1 = arith.constant 80 : i32
    %parallel_loop3A_2 = arith.constant 1 : i32
    scf.for %parallel_loop3A_106 = %parallel_loop3A to %parallel_loop3A_1 step %parallel_loop3A_2  : i32 {
      %parallel_loop3A_107 = arith.constant 0.000000e+00 : f32
      %parallel_loop3A_108 = vector.broadcast %parallel_loop3A_107 : f32 to vector<16xf32>
      %parallel_loop3A_109 = arith.index_cast %parallel_loop3A_106 : i32 to index
      %parallel_loop3A_110 = arith.constant 0 : index
      %parallel_loop3A_111 = tpu.vector_load %arg11[%parallel_loop3A_109, %parallel_loop3A_110] {strides = array<i32>} : memref<80x64xf32, #tpu.memory_space<vmem>>, vector<16xf32>,
      tpu.vector_store %arg11[%parallel_loop3A_109, %parallel_loop3A_110], %parallel_loop3A_108 {strides = array<i32>} : memref<80x64xf32, #tpu.memory_space<vmem>>, vector<16xf32>,
      %parallel_loop3A_112 = arith.constant 0.000000e+00 : f32
      %parallel_loop3A_113 = vector.broadcast %parallel_loop3A_112 : f32 to vector<16xf32>
      %parallel_loop3A_114 = arith.index_cast %parallel_loop3A_106 : i32 to index
      %parallel_loop3A_115 = arith.constant 16 : index
      %parallel_loop3A_116 = tpu.vector_load %arg11[%parallel_loop3A_114, %parallel_loop3A_115] {strides = array<i32>} : memref<80x64xf32, #tpu.memory_space<vmem>>, vector<16xf32>,
      tpu.vector_store %arg11[%parallel_loop3A_114, %parallel_loop3A_115], %parallel_loop3A_113 {strides = array<i32>} : memref<80x64xf32, #tpu.memory_space<vmem>>, vector<16xf32>,
      %parallel_loop3A_117 = arith.constant 0.000000e+00 : f32
      %parallel_loop3A_118 = vector.broadcast %parallel_loop3A_117 : f32 to vector<16xf32>
      %parallel_loop3A_119 = arith.index_cast %parallel_loop3A_106 : i32 to index
      %parallel_loop3A_120 = arith.constant 32 : index
      %parallel_loop3A_121 = tpu.vector_load %arg11[%parallel_loop3A_119, %parallel_loop3A_120] {strides = array<i32>} : memref<80x64xf32, #tpu.memory_space<vmem>>, vector<16xf32>,
      tpu.vector_store %arg11[%parallel_loop3A_119, %parallel_loop3A_120], %parallel_loop3A_118 {strides = array<i32>} : memref<80x64xf32, #tpu.memory_space<vmem>>, vector<16xf32>,
      %parallel_loop3A_122 = arith.constant 0.000000e+00 : f32
      %parallel_loop3A_123 = vector.broadcast %parallel_loop3A_122 : f32 to vector<16xf32>
      %parallel_loop3A_124 = arith.index_cast %parallel_loop3A_106 : i32 to index
      %parallel_loop3A_125 = arith.constant 48 : index
      %parallel_loop3A_126 = tpu.vector_load %arg11[%parallel_loop3A_124, %parallel_loop3A_125] {strides = array<i32>} : memref<80x64xf32, #tpu.memory_space<vmem>>, vector<16xf32>,
      tpu.vector_store %arg11[%parallel_loop3A_124, %parallel_loop3A_125], %parallel_loop3A_123 {strides = array<i32>} : memref<80x64xf32, #tpu.memory_space<vmem>>, vector<16xf32>,
    } {sc.loop_unroll_factor = 4 : i64, sc.parallel_access}
    %mul3A_3 = arith.constant 640 : i32
    %mul3A_4 = arith.muli %arg1, %mul3A_3 : i32
    %add3A_5 = arith.constant 0 : i32
    %add3A_6 = arith.addi %mul3A_4, %add3A_5 : i32
    "tpu.region"() ({
      %run_scoped3A_106 = tpu.sem_alloc : memref<!tpu.dma_semaphore, #tpu.memory_space<semaphore_mem>>
      %dma_start3A_107 = arith.constant 0 : i32
      %dma_start3A_108 = tpu.memref_slice %arg15[%add3A_6, %dma_start3A_107] : memref<10240x64xf32, #tpu.memory_space<vmem_shared>> -> memref<80x64xf32, #tpu.memory_space<vmem_shared>>
      %dma_start3A_109 = arith.constant 0 : i32
      %dma_start3A_110 = tpu.memref_slice %arg15[%add3A_6, %dma_start3A_109] : memref<10240x64xf32, #tpu.memory_space<vmem_shared>> -> memref<80x64xf32, #tpu.memory_space<vmem_shared>>
      tpu.enqueue_dma source(%arg11 : memref<80x64xf32, #tpu.memory_space<vmem>>) target(%dma_start3A_110 : memref<80x64xf32, #tpu.memory_space<vmem_shared>>) target_semaphore(%run_scoped3A_106 : memref<!tpu.dma_semaphore, #tpu.memory_space<semaphore_mem>>)
      %dma_wait3A_111 = arith.constant 0 : i32
      %dma_wait3A_112 = tpu.memref_slice %arg15[%add3A_6, %dma_wait3A_111] : memref<10240x64xf32, #tpu.memory_space<vmem_shared>> -> memref<80x64xf32, #tpu.memory_space<vmem_shared>>
      %dma_wait3A_113 = arith.constant 0 : i32
      %dma_wait3A_114 = tpu.memref_slice %arg15[%add3A_6, %dma_wait3A_113] : memref<10240x64xf32, #tpu.memory_space<vmem_shared>> -> memref<80x64xf32, #tpu.memory_space<vmem_shared>>
      tpu.wait_dma2 semaphore(%run_scoped3A_106 : memref<!tpu.dma_semaphore, #tpu.memory_space<semaphore_mem>>) src(%arg11 : memref<80x64xf32, #tpu.memory_space<vmem>>) dst(%dma_wait3A_114 : memref<80x64xf32, #tpu.memory_space<vmem_shared>>)
      tpu.yield
    }) : () -> ()
    %mul3A_7 = arith.constant 640 : i32
    %mul3A_8 = arith.muli %arg1, %mul3A_7 : i32
    %add3A_9 = arith.constant 80 : i32
    %add3A_10 = arith.addi %mul3A_8, %add3A_9 : i32
    "tpu.region"() ({
      %run_scoped3A_106 = tpu.sem_alloc : memref<!tpu.dma_semaphore, #tpu.memory_space<semaphore_mem>>
      %dma_start3A_107 = arith.constant 0 : i32
      %dma_start3A_108 = tpu.memref_slice %arg15[%add3A_10, %dma_start3A_107] : memref<10240x64xf32, #tpu.memory_space<vmem_shared>> -> memref<80x64xf32, #tpu.memory_space<vmem_shared>>
      %dma_start3A_109 = arith.constant 0 : i32
      %dma_start3A_110 = tpu.memref_slice %arg15[%add3A_10, %dma_start3A_109] : memref<10240x64xf32, #tpu.memory_space<vmem_shared>> -> memref<80x64xf32, #tpu.memory_space<vmem_shared>>
      tpu.enqueue_dma source(%arg11 : memref<80x64xf32, #tpu.memory_space<vmem>>) target(%dma_start3A_110 : memref<80x64xf32, #tpu.memory_space<vmem_shared>>) target_semaphore(%run_scoped3A_106 : memref<!tpu.dma_semaphore, #tpu.memory_space<semaphore_mem>>)
      %dma_wait3A_111 = arith.constant 0 : i32
      %dma_wait3A_112 = tpu.memref_slice %arg15[%add3A_10, %dma_wait3A_111] : memref<10240x64xf32, #tpu.memory_space<vmem_shared>> -> memref<80x64xf32, #tpu.memory_space<vmem_shared>>
      %dma_wait3A_113 = arith.constant 0 : i32
      %dma_wait3A_114 = tpu.memref_slice %arg15[%add3A_10, %dma_wait3A_113] : memref<10240x64xf32, #tpu.memory_space<vmem_shared>> -> memref<80x64xf32, #tpu.memory_space<vmem_shared>>
      tpu.wait_dma2 semaphore(%run_scoped3A_106 : memref<!tpu.dma_semaphore, #tpu.memory_space<semaphore_mem>>) src(%arg11 : memref<80x64xf32, #tpu.memory_space<vmem>>) dst(%dma_wait3A_114 : memref<80x64xf32, #tpu.memory_space<vmem_shared>>)
      tpu.yield
    }) : () -> ()
    %mul3A_11 = arith.constant 640 : i32
    %mul3A_12 = arith.muli %arg1, %mul3A_11 : i32
    %add3A_13 = arith.constant 160 : i32
    %add3A_14 = arith.addi %mul3A_12, %add3A_13 : i32
    "tpu.region"() ({
      %run_scoped3A_106 = tpu.sem_alloc : memref<!tpu.dma_semaphore, #tpu.memory_space<semaphore_mem>>
      %dma_start3A_107 = arith.constant 0 : i32
      %dma_start3A_108 = tpu.memref_slice %arg15[%add3A_14, %dma_start3A_107] : memref<10240x64xf32, #tpu.memory_space<vmem_shared>> -> memref<80x64xf32, #tpu.memory_space<vmem_shared>>
      %dma_start3A_109 = arith.constant 0 : i32
      %dma_start3A_110 = tpu.memref_slice %arg15[%add3A_14, %dma_start3A_109] : memref<10240x64xf32, #tpu.memory_space<vmem_shared>> -> memref<80x64xf32, #tpu.memory_space<vmem_shared>>
      tpu.enqueue_dma source(%arg11 : memref<80x64xf32, #tpu.memory_space<vmem>>) target(%dma_start3A_110 : memref<80x64xf32, #tpu.memory_space<vmem_shared>>) target_semaphore(%run_scoped3A_106 : memref<!tpu.dma_semaphore, #tpu.memory_space<semaphore_mem>>)
      %dma_wait3A_111 = arith.constant 0 : i32
      %dma_wait3A_112 = tpu.memref_slice %arg15[%add3A_14, %dma_wait3A_111] : memref<10240x64xf32, #tpu.memory_space<vmem_shared>> -> memref<80x64xf32, #tpu.memory_space<vmem_shared>>
      %dma_wait3A_113 = arith.constant 0 : i32
      %dma_wait3A_114 = tpu.memref_slice %arg15[%add3A_14, %dma_wait3A_113] : memref<10240x64xf32, #tpu.memory_space<vmem_shared>> -> memref<80x64xf32, #tpu.memory_space<vmem_shared>>
      tpu.wait_dma2 semaphore(%run_scoped3A_106 : memref<!tpu.dma_semaphore, #tpu.memory_space<semaphore_mem>>) src(%arg11 : memref<80x64xf32, #tpu.memory_space<vmem>>) dst(%dma_wait3A_114 : memref<80x64xf32, #tpu.memory_space<vmem_shared>>)
      tpu.yield
    }) : () -> ()
    %mul3A_15 = arith.constant 640 : i32
    %mul3A_16 = arith.muli %arg1, %mul3A_15 : i32
    %add3A_17 = arith.constant 240 : i32
    %add3A_18 = arith.addi %mul3A_16, %add3A_17 : i32
    "tpu.region"() ({
      %run_scoped3A_106 = tpu.sem_alloc : memref<!tpu.dma_semaphore, #tpu.memory_space<semaphore_mem>>
      %dma_start3A_107 = arith.constant 0 : i32
      %dma_start3A_108 = tpu.memref_slice %arg15[%add3A_18, %dma_start3A_107] : memref<10240x64xf32, #tpu.memory_space<vmem_shared>> -> memref<80x64xf32, #tpu.memory_space<vmem_shared>>
      %dma_start3A_109 = arith.constant 0 : i32
      %dma_start3A_110 = tpu.memref_slice %arg15[%add3A_18, %dma_start3A_109] : memref<10240x64xf32, #tpu.memory_space<vmem_shared>> -> memref<80x64xf32, #tpu.memory_space<vmem_shared>>
      tpu.enqueue_dma source(%arg11 : memref<80x64xf32, #tpu.memory_space<vmem>>) target(%dma_start3A_110 : memref<80x64xf32, #tpu.memory_space<vmem_shared>>) target_semaphore(%run_scoped3A_106 : memref<!tpu.dma_semaphore, #tpu.memory_space<semaphore_mem>>)
      %dma_wait3A_111 = arith.constant 0 : i32
      %dma_wait3A_112 = tpu.memref_slice %arg15[%add3A_18, %dma_wait3A_111] : memref<10240x64xf32, #tpu.memory_space<vmem_shared>> -> memref<80x64xf32, #tpu.memory_space<vmem_shared>>
      %dma_wait3A_113 = arith.constant 0 : i32
      %dma_wait3A_114 = tpu.memref_slice %arg15[%add3A_18, %dma_wait3A_113] : memref<10240x64xf32, #tpu.memory_space<vmem_shared>> -> memref<80x64xf32, #tpu.memory_space<vmem_shared>>
      tpu.wait_dma2 semaphore(%run_scoped3A_106 : memref<!tpu.dma_semaphore, #tpu.memory_space<semaphore_mem>>) src(%arg11 : memref<80x64xf32, #tpu.memory_space<vmem>>) dst(%dma_wait3A_114 : memref<80x64xf32, #tpu.memory_space<vmem_shared>>)
      tpu.yield
    }) : () -> ()
    %mul3A_19 = arith.constant 640 : i32
    %mul3A_20 = arith.muli %arg1, %mul3A_19 : i32
    %add3A_21 = arith.constant 320 : i32
    %add3A_22 = arith.addi %mul3A_20, %add3A_21 : i32
    "tpu.region"() ({
      %run_scoped3A_106 = tpu.sem_alloc : memref<!tpu.dma_semaphore, #tpu.memory_space<semaphore_mem>>
      %dma_start3A_107 = arith.constant 0 : i32
      %dma_start3A_108 = tpu.memref_slice %arg15[%add3A_22, %dma_start3A_107] : memref<10240x64xf32, #tpu.memory_space<vmem_shared>> -> memref<80x64xf32, #tpu.memory_space<vmem_shared>>
      %dma_start3A_109 = arith.constant 0 : i32
      %dma_start3A_110 = tpu.memref_slice %arg15[%add3A_22, %dma_start3A_109] : memref<10240x64xf32, #tpu.memory_space<vmem_shared>> -> memref<80x64xf32, #tpu.memory_space<vmem_shared>>
      tpu.enqueue_dma source(%arg11 : memref<80x64xf32, #tpu.memory_space<vmem>>) target(%dma_start3A_110 : memref<80x64xf32, #tpu.memory_space<vmem_shared>>) target_semaphore(%run_scoped3A_106 : memref<!tpu.dma_semaphore, #tpu.memory_space<semaphore_mem>>)
      %dma_wait3A_111 = arith.constant 0 : i32
      %dma_wait3A_112 = tpu.memref_slice %arg15[%add3A_22, %dma_wait3A_111] : memref<10240x64xf32, #tpu.memory_space<vmem_shared>> -> memref<80x64xf32, #tpu.memory_space<vmem_shared>>
      %dma_wait3A_113 = arith.constant 0 : i32
      %dma_wait3A_114 = tpu.memref_slice %arg15[%add3A_22, %dma_wait3A_113] : memref<10240x64xf32, #tpu.memory_space<vmem_shared>> -> memref<80x64xf32, #tpu.memory_space<vmem_shared>>
      tpu.wait_dma2 semaphore(%run_scoped3A_106 : memref<!tpu.dma_semaphore, #tpu.memory_space<semaphore_mem>>) src(%arg11 : memref<80x64xf32, #tpu.memory_space<vmem>>) dst(%dma_wait3A_114 : memref<80x64xf32, #tpu.memory_space<vmem_shared>>)
      tpu.yield
    }) : () -> ()
    %mul3A_23 = arith.constant 640 : i32
    %mul3A_24 = arith.muli %arg1, %mul3A_23 : i32
    %add3A_25 = arith.constant 400 : i32
    %add3A_26 = arith.addi %mul3A_24, %add3A_25 : i32
    "tpu.region"() ({
      %run_scoped3A_106 = tpu.sem_alloc : memref<!tpu.dma_semaphore, #tpu.memory_space<semaphore_mem>>
      %dma_start3A_107 = arith.constant 0 : i32
      %dma_start3A_108 = tpu.memref_slice %arg15[%add3A_26, %dma_start3A_107] : memref<10240x64xf32, #tpu.memory_space<vmem_shared>> -> memref<80x64xf32, #tpu.memory_space<vmem_shared>>
      %dma_start3A_109 = arith.constant 0 : i32
      %dma_start3A_110 = tpu.memref_slice %arg15[%add3A_26, %dma_start3A_109] : memref<10240x64xf32, #tpu.memory_space<vmem_shared>> -> memref<80x64xf32, #tpu.memory_space<vmem_shared>>
      tpu.enqueue_dma source(%arg11 : memref<80x64xf32, #tpu.memory_space<vmem>>) target(%dma_start3A_110 : memref<80x64xf32, #tpu.memory_space<vmem_shared>>) target_semaphore(%run_scoped3A_106 : memref<!tpu.dma_semaphore, #tpu.memory_space<semaphore_mem>>)
      %dma_wait3A_111 = arith.constant 0 : i32
      %dma_wait3A_112 = tpu.memref_slice %arg15[%add3A_26, %dma_wait3A_111] : memref<10240x64xf32, #tpu.memory_space<vmem_shared>> -> memref<80x64xf32, #tpu.memory_space<vmem_shared>>
      %dma_wait3A_113 = arith.constant 0 : i32
      %dma_wait3A_114 = tpu.memref_slice %arg15[%add3A_26, %dma_wait3A_113] : memref<10240x64xf32, #tpu.memory_space<vmem_shared>> -> memref<80x64xf32, #tpu.memory_space<vmem_shared>>
      tpu.wait_dma2 semaphore(%run_scoped3A_106 : memref<!tpu.dma_semaphore, #tpu.memory_space<semaphore_mem>>) src(%arg11 : memref<80x64xf32, #tpu.memory_space<vmem>>) dst(%dma_wait3A_114 : memref<80x64xf32, #tpu.memory_space<vmem_shared>>)
      tpu.yield
    }) : () -> ()
    %mul3A_27 = arith.constant 640 : i32
    %mul3A_28 = arith.muli %arg1, %mul3A_27 : i32
    %add3A_29 = arith.constant 480 : i32
    %add3A_30 = arith.addi %mul3A_28, %add3A_29 : i32
    "tpu.region"() ({
      %run_scoped3A_106 = tpu.sem_alloc : memref<!tpu.dma_semaphore, #tpu.memory_space<semaphore_mem>>
      %dma_start3A_107 = arith.constant 0 : i32
      %dma_start3A_108 = tpu.memref_slice %arg15[%add3A_30, %dma_start3A_107] : memref<10240x64xf32, #tpu.memory_space<vmem_shared>> -> memref<80x64xf32, #tpu.memory_space<vmem_shared>>
      %dma_start3A_109 = arith.constant 0 : i32
      %dma_start3A_110 = tpu.memref_slice %arg15[%add3A_30, %dma_start3A_109] : memref<10240x64xf32, #tpu.memory_space<vmem_shared>> -> memref<80x64xf32, #tpu.memory_space<vmem_shared>>
      tpu.enqueue_dma source(%arg11 : memref<80x64xf32, #tpu.memory_space<vmem>>) target(%dma_start3A_110 : memref<80x64xf32, #tpu.memory_space<vmem_shared>>) target_semaphore(%run_scoped3A_106 : memref<!tpu.dma_semaphore, #tpu.memory_space<semaphore_mem>>)
      %dma_wait3A_111 = arith.constant 0 : i32
      %dma_wait3A_112 = tpu.memref_slice %arg15[%add3A_30, %dma_wait3A_111] : memref<10240x64xf32, #tpu.memory_space<vmem_shared>> -> memref<80x64xf32, #tpu.memory_space<vmem_shared>>
      %dma_wait3A_113 = arith.constant 0 : i32
      %dma_wait3A_114 = tpu.memref_slice %arg15[%add3A_30, %dma_wait3A_113] : memref<10240x64xf32, #tpu.memory_space<vmem_shared>> -> memref<80x64xf32, #tpu.memory_space<vmem_shared>>
      tpu.wait_dma2 semaphore(%run_scoped3A_106 : memref<!tpu.dma_semaphore, #tpu.memory_space<semaphore_mem>>) src(%arg11 : memref<80x64xf32, #tpu.memory_space<vmem>>) dst(%dma_wait3A_114 : memref<80x64xf32, #tpu.memory_space<vmem_shared>>)
      tpu.yield
    }) : () -> ()
    %mul3A_31 = arith.constant 640 : i32
    %mul3A_32 = arith.muli %arg1, %mul3A_31 : i32
    %add3A_33 = arith.constant 560 : i32
    %add3A_34 = arith.addi %mul3A_32, %add3A_33 : i32
    "tpu.region"() ({
      %run_scoped3A_106 = tpu.sem_alloc : memref<!tpu.dma_semaphore, #tpu.memory_space<semaphore_mem>>
      %dma_start3A_107 = arith.constant 0 : i32
      %dma_start3A_108 = tpu.memref_slice %arg15[%add3A_34, %dma_start3A_107] : memref<10240x64xf32, #tpu.memory_space<vmem_shared>> -> memref<80x64xf32, #tpu.memory_space<vmem_shared>>
      %dma_start3A_109 = arith.constant 0 : i32
      %dma_start3A_110 = tpu.memref_slice %arg15[%add3A_34, %dma_start3A_109] : memref<10240x64xf32, #tpu.memory_space<vmem_shared>> -> memref<80x64xf32, #tpu.memory_space<vmem_shared>>
      tpu.enqueue_dma source(%arg11 : memref<80x64xf32, #tpu.memory_space<vmem>>) target(%dma_start3A_110 : memref<80x64xf32, #tpu.memory_space<vmem_shared>>) target_semaphore(%run_scoped3A_106 : memref<!tpu.dma_semaphore, #tpu.memory_space<semaphore_mem>>)
      %dma_wait3A_111 = arith.constant 0 : i32
      %dma_wait3A_112 = tpu.memref_slice %arg15[%add3A_34, %dma_wait3A_111] : memref<10240x64xf32, #tpu.memory_space<vmem_shared>> -> memref<80x64xf32, #tpu.memory_space<vmem_shared>>
      %dma_wait3A_113 = arith.constant 0 : i32
      %dma_wait3A_114 = tpu.memref_slice %arg15[%add3A_34, %dma_wait3A_113] : memref<10240x64xf32, #tpu.memory_space<vmem_shared>> -> memref<80x64xf32, #tpu.memory_space<vmem_shared>>
      tpu.wait_dma2 semaphore(%run_scoped3A_106 : memref<!tpu.dma_semaphore, #tpu.memory_space<semaphore_mem>>) src(%arg11 : memref<80x64xf32, #tpu.memory_space<vmem>>) dst(%dma_wait3A_114 : memref<80x64xf32, #tpu.memory_space<vmem_shared>>)
      tpu.yield
    }) : () -> ()
    %run_scoped3A = arith.constant 0 : i32
    "tpu.region"() ({
      %run_scoped3A_106 = tpu.sem_alloc : memref<!tpu.dma_semaphore, #tpu.memory_space<semaphore_mem>>
      %dma_start3A_107 = arith.constant 0 : i32
      %dma_start3A_108 = arith.constant 0 : i32
      %dma_start3A_109 = tpu.memref_slice %arg2[%run_scoped3A, %add3A, %dma_start3A_107, %dma_start3A_108] : memref<2x32x125x80xi32, #tpu.memory_space<hbm>> -> memref<1x1x125x80xi32, #tpu.memory_space<hbm>>
      %dma_start3A_110 = tpu.memref_squeeze %dma_start3A_109 : memref<1x1x125x80xi32, #tpu.memory_space<hbm>> -> memref<125x80xi32, #tpu.memory_space<hbm>>
      %dma_start3A_111 = arith.constant 0 : i32
      %dma_start3A_112 = arith.constant 0 : i32
      %dma_start3A_113 = tpu.memref_slice %arg2[%run_scoped3A, %add3A, %dma_start3A_111, %dma_start3A_112] : memref<2x32x125x80xi32, #tpu.memory_space<hbm>> -> memref<1x1x125x80xi32, #tpu.memory_space<hbm>>
      %dma_start3A_114 = tpu.memref_squeeze %dma_start3A_113 : memref<1x1x125x80xi32, #tpu.memory_space<hbm>> -> memref<125x80xi32, #tpu.memory_space<hbm>>
      tpu.enqueue_dma source(%dma_start3A_114 : memref<125x80xi32, #tpu.memory_space<hbm>>) target(%arg7 : memref<125x80xi32, #tpu.memory_space<vmem>>) target_semaphore(%run_scoped3A_106 : memref<!tpu.dma_semaphore, #tpu.memory_space<semaphore_mem>>)
      %dma_wait3A_115 = arith.constant 0 : i32
      %dma_wait3A_116 = arith.constant 0 : i32
      %dma_wait3A_117 = tpu.memref_slice %arg2[%run_scoped3A, %add3A, %dma_wait3A_115, %dma_wait3A_116] : memref<2x32x125x80xi32, #tpu.memory_space<hbm>> -> memref<1x1x125x80xi32, #tpu.memory_space<hbm>>
      %dma_wait3A_118 = tpu.memref_squeeze %dma_wait3A_117 : memref<1x1x125x80xi32, #tpu.memory_space<hbm>> -> memref<125x80xi32, #tpu.memory_space<hbm>>
      %dma_wait3A_119 = arith.constant 0 : i32
      %dma_wait3A_120 = arith.constant 0 : i32
      %dma_wait3A_121 = tpu.memref_slice %arg2[%run_scoped3A, %add3A, %dma_wait3A_119, %dma_wait3A_120] : memref<2x32x125x80xi32, #tpu.memory_space<hbm>> -> memref<1x1x125x80xi32, #tpu.memory_space<hbm>>
      %dma_wait3A_122 = tpu.memref_squeeze %dma_wait3A_121 : memref<1x1x125x80xi32, #tpu.memory_space<hbm>> -> memref<125x80xi32, #tpu.memory_space<hbm>>
      tpu.wait_dma2 semaphore(%run_scoped3A_106 : memref<!tpu.dma_semaphore, #tpu.memory_space<semaphore_mem>>) src(%dma_wait3A_122 : memref<125x80xi32, #tpu.memory_space<hbm>>) dst(%arg7 : memref<125x80xi32, #tpu.memory_space<vmem>>)
      tpu.yield
    }) : () -> ()
    %run_scoped3A_35 = arith.constant 1 : i32
    "tpu.region"() ({
      %run_scoped3A_106 = tpu.sem_alloc : memref<!tpu.dma_semaphore, #tpu.memory_space<semaphore_mem>>
      %dma_start3A_107 = arith.constant 0 : i32
      %dma_start3A_108 = arith.constant 0 : i32
      %dma_start3A_109 = tpu.memref_slice %arg2[%run_scoped3A_35, %add3A, %dma_start3A_107, %dma_start3A_108] : memref<2x32x125x80xi32, #tpu.memory_space<hbm>> -> memref<1x1x125x80xi32, #tpu.memory_space<hbm>>
      %dma_start3A_110 = tpu.memref_squeeze %dma_start3A_109 : memref<1x1x125x80xi32, #tpu.memory_space<hbm>> -> memref<125x80xi32, #tpu.memory_space<hbm>>
      %dma_start3A_111 = arith.constant 0 : i32
      %dma_start3A_112 = arith.constant 0 : i32
      %dma_start3A_113 = tpu.memref_slice %arg2[%run_scoped3A_35, %add3A, %dma_start3A_111, %dma_start3A_112] : memref<2x32x125x80xi32, #tpu.memory_space<hbm>> -> memref<1x1x125x80xi32, #tpu.memory_space<hbm>>
      %dma_start3A_114 = tpu.memref_squeeze %dma_start3A_113 : memref<1x1x125x80xi32, #tpu.memory_space<hbm>> -> memref<125x80xi32, #tpu.memory_space<hbm>>
      tpu.enqueue_dma source(%dma_start3A_114 : memref<125x80xi32, #tpu.memory_space<hbm>>) target(%arg8 : memref<125x80xi32, #tpu.memory_space<vmem>>) target_semaphore(%run_scoped3A_106 : memref<!tpu.dma_semaphore, #tpu.memory_space<semaphore_mem>>)
      %dma_wait3A_115 = arith.constant 0 : i32
      %dma_wait3A_116 = arith.constant 0 : i32
      %dma_wait3A_117 = tpu.memref_slice %arg2[%run_scoped3A_35, %add3A, %dma_wait3A_115, %dma_wait3A_116] : memref<2x32x125x80xi32, #tpu.memory_space<hbm>> -> memref<1x1x125x80xi32, #tpu.memory_space<hbm>>
      %dma_wait3A_118 = tpu.memref_squeeze %dma_wait3A_117 : memref<1x1x125x80xi32, #tpu.memory_space<hbm>> -> memref<125x80xi32, #tpu.memory_space<hbm>>
      %dma_wait3A_119 = arith.constant 0 : i32
      %dma_wait3A_120 = arith.constant 0 : i32
      %dma_wait3A_121 = tpu.memref_slice %arg2[%run_scoped3A_35, %add3A, %dma_wait3A_119, %dma_wait3A_120] : memref<2x32x125x80xi32, #tpu.memory_space<hbm>> -> memref<1x1x125x80xi32, #tpu.memory_space<hbm>>
      %dma_wait3A_122 = tpu.memref_squeeze %dma_wait3A_121 : memref<1x1x125x80xi32, #tpu.memory_space<hbm>> -> memref<125x80xi32, #tpu.memory_space<hbm>>
      tpu.wait_dma2 semaphore(%run_scoped3A_106 : memref<!tpu.dma_semaphore, #tpu.memory_space<semaphore_mem>>) src(%dma_wait3A_122 : memref<125x80xi32, #tpu.memory_space<hbm>>) dst(%arg8 : memref<125x80xi32, #tpu.memory_space<vmem>>)
      tpu.yield
    }) : () -> ()
    "tpu.region"() ({
      %run_scoped3A_106 = tpu.sem_alloc : memref<!tpu.dma_semaphore, #tpu.memory_space<semaphore_mem>>
      %dma_start3A_107 = arith.constant 0 : i32
      %dma_start3A_108 = arith.constant 0 : i32
      %dma_start3A_109 = tpu.memref_slice %arg3[%add3A, %dma_start3A_107, %dma_start3A_108] : memref<32x125x80xf32, #tpu.memory_space<hbm>> -> memref<1x125x80xf32, #tpu.memory_space<hbm>>
      %dma_start3A_110 = tpu.memref_squeeze %dma_start3A_109 : memref<1x125x80xf32, #tpu.memory_space<hbm>> -> memref<125x80xf32, #tpu.memory_space<hbm>>
      %dma_start3A_111 = arith.constant 0 : i32
      %dma_start3A_112 = arith.constant 0 : i32
      %dma_start3A_113 = tpu.memref_slice %arg3[%add3A, %dma_start3A_111, %dma_start3A_112] : memref<32x125x80xf32, #tpu.memory_space<hbm>> -> memref<1x125x80xf32, #tpu.memory_space<hbm>>
      %dma_start3A_114 = tpu.memref_squeeze %dma_start3A_113 : memref<1x125x80xf32, #tpu.memory_space<hbm>> -> memref<125x80xf32, #tpu.memory_space<hbm>>
      tpu.enqueue_dma source(%dma_start3A_114 : memref<125x80xf32, #tpu.memory_space<hbm>>) target(%arg9 : memref<125x80xf32, #tpu.memory_space<vmem>>) target_semaphore(%run_scoped3A_106 : memref<!tpu.dma_semaphore, #tpu.memory_space<semaphore_mem>>)
      %dma_wait3A_115 = arith.constant 0 : i32
      %dma_wait3A_116 = arith.constant 0 : i32
      %dma_wait3A_117 = tpu.memref_slice %arg3[%add3A, %dma_wait3A_115, %dma_wait3A_116] : memref<32x125x80xf32, #tpu.memory_space<hbm>> -> memref<1x125x80xf32, #tpu.memory_space<hbm>>
      %dma_wait3A_118 = tpu.memref_squeeze %dma_wait3A_117 : memref<1x125x80xf32, #tpu.memory_space<hbm>> -> memref<125x80xf32, #tpu.memory_space<hbm>>
      %dma_wait3A_119 = arith.constant 0 : i32
      %dma_wait3A_120 = arith.constant 0 : i32
      %dma_wait3A_121 = tpu.memref_slice %arg3[%add3A, %dma_wait3A_119, %dma_wait3A_120] : memref<32x125x80xf32, #tpu.memory_space<hbm>> -> memref<1x125x80xf32, #tpu.memory_space<hbm>>
      %dma_wait3A_122 = tpu.memref_squeeze %dma_wait3A_121 : memref<1x125x80xf32, #tpu.memory_space<hbm>> -> memref<125x80xf32, #tpu.memory_space<hbm>>
      tpu.wait_dma2 semaphore(%run_scoped3A_106 : memref<!tpu.dma_semaphore, #tpu.memory_space<semaphore_mem>>) src(%dma_wait3A_122 : memref<125x80xf32, #tpu.memory_space<hbm>>) dst(%arg9 : memref<125x80xf32, #tpu.memory_space<vmem>>)
      tpu.yield
    }) : () -> ()
    %run_scoped3A_36 = arith.constant 0 : i32
    "tpu.region"() ({
      %run_scoped3A_106 = tpu.sem_alloc : memref<!tpu.dma_semaphore, #tpu.memory_space<semaphore_mem>>
      %dma_start3A_107 = arith.constant 0 : i32
      %dma_start3A_108 = tpu.memref_slice %arg5[%run_scoped3A_36, %dma_start3A_107] : memref<1x10000xf32, #tpu.memory_space<hbm>> -> memref<1x10000xf32, #tpu.memory_space<hbm>>
      %dma_start3A_109 = tpu.memref_squeeze %dma_start3A_108 : memref<1x10000xf32, #tpu.memory_space<hbm>> -> memref<10000xf32, #tpu.memory_space<hbm>>
      %dma_start3A_110 = arith.constant 0 : i32
      %dma_start3A_111 = tpu.memref_slice %arg5[%run_scoped3A_36, %dma_start3A_110] : memref<1x10000xf32, #tpu.memory_space<hbm>> -> memref<1x10000xf32, #tpu.memory_space<hbm>>
      %dma_start3A_112 = tpu.memref_squeeze %dma_start3A_111 : memref<1x10000xf32, #tpu.memory_space<hbm>> -> memref<10000xf32, #tpu.memory_space<hbm>>
      tpu.enqueue_dma source(%dma_start3A_112 : memref<10000xf32, #tpu.memory_space<hbm>>) target(%arg10 : memref<10000xf32, #tpu.memory_space<vmem>>) target_semaphore(%run_scoped3A_106 : memref<!tpu.dma_semaphore, #tpu.memory_space<semaphore_mem>>)
      %dma_wait3A_113 = arith.constant 0 : i32
      %dma_wait3A_114 = tpu.memref_slice %arg5[%run_scoped3A_36, %dma_wait3A_113] : memref<1x10000xf32, #tpu.memory_space<hbm>> -> memref<1x10000xf32, #tpu.memory_space<hbm>>
      %dma_wait3A_115 = tpu.memref_squeeze %dma_wait3A_114 : memref<1x10000xf32, #tpu.memory_space<hbm>> -> memref<10000xf32, #tpu.memory_space<hbm>>
      %dma_wait3A_116 = arith.constant 0 : i32
      %dma_wait3A_117 = tpu.memref_slice %arg5[%run_scoped3A_36, %dma_wait3A_116] : memref<1x10000xf32, #tpu.memory_space<hbm>> -> memref<1x10000xf32, #tpu.memory_space<hbm>>
      %dma_wait3A_118 = tpu.memref_squeeze %dma_wait3A_117 : memref<1x10000xf32, #tpu.memory_space<hbm>> -> memref<10000xf32, #tpu.memory_space<hbm>>
      tpu.wait_dma2 semaphore(%run_scoped3A_106 : memref<!tpu.dma_semaphore, #tpu.memory_space<semaphore_mem>>) src(%dma_wait3A_118 : memref<10000xf32, #tpu.memory_space<hbm>>) dst(%arg10 : memref<10000xf32, #tpu.memory_space<vmem>>)
      tpu.yield
    }) : () -> ()
    %barrier3A = arith.constant 0 : index
    tpu.barrier barrier_id(%barrier3A)
    %dma_start3A = arith.constant 0 : i32
    %dma_start3A_37 = arith.constant 0 : i32
    %dma_start3A_38 = tpu.memref_slice %arg7[%dma_start3A, %dma_start3A_37] : memref<125x80xi32, #tpu.memory_space<vmem>> -> memref<1x80xi32, #tpu.memory_space<vmem>>
    %dma_start3A_39 = tpu.memref_squeeze %dma_start3A_38 : memref<1x80xi32, #tpu.memory_space<vmem>> -> memref<80xi32, #tpu.memory_space<vmem>>
    %dma_start3A_40 = arith.constant 0 : i32
    %dma_start3A_41 = arith.constant 0 : i32
    %dma_start3A_42 = tpu.memref_slice %arg4[%dma_start3A_40, %dma_start3A_41] : memref<10000x64xf32, #tpu.memory_space<hbm>> -> memref<10000x64xf32, #tpu.memory_space<hbm>>
    tpu.enqueue_indirect_dma source(%dma_start3A_42 : memref<10000x64xf32, #tpu.memory_space<hbm>>) target(%arg11 : memref<80x64xf32, #tpu.memory_space<vmem>>) offsets(%dma_start3A_39 : memref<80xi32, #tpu.memory_space<vmem>>) semaphore(%arg16 : memref<!tpu.dma_semaphore, #tpu.memory_space<semaphore_mem>>)
    %dma_start3A_43 = arith.constant 1 : i32
    %dma_start3A_44 = arith.constant 0 : i32
    %dma_start3A_45 = tpu.memref_slice %arg7[%dma_start3A_43, %dma_start3A_44] : memref<125x80xi32, #tpu.memory_space<vmem>> -> memref<1x80xi32, #tpu.memory_space<vmem>>
    %dma_start3A_46 = tpu.memref_squeeze %dma_start3A_45 : memref<1x80xi32, #tpu.memory_space<vmem>> -> memref<80xi32, #tpu.memory_space<vmem>>
    %dma_start3A_47 = arith.constant 0 : i32
    %dma_start3A_48 = arith.constant 0 : i32
    %dma_start3A_49 = tpu.memref_slice %arg4[%dma_start3A_47, %dma_start3A_48] : memref<10000x64xf32, #tpu.memory_space<hbm>> -> memref<10000x64xf32, #tpu.memory_space<hbm>>
    tpu.enqueue_indirect_dma source(%dma_start3A_49 : memref<10000x64xf32, #tpu.memory_space<hbm>>) target(%arg12 : memref<80x64xf32, #tpu.memory_space<vmem>>) offsets(%dma_start3A_46 : memref<80xi32, #tpu.memory_space<vmem>>) semaphore(%arg17 : memref<!tpu.dma_semaphore, #tpu.memory_space<semaphore_mem>>)
    %dma_start3A_50 = arith.constant 2 : i32
    %dma_start3A_51 = arith.constant 0 : i32
    %dma_start3A_52 = tpu.memref_slice %arg7[%dma_start3A_50, %dma_start3A_51] : memref<125x80xi32, #tpu.memory_space<vmem>> -> memref<1x80xi32, #tpu.memory_space<vmem>>
    %dma_start3A_53 = tpu.memref_squeeze %dma_start3A_52 : memref<1x80xi32, #tpu.memory_space<vmem>> -> memref<80xi32, #tpu.memory_space<vmem>>
    %dma_start3A_54 = arith.constant 0 : i32
    %dma_start3A_55 = arith.constant 0 : i32
    %dma_start3A_56 = tpu.memref_slice %arg4[%dma_start3A_54, %dma_start3A_55] : memref<10000x64xf32, #tpu.memory_space<hbm>> -> memref<10000x64xf32, #tpu.memory_space<hbm>>
    tpu.enqueue_indirect_dma source(%dma_start3A_56 : memref<10000x64xf32, #tpu.memory_space<hbm>>) target(%arg13 : memref<80x64xf32, #tpu.memory_space<vmem>>) offsets(%dma_start3A_53 : memref<80xi32, #tpu.memory_space<vmem>>) semaphore(%arg18 : memref<!tpu.dma_semaphore, #tpu.memory_space<semaphore_mem>>)
    %scan3A = arith.constant 0 : i32
    %scan3A_57 = arith.constant 0 : i32
    %scan3A_58 = arith.constant 31 : i32
    %scan3A_59 = arith.addi %scan3A_57, %scan3A_58 : i32
    %scan3A_60 = arith.constant 1 : i32
    scf.for %scan3A_106 = %scan3A_57 to %scan3A_59 step %scan3A_60  : i32 {
      %mul3A_107 = arith.constant 4 : i32
      %mul3A_108 = arith.muli %scan3A_106, %mul3A_107 : i32
      %dma_wait3A_109 = arith.constant 0 : i32
      %dma_wait3A_110 = arith.constant 0 : i32
      %dma_wait3A_111 = tpu.memref_slice %arg4[%dma_wait3A_109, %dma_wait3A_110] : memref<10000x64xf32, #tpu.memory_space<hbm>> -> memref<80x64xf32, #tpu.memory_space<hbm>>
      %dma_wait3A_112 = arith.constant 0 : i32
      %dma_wait3A_113 = arith.constant 0 : i32
      %dma_wait3A_114 = tpu.memref_slice %arg4[%dma_wait3A_112, %dma_wait3A_113] : memref<10000x64xf32, #tpu.memory_space<hbm>> -> memref<80x64xf32, #tpu.memory_space<hbm>>
      tpu.wait_dma2 semaphore(%arg16 : memref<!tpu.dma_semaphore, #tpu.memory_space<semaphore_mem>>) src(%dma_wait3A_114 : memref<80x64xf32, #tpu.memory_space<hbm>>) dst(%arg11 : memref<80x64xf32, #tpu.memory_space<vmem>>)
      %parallel_loop3A_115 = arith.constant 0 : i32
      %parallel_loop3A_116 = arith.constant 80 : i32
      %parallel_loop3A_117 = arith.constant 1 : i32
      scf.for %parallel_loop3A_200 = %parallel_loop3A_115 to %parallel_loop3A_116 step %parallel_loop3A_117  : i32 {
        %parallel_loop3A_201 = vector.broadcast %mul3A_108 : i32 to vector<16xi32>
        %parallel_loop3A_202 = vector.broadcast %parallel_loop3A_200 : i32 to vector<16xi32>
        %parallel_loop3A_203 = tpu.vector_load_idx %arg9[%parallel_loop3A_201, %parallel_loop3A_202] : memref<125x80xf32, #tpu.memory_space<vmem>>[vector<16xi32>, vector<16xi32>], vector<16xf32>,
        %parallel_loop3A_204 = tpu.vector_load_idx %arg7[%parallel_loop3A_201, %parallel_loop3A_202] : memref<125x80xi32, #tpu.memory_space<vmem>>[vector<16xi32>, vector<16xi32>], vector<16xi32>,
        %parallel_loop3A_205 = tpu.vector_load_idx %arg10[%parallel_loop3A_204] : memref<10000xf32, #tpu.memory_space<vmem>>[vector<16xi32>], vector<16xf32>,
        %parallel_loop3A_206 = arith.mulf %parallel_loop3A_203, %parallel_loop3A_205 : vector<16xf32>
        %parallel_loop3A_207 = arith.index_cast %parallel_loop3A_200 : i32 to index
        %parallel_loop3A_208 = arith.constant 0 : index
        %parallel_loop3A_209 = tpu.vector_load %arg11[%parallel_loop3A_207, %parallel_loop3A_208] {strides = array<i32>} : memref<80x64xf32, #tpu.memory_space<vmem>>, vector<16xf32>,
        %parallel_loop3A_210 = arith.mulf %parallel_loop3A_209, %parallel_loop3A_206 : vector<16xf32>
        %parallel_loop3A_211 = arith.index_cast %parallel_loop3A_200 : i32 to index
        %parallel_loop3A_212 = arith.constant 0 : index
        %parallel_loop3A_213 = tpu.vector_load %arg11[%parallel_loop3A_211, %parallel_loop3A_212] {strides = array<i32>} : memref<80x64xf32, #tpu.memory_space<vmem>>, vector<16xf32>,
        tpu.vector_store %arg11[%parallel_loop3A_211, %parallel_loop3A_212], %parallel_loop3A_210 {strides = array<i32>} : memref<80x64xf32, #tpu.memory_space<vmem>>, vector<16xf32>,
        %parallel_loop3A_214 = arith.index_cast %parallel_loop3A_200 : i32 to index
        %parallel_loop3A_215 = arith.constant 16 : index
        %parallel_loop3A_216 = tpu.vector_load %arg11[%parallel_loop3A_214, %parallel_loop3A_215] {strides = array<i32>} : memref<80x64xf32, #tpu.memory_space<vmem>>, vector<16xf32>,
        %parallel_loop3A_217 = arith.mulf %parallel_loop3A_216, %parallel_loop3A_206 : vector<16xf32>
        %parallel_loop3A_218 = arith.index_cast %parallel_loop3A_200 : i32 to index
        %parallel_loop3A_219 = arith.constant 16 : index
        %parallel_loop3A_220 = tpu.vector_load %arg11[%parallel_loop3A_218, %parallel_loop3A_219] {strides = array<i32>} : memref<80x64xf32, #tpu.memory_space<vmem>>, vector<16xf32>,
        tpu.vector_store %arg11[%parallel_loop3A_218, %parallel_loop3A_219], %parallel_loop3A_217 {strides = array<i32>} : memref<80x64xf32, #tpu.memory_space<vmem>>, vector<16xf32>,
        %parallel_loop3A_221 = arith.index_cast %parallel_loop3A_200 : i32 to index
        %parallel_loop3A_222 = arith.constant 32 : index
        %parallel_loop3A_223 = tpu.vector_load %arg11[%parallel_loop3A_221, %parallel_loop3A_222] {strides = array<i32>} : memref<80x64xf32, #tpu.memory_space<vmem>>, vector<16xf32>,
        %parallel_loop3A_224 = arith.mulf %parallel_loop3A_223, %parallel_loop3A_206 : vector<16xf32>
        %parallel_loop3A_225 = arith.index_cast %parallel_loop3A_200 : i32 to index
        %parallel_loop3A_226 = arith.constant 32 : index
        %parallel_loop3A_227 = tpu.vector_load %arg11[%parallel_loop3A_225, %parallel_loop3A_226] {strides = array<i32>} : memref<80x64xf32, #tpu.memory_space<vmem>>, vector<16xf32>,
        tpu.vector_store %arg11[%parallel_loop3A_225, %parallel_loop3A_226], %parallel_loop3A_224 {strides = array<i32>} : memref<80x64xf32, #tpu.memory_space<vmem>>, vector<16xf32>,
        %parallel_loop3A_228 = arith.index_cast %parallel_loop3A_200 : i32 to index
        %parallel_loop3A_229 = arith.constant 48 : index
        %parallel_loop3A_230 = tpu.vector_load %arg11[%parallel_loop3A_228, %parallel_loop3A_229] {strides = array<i32>} : memref<80x64xf32, #tpu.memory_space<vmem>>, vector<16xf32>,
        %parallel_loop3A_231 = arith.mulf %parallel_loop3A_230, %parallel_loop3A_206 : vector<16xf32>
        %parallel_loop3A_232 = arith.index_cast %parallel_loop3A_200 : i32 to index
        %parallel_loop3A_233 = arith.constant 48 : index
        %parallel_loop3A_234 = tpu.vector_load %arg11[%parallel_loop3A_232, %parallel_loop3A_233] {strides = array<i32>} : memref<80x64xf32, #tpu.memory_space<vmem>>, vector<16xf32>,
        tpu.vector_store %arg11[%parallel_loop3A_232, %parallel_loop3A_233], %parallel_loop3A_231 {strides = array<i32>} : memref<80x64xf32, #tpu.memory_space<vmem>>, vector<16xf32>,
      } {sc.loop_unroll_factor = 8 : i64, sc.parallel_access}
      %dma_start3A_118 = arith.constant 0 : i32
      %dma_start3A_119 = tpu.memref_slice %arg8[%mul3A_108, %dma_start3A_118] : memref<125x80xi32, #tpu.memory_space<vmem>> -> memref<1x80xi32, #tpu.memory_space<vmem>>
      %dma_start3A_120 = tpu.memref_squeeze %dma_start3A_119 : memref<1x80xi32, #tpu.memory_space<vmem>> -> memref<80xi32, #tpu.memory_space<vmem>>
      %dma_start3A_121 = arith.constant 0 : i32
      %dma_start3A_122 = arith.constant 0 : i32
      %dma_start3A_123 = tpu.memref_slice %arg15[%dma_start3A_121, %dma_start3A_122] : memref<10240x64xf32, #tpu.memory_space<vmem_shared>> -> memref<10240x64xf32, #tpu.memory_space<vmem_shared>>
      tpu.enqueue_indirect_dma source(%arg11 : memref<80x64xf32, #tpu.memory_space<vmem>>) target(%dma_start3A_123 : memref<10240x64xf32, #tpu.memory_space<vmem_shared>>) offsets(%dma_start3A_120 : memref<80xi32, #tpu.memory_space<vmem>>) semaphore(%arg20 : memref<!tpu.dma_semaphore, #tpu.memory_space<semaphore_mem>>) {add = true}
      %add3A_124 = arith.constant 3 : i32
      %add3A_125 = arith.addi %mul3A_108, %add3A_124 : i32
      %lt3A = arith.constant 125 : i32
      %lt3A_126 = arith.cmpi slt, %add3A_125, %lt3A : i32
      %convert_element_type3A = arith.extui %lt3A_126 : i1 to i32
      %cond3A = arith.constant 0 : i32
      %cond3A_127 = arith.cmpi ne, %convert_element_type3A, %cond3A : i32
      scf.if %cond3A_127 {
        %ge3A = arith.constant 1 : i32
        %ge3A_200 = arith.cmpi sge, %mul3A_108, %ge3A : i32
        %convert_element_type3A_201 = arith.extui %ge3A_200 : i1 to i32
        %cond3A_202 = arith.constant 0 : i32
        %cond3A_203 = arith.cmpi ne, %convert_element_type3A_201, %cond3A_202 : i32
        scf.if %cond3A_203 {
          %dma_wait3A_212 = arith.constant 0 : i32
          %dma_wait3A_213 = arith.constant 0 : i32
          %dma_wait3A_214 = tpu.memref_slice %arg15[%dma_wait3A_212, %dma_wait3A_213] : memref<10240x64xf32, #tpu.memory_space<vmem_shared>> -> memref<80x64xf32, #tpu.memory_space<vmem_shared>>
          %dma_wait3A_215 = arith.constant 0 : i32
          %dma_wait3A_216 = arith.constant 0 : i32
          %dma_wait3A_217 = tpu.memref_slice %arg15[%dma_wait3A_215, %dma_wait3A_216] : memref<10240x64xf32, #tpu.memory_space<vmem_shared>> -> memref<80x64xf32, #tpu.memory_space<vmem_shared>>
          tpu.wait_dma2 semaphore(%arg23 : memref<!tpu.dma_semaphore, #tpu.memory_space<semaphore_mem>>) src(%arg14 : memref<80x64xf32, #tpu.memory_space<vmem>>) dst(%dma_wait3A_217 : memref<80x64xf32, #tpu.memory_space<vmem_shared>>)
        } else {
        }
        %add3A_204 = arith.constant 3 : i32
        %add3A_205 = arith.addi %mul3A_108, %add3A_204 : i32
        %dma_start3A_206 = arith.constant 0 : i32
        %dma_start3A_207 = tpu.memref_slice %arg7[%add3A_205, %dma_start3A_206] : memref<125x80xi32, #tpu.memory_space<vmem>> -> memref<1x80xi32, #tpu.memory_space<vmem>>
        %dma_start3A_208 = tpu.memref_squeeze %dma_start3A_207 : memref<1x80xi32, #tpu.memory_space<vmem>> -> memref<80xi32, #tpu.memory_space<vmem>>
        %dma_start3A_209 = arith.constant 0 : i32
        %dma_start3A_210 = arith.constant 0 : i32
        %dma_start3A_211 = tpu.memref_slice %arg4[%dma_start3A_209, %dma_start3A_210] : memref<10000x64xf32, #tpu.memory_space<hbm>> -> memref<10000x64xf32, #tpu.memory_space<hbm>>
        tpu.enqueue_indirect_dma source(%dma_start3A_211 : memref<10000x64xf32, #tpu.memory_space<hbm>>) target(%arg14 : memref<80x64xf32, #tpu.memory_space<vmem>>) offsets(%dma_start3A_208 : memref<80xi32, #tpu.memory_space<vmem>>) semaphore(%arg19 : memref<!tpu.dma_semaphore, #tpu.memory_space<semaphore_mem>>)
      } else {
      }
      %add3A_128 = arith.constant 1 : i32
      %add3A_129 = arith.addi %mul3A_108, %add3A_128 : i32
      %dma_wait3A_130 = arith.constant 0 : i32
      %dma_wait3A_131 = arith.constant 0 : i32
      %dma_wait3A_132 = tpu.memref_slice %arg4[%dma_wait3A_130, %dma_wait3A_131] : memref<10000x64xf32, #tpu.memory_space<hbm>> -> memref<80x64xf32, #tpu.memory_space<hbm>>
      %dma_wait3A_133 = arith.constant 0 : i32
      %dma_wait3A_134 = arith.constant 0 : i32
      %dma_wait3A_135 = tpu.memref_slice %arg4[%dma_wait3A_133, %dma_wait3A_134] : memref<10000x64xf32, #tpu.memory_space<hbm>> -> memref<80x64xf32, #tpu.memory_space<hbm>>
      tpu.wait_dma2 semaphore(%arg17 : memref<!tpu.dma_semaphore, #tpu.memory_space<semaphore_mem>>) src(%dma_wait3A_135 : memref<80x64xf32, #tpu.memory_space<hbm>>) dst(%arg12 : memref<80x64xf32, #tpu.memory_space<vmem>>)
      %parallel_loop3A_136 = arith.constant 0 : i32
      %parallel_loop3A_137 = arith.constant 80 : i32
      %parallel_loop3A_138 = arith.constant 1 : i32
      scf.for %parallel_loop3A_200 = %parallel_loop3A_136 to %parallel_loop3A_137 step %parallel_loop3A_138  : i32 {
        %parallel_loop3A_201 = vector.broadcast %add3A_129 : i32 to vector<16xi32>
        %parallel_loop3A_202 = vector.broadcast %parallel_loop3A_200 : i32 to vector<16xi32>
        %parallel_loop3A_203 = tpu.vector_load_idx %arg9[%parallel_loop3A_201, %parallel_loop3A_202] : memref<125x80xf32, #tpu.memory_space<vmem>>[vector<16xi32>, vector<16xi32>], vector<16xf32>,
        %parallel_loop3A_204 = tpu.vector_load_idx %arg7[%parallel_loop3A_201, %parallel_loop3A_202] : memref<125x80xi32, #tpu.memory_space<vmem>>[vector<16xi32>, vector<16xi32>], vector<16xi32>,
        %parallel_loop3A_205 = tpu.vector_load_idx %arg10[%parallel_loop3A_204] : memref<10000xf32, #tpu.memory_space<vmem>>[vector<16xi32>], vector<16xf32>,
        %parallel_loop3A_206 = arith.mulf %parallel_loop3A_203, %parallel_loop3A_205 : vector<16xf32>
        %parallel_loop3A_207 = arith.index_cast %parallel_loop3A_200 : i32 to index
        %parallel_loop3A_208 = arith.constant 0 : index
        %parallel_loop3A_209 = tpu.vector_load %arg12[%parallel_loop3A_207, %parallel_loop3A_208] {strides = array<i32>} : memref<80x64xf32, #tpu.memory_space<vmem>>, vector<16xf32>,
        %parallel_loop3A_210 = arith.mulf %parallel_loop3A_209, %parallel_loop3A_206 : vector<16xf32>
        %parallel_loop3A_211 = arith.index_cast %parallel_loop3A_200 : i32 to index
        %parallel_loop3A_212 = arith.constant 0 : index
        %parallel_loop3A_213 = tpu.vector_load %arg12[%parallel_loop3A_211, %parallel_loop3A_212] {strides = array<i32>} : memref<80x64xf32, #tpu.memory_space<vmem>>, vector<16xf32>,
        tpu.vector_store %arg12[%parallel_loop3A_211, %parallel_loop3A_212], %parallel_loop3A_210 {strides = array<i32>} : memref<80x64xf32, #tpu.memory_space<vmem>>, vector<16xf32>,
        %parallel_loop3A_214 = arith.index_cast %parallel_loop3A_200 : i32 to index
        %parallel_loop3A_215 = arith.constant 16 : index
        %parallel_loop3A_216 = tpu.vector_load %arg12[%parallel_loop3A_214, %parallel_loop3A_215] {strides = array<i32>} : memref<80x64xf32, #tpu.memory_space<vmem>>, vector<16xf32>,
        %parallel_loop3A_217 = arith.mulf %parallel_loop3A_216, %parallel_loop3A_206 : vector<16xf32>
        %parallel_loop3A_218 = arith.index_cast %parallel_loop3A_200 : i32 to index
        %parallel_loop3A_219 = arith.constant 16 : index
        %parallel_loop3A_220 = tpu.vector_load %arg12[%parallel_loop3A_218, %parallel_loop3A_219] {strides = array<i32>} : memref<80x64xf32, #tpu.memory_space<vmem>>, vector<16xf32>,
        tpu.vector_store %arg12[%parallel_loop3A_218, %parallel_loop3A_219], %parallel_loop3A_217 {strides = array<i32>} : memref<80x64xf32, #tpu.memory_space<vmem>>, vector<16xf32>,
        %parallel_loop3A_221 = arith.index_cast %parallel_loop3A_200 : i32 to index
        %parallel_loop3A_222 = arith.constant 32 : index
        %parallel_loop3A_223 = tpu.vector_load %arg12[%parallel_loop3A_221, %parallel_loop3A_222] {strides = array<i32>} : memref<80x64xf32, #tpu.memory_space<vmem>>, vector<16xf32>,
        %parallel_loop3A_224 = arith.mulf %parallel_loop3A_223, %parallel_loop3A_206 : vector<16xf32>
        %parallel_loop3A_225 = arith.index_cast %parallel_loop3A_200 : i32 to index
        %parallel_loop3A_226 = arith.constant 32 : index
        %parallel_loop3A_227 = tpu.vector_load %arg12[%parallel_loop3A_225, %parallel_loop3A_226] {strides = array<i32>} : memref<80x64xf32, #tpu.memory_space<vmem>>, vector<16xf32>,
        tpu.vector_store %arg12[%parallel_loop3A_225, %parallel_loop3A_226], %parallel_loop3A_224 {strides = array<i32>} : memref<80x64xf32, #tpu.memory_space<vmem>>, vector<16xf32>,
        %parallel_loop3A_228 = arith.index_cast %parallel_loop3A_200 : i32 to index
        %parallel_loop3A_229 = arith.constant 48 : index
        %parallel_loop3A_230 = tpu.vector_load %arg12[%parallel_loop3A_228, %parallel_loop3A_229] {strides = array<i32>} : memref<80x64xf32, #tpu.memory_space<vmem>>, vector<16xf32>,
        %parallel_loop3A_231 = arith.mulf %parallel_loop3A_230, %parallel_loop3A_206 : vector<16xf32>
        %parallel_loop3A_232 = arith.index_cast %parallel_loop3A_200 : i32 to index
        %parallel_loop3A_233 = arith.constant 48 : index
        %parallel_loop3A_234 = tpu.vector_load %arg12[%parallel_loop3A_232, %parallel_loop3A_233] {strides = array<i32>} : memref<80x64xf32, #tpu.memory_space<vmem>>, vector<16xf32>,
        tpu.vector_store %arg12[%parallel_loop3A_232, %parallel_loop3A_233], %parallel_loop3A_231 {strides = array<i32>} : memref<80x64xf32, #tpu.memory_space<vmem>>, vector<16xf32>,
      } {sc.loop_unroll_factor = 8 : i64, sc.parallel_access}
      %dma_start3A_139 = arith.constant 0 : i32
      %dma_start3A_140 = tpu.memref_slice %arg8[%add3A_129, %dma_start3A_139] : memref<125x80xi32, #tpu.memory_space<vmem>> -> memref<1x80xi32, #tpu.memory_space<vmem>>
      %dma_start3A_141 = tpu.memref_squeeze %dma_start3A_140 : memref<1x80xi32, #tpu.memory_space<vmem>> -> memref<80xi32, #tpu.memory_space<vmem>>
      %dma_start3A_142 = arith.constant 0 : i32
      %dma_start3A_143 = arith.constant 0 : i32
      %dma_start3A_144 = tpu.memref_slice %arg15[%dma_start3A_142, %dma_start3A_143] : memref<10240x64xf32, #tpu.memory_space<vmem_shared>> -> memref<10240x64xf32, #tpu.memory_space<vmem_shared>>
      tpu.enqueue_indirect_dma source(%arg12 : memref<80x64xf32, #tpu.memory_space<vmem>>) target(%dma_start3A_144 : memref<10240x64xf32, #tpu.memory_space<vmem_shared>>) offsets(%dma_start3A_141 : memref<80xi32, #tpu.memory_space<vmem>>) semaphore(%arg21 : memref<!tpu.dma_semaphore, #tpu.memory_space<semaphore_mem>>) {add = true}
      %add3A_145 = arith.constant 3 : i32
      %add3A_146 = arith.addi %add3A_129, %add3A_145 : i32
      %lt3A_147 = arith.constant 125 : i32
      %lt3A_148 = arith.cmpi slt, %add3A_146, %lt3A_147 : i32
      %convert_element_type3A_149 = arith.extui %lt3A_148 : i1 to i32
      %cond3A_150 = arith.constant 0 : i32
      %cond3A_151 = arith.cmpi ne, %convert_element_type3A_149, %cond3A_150 : i32
      scf.if %cond3A_151 {
        %ge3A = arith.constant 1 : i32
        %ge3A_200 = arith.cmpi sge, %add3A_129, %ge3A : i32
        %convert_element_type3A_201 = arith.extui %ge3A_200 : i1 to i32
        %cond3A_202 = arith.constant 0 : i32
        %cond3A_203 = arith.cmpi ne, %convert_element_type3A_201, %cond3A_202 : i32
        scf.if %cond3A_203 {
          %dma_wait3A_212 = arith.constant 0 : i32
          %dma_wait3A_213 = arith.constant 0 : i32
          %dma_wait3A_214 = tpu.memref_slice %arg15[%dma_wait3A_212, %dma_wait3A_213] : memref<10240x64xf32, #tpu.memory_space<vmem_shared>> -> memref<80x64xf32, #tpu.memory_space<vmem_shared>>
          %dma_wait3A_215 = arith.constant 0 : i32
          %dma_wait3A_216 = arith.constant 0 : i32
          %dma_wait3A_217 = tpu.memref_slice %arg15[%dma_wait3A_215, %dma_wait3A_216] : memref<10240x64xf32, #tpu.memory_space<vmem_shared>> -> memref<80x64xf32, #tpu.memory_space<vmem_shared>>
          tpu.wait_dma2 semaphore(%arg20 : memref<!tpu.dma_semaphore, #tpu.memory_space<semaphore_mem>>) src(%arg11 : memref<80x64xf32, #tpu.memory_space<vmem>>) dst(%dma_wait3A_217 : memref<80x64xf32, #tpu.memory_space<vmem_shared>>)
        } else {
        }
        %add3A_204 = arith.constant 3 : i32
        %add3A_205 = arith.addi %add3A_129, %add3A_204 : i32
        %dma_start3A_206 = arith.constant 0 : i32
        %dma_start3A_207 = tpu.memref_slice %arg7[%add3A_205, %dma_start3A_206] : memref<125x80xi32, #tpu.memory_space<vmem>> -> memref<1x80xi32, #tpu.memory_space<vmem>>
        %dma_start3A_208 = tpu.memref_squeeze %dma_start3A_207 : memref<1x80xi32, #tpu.memory_space<vmem>> -> memref<80xi32, #tpu.memory_space<vmem>>
        %dma_start3A_209 = arith.constant 0 : i32
        %dma_start3A_210 = arith.constant 0 : i32
        %dma_start3A_211 = tpu.memref_slice %arg4[%dma_start3A_209, %dma_start3A_210] : memref<10000x64xf32, #tpu.memory_space<hbm>> -> memref<10000x64xf32, #tpu.memory_space<hbm>>
        tpu.enqueue_indirect_dma source(%dma_start3A_211 : memref<10000x64xf32, #tpu.memory_space<hbm>>) target(%arg11 : memref<80x64xf32, #tpu.memory_space<vmem>>) offsets(%dma_start3A_208 : memref<80xi32, #tpu.memory_space<vmem>>) semaphore(%arg16 : memref<!tpu.dma_semaphore, #tpu.memory_space<semaphore_mem>>)
      } else {
      }
      %add3A_152 = arith.constant 2 : i32
      %add3A_153 = arith.addi %mul3A_108, %add3A_152 : i32
      %dma_wait3A_154 = arith.constant 0 : i32
      %dma_wait3A_155 = arith.constant 0 : i32
      %dma_wait3A_156 = tpu.memref_slice %arg4[%dma_wait3A_154, %dma_wait3A_155] : memref<10000x64xf32, #tpu.memory_space<hbm>> -> memref<80x64xf32, #tpu.memory_space<hbm>>
      %dma_wait3A_157 = arith.constant 0 : i32
      %dma_wait3A_158 = arith.constant 0 : i32
      %dma_wait3A_159 = tpu.memref_slice %arg4[%dma_wait3A_157, %dma_wait3A_158] : memref<10000x64xf32, #tpu.memory_space<hbm>> -> memref<80x64xf32, #tpu.memory_space<hbm>>
      tpu.wait_dma2 semaphore(%arg18 : memref<!tpu.dma_semaphore, #tpu.memory_space<semaphore_mem>>) src(%dma_wait3A_159 : memref<80x64xf32, #tpu.memory_space<hbm>>) dst(%arg13 : memref<80x64xf32, #tpu.memory_space<vmem>>)
      %parallel_loop3A_160 = arith.constant 0 : i32
      %parallel_loop3A_161 = arith.constant 80 : i32
      %parallel_loop3A_162 = arith.constant 1 : i32
      scf.for %parallel_loop3A_200 = %parallel_loop3A_160 to %parallel_loop3A_161 step %parallel_loop3A_162  : i32 {
        %parallel_loop3A_201 = vector.broadcast %add3A_153 : i32 to vector<16xi32>
        %parallel_loop3A_202 = vector.broadcast %parallel_loop3A_200 : i32 to vector<16xi32>
        %parallel_loop3A_203 = tpu.vector_load_idx %arg9[%parallel_loop3A_201, %parallel_loop3A_202] : memref<125x80xf32, #tpu.memory_space<vmem>>[vector<16xi32>, vector<16xi32>], vector<16xf32>,
        %parallel_loop3A_204 = tpu.vector_load_idx %arg7[%parallel_loop3A_201, %parallel_loop3A_202] : memref<125x80xi32, #tpu.memory_space<vmem>>[vector<16xi32>, vector<16xi32>], vector<16xi32>,
        %parallel_loop3A_205 = tpu.vector_load_idx %arg10[%parallel_loop3A_204] : memref<10000xf32, #tpu.memory_space<vmem>>[vector<16xi32>], vector<16xf32>,
        %parallel_loop3A_206 = arith.mulf %parallel_loop3A_203, %parallel_loop3A_205 : vector<16xf32>
        %parallel_loop3A_207 = arith.index_cast %parallel_loop3A_200 : i32 to index
        %parallel_loop3A_208 = arith.constant 0 : index
        %parallel_loop3A_209 = tpu.vector_load %arg13[%parallel_loop3A_207, %parallel_loop3A_208] {strides = array<i32>} : memref<80x64xf32, #tpu.memory_space<vmem>>, vector<16xf32>,
        %parallel_loop3A_210 = arith.mulf %parallel_loop3A_209, %parallel_loop3A_206 : vector<16xf32>
        %parallel_loop3A_211 = arith.index_cast %parallel_loop3A_200 : i32 to index
        %parallel_loop3A_212 = arith.constant 0 : index
        %parallel_loop3A_213 = tpu.vector_load %arg13[%parallel_loop3A_211, %parallel_loop3A_212] {strides = array<i32>} : memref<80x64xf32, #tpu.memory_space<vmem>>, vector<16xf32>,
        tpu.vector_store %arg13[%parallel_loop3A_211, %parallel_loop3A_212], %parallel_loop3A_210 {strides = array<i32>} : memref<80x64xf32, #tpu.memory_space<vmem>>, vector<16xf32>,
        %parallel_loop3A_214 = arith.index_cast %parallel_loop3A_200 : i32 to index
        %parallel_loop3A_215 = arith.constant 16 : index
        %parallel_loop3A_216 = tpu.vector_load %arg13[%parallel_loop3A_214, %parallel_loop3A_215] {strides = array<i32>} : memref<80x64xf32, #tpu.memory_space<vmem>>, vector<16xf32>,
        %parallel_loop3A_217 = arith.mulf %parallel_loop3A_216, %parallel_loop3A_206 : vector<16xf32>
        %parallel_loop3A_218 = arith.index_cast %parallel_loop3A_200 : i32 to index
        %parallel_loop3A_219 = arith.constant 16 : index
        %parallel_loop3A_220 = tpu.vector_load %arg13[%parallel_loop3A_218, %parallel_loop3A_219] {strides = array<i32>} : memref<80x64xf32, #tpu.memory_space<vmem>>, vector<16xf32>,
        tpu.vector_store %arg13[%parallel_loop3A_218, %parallel_loop3A_219], %parallel_loop3A_217 {strides = array<i32>} : memref<80x64xf32, #tpu.memory_space<vmem>>, vector<16xf32>,
        %parallel_loop3A_221 = arith.index_cast %parallel_loop3A_200 : i32 to index
        %parallel_loop3A_222 = arith.constant 32 : index
        %parallel_loop3A_223 = tpu.vector_load %arg13[%parallel_loop3A_221, %parallel_loop3A_222] {strides = array<i32>} : memref<80x64xf32, #tpu.memory_space<vmem>>, vector<16xf32>,
        %parallel_loop3A_224 = arith.mulf %parallel_loop3A_223, %parallel_loop3A_206 : vector<16xf32>
        %parallel_loop3A_225 = arith.index_cast %parallel_loop3A_200 : i32 to index
        %parallel_loop3A_226 = arith.constant 32 : index
        %parallel_loop3A_227 = tpu.vector_load %arg13[%parallel_loop3A_225, %parallel_loop3A_226] {strides = array<i32>} : memref<80x64xf32, #tpu.memory_space<vmem>>, vector<16xf32>,
        tpu.vector_store %arg13[%parallel_loop3A_225, %parallel_loop3A_226], %parallel_loop3A_224 {strides = array<i32>} : memref<80x64xf32, #tpu.memory_space<vmem>>, vector<16xf32>,
        %parallel_loop3A_228 = arith.index_cast %parallel_loop3A_200 : i32 to index
        %parallel_loop3A_229 = arith.constant 48 : index
        %parallel_loop3A_230 = tpu.vector_load %arg13[%parallel_loop3A_228, %parallel_loop3A_229] {strides = array<i32>} : memref<80x64xf32, #tpu.memory_space<vmem>>, vector<16xf32>,
        %parallel_loop3A_231 = arith.mulf %parallel_loop3A_230, %parallel_loop3A_206 : vector<16xf32>
        %parallel_loop3A_232 = arith.index_cast %parallel_loop3A_200 : i32 to index
        %parallel_loop3A_233 = arith.constant 48 : index
        %parallel_loop3A_234 = tpu.vector_load %arg13[%parallel_loop3A_232, %parallel_loop3A_233] {strides = array<i32>} : memref<80x64xf32, #tpu.memory_space<vmem>>, vector<16xf32>,
        tpu.vector_store %arg13[%parallel_loop3A_232, %parallel_loop3A_233], %parallel_loop3A_231 {strides = array<i32>} : memref<80x64xf32, #tpu.memory_space<vmem>>, vector<16xf32>,
      } {sc.loop_unroll_factor = 8 : i64, sc.parallel_access}
      %dma_start3A_163 = arith.constant 0 : i32
      %dma_start3A_164 = tpu.memref_slice %arg8[%add3A_153, %dma_start3A_163] : memref<125x80xi32, #tpu.memory_space<vmem>> -> memref<1x80xi32, #tpu.memory_space<vmem>>
      %dma_start3A_165 = tpu.memref_squeeze %dma_start3A_164 : memref<1x80xi32, #tpu.memory_space<vmem>> -> memref<80xi32, #tpu.memory_space<vmem>>
      %dma_start3A_166 = arith.constant 0 : i32
      %dma_start3A_167 = arith.constant 0 : i32
      %dma_start3A_168 = tpu.memref_slice %arg15[%dma_start3A_166, %dma_start3A_167] : memref<10240x64xf32, #tpu.memory_space<vmem_shared>> -> memref<10240x64xf32, #tpu.memory_space<vmem_shared>>
      tpu.enqueue_indirect_dma source(%arg13 : memref<80x64xf32, #tpu.memory_space<vmem>>) target(%dma_start3A_168 : memref<10240x64xf32, #tpu.memory_space<vmem_shared>>) offsets(%dma_start3A_165 : memref<80xi32, #tpu.memory_space<vmem>>) semaphore(%arg22 : memref<!tpu.dma_semaphore, #tpu.memory_space<semaphore_mem>>) {add = true}
      %add3A_169 = arith.constant 3 : i32
      %add3A_170 = arith.addi %add3A_153, %add3A_169 : i32
      %lt3A_171 = arith.constant 125 : i32
      %lt3A_172 = arith.cmpi slt, %add3A_170, %lt3A_171 : i32
      %convert_element_type3A_173 = arith.extui %lt3A_172 : i1 to i32
      %cond3A_174 = arith.constant 0 : i32
      %cond3A_175 = arith.cmpi ne, %convert_element_type3A_173, %cond3A_174 : i32
      scf.if %cond3A_175 {
        %ge3A = arith.constant 1 : i32
        %ge3A_200 = arith.cmpi sge, %add3A_153, %ge3A : i32
        %convert_element_type3A_201 = arith.extui %ge3A_200 : i1 to i32
        %cond3A_202 = arith.constant 0 : i32
        %cond3A_203 = arith.cmpi ne, %convert_element_type3A_201, %cond3A_202 : i32
        scf.if %cond3A_203 {
          %dma_wait3A_212 = arith.constant 0 : i32
          %dma_wait3A_213 = arith.constant 0 : i32
          %dma_wait3A_214 = tpu.memref_slice %arg15[%dma_wait3A_212, %dma_wait3A_213] : memref<10240x64xf32, #tpu.memory_space<vmem_shared>> -> memref<80x64xf32, #tpu.memory_space<vmem_shared>>
          %dma_wait3A_215 = arith.constant 0 : i32
          %dma_wait3A_216 = arith.constant 0 : i32
          %dma_wait3A_217 = tpu.memref_slice %arg15[%dma_wait3A_215, %dma_wait3A_216] : memref<10240x64xf32, #tpu.memory_space<vmem_shared>> -> memref<80x64xf32, #tpu.memory_space<vmem_shared>>
          tpu.wait_dma2 semaphore(%arg21 : memref<!tpu.dma_semaphore, #tpu.memory_space<semaphore_mem>>) src(%arg12 : memref<80x64xf32, #tpu.memory_space<vmem>>) dst(%dma_wait3A_217 : memref<80x64xf32, #tpu.memory_space<vmem_shared>>)
        } else {
        }
        %add3A_204 = arith.constant 3 : i32
        %add3A_205 = arith.addi %add3A_153, %add3A_204 : i32
        %dma_start3A_206 = arith.constant 0 : i32
        %dma_start3A_207 = tpu.memref_slice %arg7[%add3A_205, %dma_start3A_206] : memref<125x80xi32, #tpu.memory_space<vmem>> -> memref<1x80xi32, #tpu.memory_space<vmem>>
        %dma_start3A_208 = tpu.memref_squeeze %dma_start3A_207 : memref<1x80xi32, #tpu.memory_space<vmem>> -> memref<80xi32, #tpu.memory_space<vmem>>
        %dma_start3A_209 = arith.constant 0 : i32
        %dma_start3A_210 = arith.constant 0 : i32
        %dma_start3A_211 = tpu.memref_slice %arg4[%dma_start3A_209, %dma_start3A_210] : memref<10000x64xf32, #tpu.memory_space<hbm>> -> memref<10000x64xf32, #tpu.memory_space<hbm>>
        tpu.enqueue_indirect_dma source(%dma_start3A_211 : memref<10000x64xf32, #tpu.memory_space<hbm>>) target(%arg12 : memref<80x64xf32, #tpu.memory_space<vmem>>) offsets(%dma_start3A_208 : memref<80xi32, #tpu.memory_space<vmem>>) semaphore(%arg17 : memref<!tpu.dma_semaphore, #tpu.memory_space<semaphore_mem>>)
      } else {
      }
      %add3A_176 = arith.constant 3 : i32
      %add3A_177 = arith.addi %mul3A_108, %add3A_176 : i32
      %dma_wait3A_178 = arith.constant 0 : i32
      %dma_wait3A_179 = arith.constant 0 : i32
      %dma_wait3A_180 = tpu.memref_slice %arg4[%dma_wait3A_178, %dma_wait3A_179] : memref<10000x64xf32, #tpu.memory_space<hbm>> -> memref<80x64xf32, #tpu.memory_space<hbm>>
      %dma_wait3A_181 = arith.constant 0 : i32
      %dma_wait3A_182 = arith.constant 0 : i32
      %dma_wait3A_183 = tpu.memref_slice %arg4[%dma_wait3A_181, %dma_wait3A_182] : memref<10000x64xf32, #tpu.memory_space<hbm>> -> memref<80x64xf32, #tpu.memory_space<hbm>>
      tpu.wait_dma2 semaphore(%arg19 : memref<!tpu.dma_semaphore, #tpu.memory_space<semaphore_mem>>) src(%dma_wait3A_183 : memref<80x64xf32, #tpu.memory_space<hbm>>) dst(%arg14 : memref<80x64xf32, #tpu.memory_space<vmem>>)
      %parallel_loop3A_184 = arith.constant 0 : i32
      %parallel_loop3A_185 = arith.constant 80 : i32
      %parallel_loop3A_186 = arith.constant 1 : i32
      scf.for %parallel_loop3A_200 = %parallel_loop3A_184 to %parallel_loop3A_185 step %parallel_loop3A_186  : i32 {
        %parallel_loop3A_201 = vector.broadcast %add3A_177 : i32 to vector<16xi32>
        %parallel_loop3A_202 = vector.broadcast %parallel_loop3A_200 : i32 to vector<16xi32>
        %parallel_loop3A_203 = tpu.vector_load_idx %arg9[%parallel_loop3A_201, %parallel_loop3A_202] : memref<125x80xf32, #tpu.memory_space<vmem>>[vector<16xi32>, vector<16xi32>], vector<16xf32>,
        %parallel_loop3A_204 = tpu.vector_load_idx %arg7[%parallel_loop3A_201, %parallel_loop3A_202] : memref<125x80xi32, #tpu.memory_space<vmem>>[vector<16xi32>, vector<16xi32>], vector<16xi32>,
        %parallel_loop3A_205 = tpu.vector_load_idx %arg10[%parallel_loop3A_204] : memref<10000xf32, #tpu.memory_space<vmem>>[vector<16xi32>], vector<16xf32>,
        %parallel_loop3A_206 = arith.mulf %parallel_loop3A_203, %parallel_loop3A_205 : vector<16xf32>
        %parallel_loop3A_207 = arith.index_cast %parallel_loop3A_200 : i32 to index
        %parallel_loop3A_208 = arith.constant 0 : index
        %parallel_loop3A_209 = tpu.vector_load %arg14[%parallel_loop3A_207, %parallel_loop3A_208] {strides = array<i32>} : memref<80x64xf32, #tpu.memory_space<vmem>>, vector<16xf32>,
        %parallel_loop3A_210 = arith.mulf %parallel_loop3A_209, %parallel_loop3A_206 : vector<16xf32>
        %parallel_loop3A_211 = arith.index_cast %parallel_loop3A_200 : i32 to index
        %parallel_loop3A_212 = arith.constant 0 : index
        %parallel_loop3A_213 = tpu.vector_load %arg14[%parallel_loop3A_211, %parallel_loop3A_212] {strides = array<i32>} : memref<80x64xf32, #tpu.memory_space<vmem>>, vector<16xf32>,
        tpu.vector_store %arg14[%parallel_loop3A_211, %parallel_loop3A_212], %parallel_loop3A_210 {strides = array<i32>} : memref<80x64xf32, #tpu.memory_space<vmem>>, vector<16xf32>,
        %parallel_loop3A_214 = arith.index_cast %parallel_loop3A_200 : i32 to index
        %parallel_loop3A_215 = arith.constant 16 : index
        %parallel_loop3A_216 = tpu.vector_load %arg14[%parallel_loop3A_214, %parallel_loop3A_215] {strides = array<i32>} : memref<80x64xf32, #tpu.memory_space<vmem>>, vector<16xf32>,
        %parallel_loop3A_217 = arith.mulf %parallel_loop3A_216, %parallel_loop3A_206 : vector<16xf32>
        %parallel_loop3A_218 = arith.index_cast %parallel_loop3A_200 : i32 to index
        %parallel_loop3A_219 = arith.constant 16 : index
        %parallel_loop3A_220 = tpu.vector_load %arg14[%parallel_loop3A_218, %parallel_loop3A_219] {strides = array<i32>} : memref<80x64xf32, #tpu.memory_space<vmem>>, vector<16xf32>,
        tpu.vector_store %arg14[%parallel_loop3A_218, %parallel_loop3A_219], %parallel_loop3A_217 {strides = array<i32>} : memref<80x64xf32, #tpu.memory_space<vmem>>, vector<16xf32>,
        %parallel_loop3A_221 = arith.index_cast %parallel_loop3A_200 : i32 to index
        %parallel_loop3A_222 = arith.constant 32 : index
        %parallel_loop3A_223 = tpu.vector_load %arg14[%parallel_loop3A_221, %parallel_loop3A_222] {strides = array<i32>} : memref<80x64xf32, #tpu.memory_space<vmem>>, vector<16xf32>,
        %parallel_loop3A_224 = arith.mulf %parallel_loop3A_223, %parallel_loop3A_206 : vector<16xf32>
        %parallel_loop3A_225 = arith.index_cast %parallel_loop3A_200 : i32 to index
        %parallel_loop3A_226 = arith.constant 32 : index
        %parallel_loop3A_227 = tpu.vector_load %arg14[%parallel_loop3A_225, %parallel_loop3A_226] {strides = array<i32>} : memref<80x64xf32, #tpu.memory_space<vmem>>, vector<16xf32>,
        tpu.vector_store %arg14[%parallel_loop3A_225, %parallel_loop3A_226], %parallel_loop3A_224 {strides = array<i32>} : memref<80x64xf32, #tpu.memory_space<vmem>>, vector<16xf32>,
        %parallel_loop3A_228 = arith.index_cast %parallel_loop3A_200 : i32 to index
        %parallel_loop3A_229 = arith.constant 48 : index
        %parallel_loop3A_230 = tpu.vector_load %arg14[%parallel_loop3A_228, %parallel_loop3A_229] {strides = array<i32>} : memref<80x64xf32, #tpu.memory_space<vmem>>, vector<16xf32>,
        %parallel_loop3A_231 = arith.mulf %parallel_loop3A_230, %parallel_loop3A_206 : vector<16xf32>
        %parallel_loop3A_232 = arith.index_cast %parallel_loop3A_200 : i32 to index
        %parallel_loop3A_233 = arith.constant 48 : index
        %parallel_loop3A_234 = tpu.vector_load %arg14[%parallel_loop3A_232, %parallel_loop3A_233] {strides = array<i32>} : memref<80x64xf32, #tpu.memory_space<vmem>>, vector<16xf32>,
        tpu.vector_store %arg14[%parallel_loop3A_232, %parallel_loop3A_233], %parallel_loop3A_231 {strides = array<i32>} : memref<80x64xf32, #tpu.memory_space<vmem>>, vector<16xf32>,
      } {sc.loop_unroll_factor = 8 : i64, sc.parallel_access}
      %dma_start3A_187 = arith.constant 0 : i32
      %dma_start3A_188 = tpu.memref_slice %arg8[%add3A_177, %dma_start3A_187] : memref<125x80xi32, #tpu.memory_space<vmem>> -> memref<1x80xi32, #tpu.memory_space<vmem>>
      %dma_start3A_189 = tpu.memref_squeeze %dma_start3A_188 : memref<1x80xi32, #tpu.memory_space<vmem>> -> memref<80xi32, #tpu.memory_space<vmem>>
      %dma_start3A_190 = arith.constant 0 : i32
      %dma_start3A_191 = arith.constant 0 : i32
      %dma_start3A_192 = tpu.memref_slice %arg15[%dma_start3A_190, %dma_start3A_191] : memref<10240x64xf32, #tpu.memory_space<vmem_shared>> -> memref<10240x64xf32, #tpu.memory_space<vmem_shared>>
      tpu.enqueue_indirect_dma source(%arg14 : memref<80x64xf32, #tpu.memory_space<vmem>>) target(%dma_start3A_192 : memref<10240x64xf32, #tpu.memory_space<vmem_shared>>) offsets(%dma_start3A_189 : memref<80xi32, #tpu.memory_space<vmem>>) semaphore(%arg23 : memref<!tpu.dma_semaphore, #tpu.memory_space<semaphore_mem>>) {add = true}
      %add3A_193 = arith.constant 3 : i32
      %add3A_194 = arith.addi %add3A_177, %add3A_193 : i32
      %lt3A_195 = arith.constant 125 : i32
      %lt3A_196 = arith.cmpi slt, %add3A_194, %lt3A_195 : i32
      %convert_element_type3A_197 = arith.extui %lt3A_196 : i1 to i32
      %cond3A_198 = arith.constant 0 : i32
      %cond3A_199 = arith.cmpi ne, %convert_element_type3A_197, %cond3A_198 : i32
      scf.if %cond3A_199 {
        %ge3A = arith.constant 1 : i32
        %ge3A_200 = arith.cmpi sge, %add3A_177, %ge3A : i32
        %convert_element_type3A_201 = arith.extui %ge3A_200 : i1 to i32
        %cond3A_202 = arith.constant 0 : i32
        %cond3A_203 = arith.cmpi ne, %convert_element_type3A_201, %cond3A_202 : i32
        scf.if %cond3A_203 {
          %dma_wait3A_212 = arith.constant 0 : i32
          %dma_wait3A_213 = arith.constant 0 : i32
          %dma_wait3A_214 = tpu.memref_slice %arg15[%dma_wait3A_212, %dma_wait3A_213] : memref<10240x64xf32, #tpu.memory_space<vmem_shared>> -> memref<80x64xf32, #tpu.memory_space<vmem_shared>>
          %dma_wait3A_215 = arith.constant 0 : i32
          %dma_wait3A_216 = arith.constant 0 : i32
          %dma_wait3A_217 = tpu.memref_slice %arg15[%dma_wait3A_215, %dma_wait3A_216] : memref<10240x64xf32, #tpu.memory_space<vmem_shared>> -> memref<80x64xf32, #tpu.memory_space<vmem_shared>>
          tpu.wait_dma2 semaphore(%arg22 : memref<!tpu.dma_semaphore, #tpu.memory_space<semaphore_mem>>) src(%arg13 : memref<80x64xf32, #tpu.memory_space<vmem>>) dst(%dma_wait3A_217 : memref<80x64xf32, #tpu.memory_space<vmem_shared>>)
        } else {
        }
        %add3A_204 = arith.constant 3 : i32
        %add3A_205 = arith.addi %add3A_177, %add3A_204 : i32
        %dma_start3A_206 = arith.constant 0 : i32
        %dma_start3A_207 = tpu.memref_slice %arg7[%add3A_205, %dma_start3A_206] : memref<125x80xi32, #tpu.memory_space<vmem>> -> memref<1x80xi32, #tpu.memory_space<vmem>>
        %dma_start3A_208 = tpu.memref_squeeze %dma_start3A_207 : memref<1x80xi32, #tpu.memory_space<vmem>> -> memref<80xi32, #tpu.memory_space<vmem>>
        %dma_start3A_209 = arith.constant 0 : i32
        %dma_start3A_210 = arith.constant 0 : i32
        %dma_start3A_211 = tpu.memref_slice %arg4[%dma_start3A_209, %dma_start3A_210] : memref<10000x64xf32, #tpu.memory_space<hbm>> -> memref<10000x64xf32, #tpu.memory_space<hbm>>
        tpu.enqueue_indirect_dma source(%dma_start3A_211 : memref<10000x64xf32, #tpu.memory_space<hbm>>) target(%arg13 : memref<80x64xf32, #tpu.memory_space<vmem>>) offsets(%dma_start3A_208 : memref<80xi32, #tpu.memory_space<vmem>>) semaphore(%arg18 : memref<!tpu.dma_semaphore, #tpu.memory_space<semaphore_mem>>)
      } else {
      }
    }
    %scan3A_61 = arith.constant 31 : i32
    %dma_wait3A = arith.constant 0 : i32
    %dma_wait3A_62 = arith.constant 0 : i32
    %dma_wait3A_63 = tpu.memref_slice %arg4[%dma_wait3A, %dma_wait3A_62] : memref<10000x64xf32, #tpu.memory_space<hbm>> -> memref<80x64xf32, #tpu.memory_space<hbm>>
    %dma_wait3A_64 = arith.constant 0 : i32
    %dma_wait3A_65 = arith.constant 0 : i32
    %dma_wait3A_66 = tpu.memref_slice %arg4[%dma_wait3A_64, %dma_wait3A_65] : memref<10000x64xf32, #tpu.memory_space<hbm>> -> memref<80x64xf32, #tpu.memory_space<hbm>>
    tpu.wait_dma2 semaphore(%arg16 : memref<!tpu.dma_semaphore, #tpu.memory_space<semaphore_mem>>) src(%dma_wait3A_66 : memref<80x64xf32, #tpu.memory_space<hbm>>) dst(%arg11 : memref<80x64xf32, #tpu.memory_space<vmem>>)
    %parallel_loop3A_67 = arith.constant 0 : i32
    %parallel_loop3A_68 = arith.constant 80 : i32
    %parallel_loop3A_69 = arith.constant 1 : i32
    scf.for %parallel_loop3A_106 = %parallel_loop3A_67 to %parallel_loop3A_68 step %parallel_loop3A_69  : i32 {
      %parallel_loop3A_107 = arith.constant 124 : i32
      %parallel_loop3A_108 = vector.broadcast %parallel_loop3A_107 : i32 to vector<16xi32>
      %parallel_loop3A_109 = vector.broadcast %parallel_loop3A_106 : i32 to vector<16xi32>
      %parallel_loop3A_110 = tpu.vector_load_idx %arg9[%parallel_loop3A_108, %parallel_loop3A_109] : memref<125x80xf32, #tpu.memory_space<vmem>>[vector<16xi32>, vector<16xi32>], vector<16xf32>,
      %parallel_loop3A_111 = tpu.vector_load_idx %arg7[%parallel_loop3A_108, %parallel_loop3A_109] : memref<125x80xi32, #tpu.memory_space<vmem>>[vector<16xi32>, vector<16xi32>], vector<16xi32>,
      %parallel_loop3A_112 = tpu.vector_load_idx %arg10[%parallel_loop3A_111] : memref<10000xf32, #tpu.memory_space<vmem>>[vector<16xi32>], vector<16xf32>,
      %parallel_loop3A_113 = arith.mulf %parallel_loop3A_110, %parallel_loop3A_112 : vector<16xf32>
      %parallel_loop3A_114 = arith.index_cast %parallel_loop3A_106 : i32 to index
      %parallel_loop3A_115 = arith.constant 0 : index
      %parallel_loop3A_116 = tpu.vector_load %arg11[%parallel_loop3A_114, %parallel_loop3A_115] {strides = array<i32>} : memref<80x64xf32, #tpu.memory_space<vmem>>, vector<16xf32>,
      %parallel_loop3A_117 = arith.mulf %parallel_loop3A_116, %parallel_loop3A_113 : vector<16xf32>
      %parallel_loop3A_118 = arith.index_cast %parallel_loop3A_106 : i32 to index
      %parallel_loop3A_119 = arith.constant 0 : index
      %parallel_loop3A_120 = tpu.vector_load %arg11[%parallel_loop3A_118, %parallel_loop3A_119] {strides = array<i32>} : memref<80x64xf32, #tpu.memory_space<vmem>>, vector<16xf32>,
      tpu.vector_store %arg11[%parallel_loop3A_118, %parallel_loop3A_119], %parallel_loop3A_117 {strides = array<i32>} : memref<80x64xf32, #tpu.memory_space<vmem>>, vector<16xf32>,
      %parallel_loop3A_121 = arith.index_cast %parallel_loop3A_106 : i32 to index
      %parallel_loop3A_122 = arith.constant 16 : index
      %parallel_loop3A_123 = tpu.vector_load %arg11[%parallel_loop3A_121, %parallel_loop3A_122] {strides = array<i32>} : memref<80x64xf32, #tpu.memory_space<vmem>>, vector<16xf32>,
      %parallel_loop3A_124 = arith.mulf %parallel_loop3A_123, %parallel_loop3A_113 : vector<16xf32>
      %parallel_loop3A_125 = arith.index_cast %parallel_loop3A_106 : i32 to index
      %parallel_loop3A_126 = arith.constant 16 : index
      %parallel_loop3A_127 = tpu.vector_load %arg11[%parallel_loop3A_125, %parallel_loop3A_126] {strides = array<i32>} : memref<80x64xf32, #tpu.memory_space<vmem>>, vector<16xf32>,
      tpu.vector_store %arg11[%parallel_loop3A_125, %parallel_loop3A_126], %parallel_loop3A_124 {strides = array<i32>} : memref<80x64xf32, #tpu.memory_space<vmem>>, vector<16xf32>,
      %parallel_loop3A_128 = arith.index_cast %parallel_loop3A_106 : i32 to index
      %parallel_loop3A_129 = arith.constant 32 : index
      %parallel_loop3A_130 = tpu.vector_load %arg11[%parallel_loop3A_128, %parallel_loop3A_129] {strides = array<i32>} : memref<80x64xf32, #tpu.memory_space<vmem>>, vector<16xf32>,
      %parallel_loop3A_131 = arith.mulf %parallel_loop3A_130, %parallel_loop3A_113 : vector<16xf32>
      %parallel_loop3A_132 = arith.index_cast %parallel_loop3A_106 : i32 to index
      %parallel_loop3A_133 = arith.constant 32 : index
      %parallel_loop3A_134 = tpu.vector_load %arg11[%parallel_loop3A_132, %parallel_loop3A_133] {strides = array<i32>} : memref<80x64xf32, #tpu.memory_space<vmem>>, vector<16xf32>,
      tpu.vector_store %arg11[%parallel_loop3A_132, %parallel_loop3A_133], %parallel_loop3A_131 {strides = array<i32>} : memref<80x64xf32, #tpu.memory_space<vmem>>, vector<16xf32>,
      %parallel_loop3A_135 = arith.index_cast %parallel_loop3A_106 : i32 to index
      %parallel_loop3A_136 = arith.constant 48 : index
      %parallel_loop3A_137 = tpu.vector_load %arg11[%parallel_loop3A_135, %parallel_loop3A_136] {strides = array<i32>} : memref<80x64xf32, #tpu.memory_space<vmem>>, vector<16xf32>,
      %parallel_loop3A_138 = arith.mulf %parallel_loop3A_137, %parallel_loop3A_113 : vector<16xf32>
      %parallel_loop3A_139 = arith.index_cast %parallel_loop3A_106 : i32 to index
      %parallel_loop3A_140 = arith.constant 48 : index
      %parallel_loop3A_141 = tpu.vector_load %arg11[%parallel_loop3A_139, %parallel_loop3A_140] {strides = array<i32>} : memref<80x64xf32, #tpu.memory_space<vmem>>, vector<16xf32>,
      tpu.vector_store %arg11[%parallel_loop3A_139, %parallel_loop3A_140], %parallel_loop3A_138 {strides = array<i32>} : memref<80x64xf32, #tpu.memory_space<vmem>>, vector<16xf32>,
    } {sc.loop_unroll_factor = 8 : i64, sc.parallel_access}
    %dma_start3A_70 = arith.constant 124 : i32
    %dma_start3A_71 = arith.constant 0 : i32
    %dma_start3A_72 = tpu.memref_slice %arg8[%dma_start3A_70, %dma_start3A_71] : memref<125x80xi32, #tpu.memory_space<vmem>> -> memref<1x80xi32, #tpu.memory_space<vmem>>
    %dma_start3A_73 = tpu.memref_squeeze %dma_start3A_72 : memref<1x80xi32, #tpu.memory_space<vmem>> -> memref<80xi32, #tpu.memory_space<vmem>>
    %dma_start3A_74 = arith.constant 0 : i32
    %dma_start3A_75 = arith.constant 0 : i32
    %dma_start3A_76 = tpu.memref_slice %arg15[%dma_start3A_74, %dma_start3A_75] : memref<10240x64xf32, #tpu.memory_space<vmem_shared>> -> memref<10240x64xf32, #tpu.memory_space<vmem_shared>>
    tpu.enqueue_indirect_dma source(%arg11 : memref<80x64xf32, #tpu.memory_space<vmem>>) target(%dma_start3A_76 : memref<10240x64xf32, #tpu.memory_space<vmem_shared>>) offsets(%dma_start3A_73 : memref<80xi32, #tpu.memory_space<vmem>>) semaphore(%arg20 : memref<!tpu.dma_semaphore, #tpu.memory_space<semaphore_mem>>) {add = true}
    %dma_wait3A_77 = arith.constant 0 : i32
    %dma_wait3A_78 = arith.constant 0 : i32
    %dma_wait3A_79 = tpu.memref_slice %arg15[%dma_wait3A_77, %dma_wait3A_78] : memref<10240x64xf32, #tpu.memory_space<vmem_shared>> -> memref<80x64xf32, #tpu.memory_space<vmem_shared>>
    %dma_wait3A_80 = arith.constant 0 : i32
    %dma_wait3A_81 = arith.constant 0 : i32
    %dma_wait3A_82 = tpu.memref_slice %arg15[%dma_wait3A_80, %dma_wait3A_81] : memref<10240x64xf32, #tpu.memory_space<vmem_shared>> -> memref<80x64xf32, #tpu.memory_space<vmem_shared>>
    tpu.wait_dma2 semaphore(%arg21 : memref<!tpu.dma_semaphore, #tpu.memory_space<semaphore_mem>>) src(%arg12 : memref<80x64xf32, #tpu.memory_space<vmem>>) dst(%dma_wait3A_82 : memref<80x64xf32, #tpu.memory_space<vmem_shared>>)
    %dma_wait3A_83 = arith.constant 0 : i32
    %dma_wait3A_84 = arith.constant 0 : i32
    %dma_wait3A_85 = tpu.memref_slice %arg15[%dma_wait3A_83, %dma_wait3A_84] : memref<10240x64xf32, #tpu.memory_space<vmem_shared>> -> memref<80x64xf32, #tpu.memory_space<vmem_shared>>
    %dma_wait3A_86 = arith.constant 0 : i32
    %dma_wait3A_87 = arith.constant 0 : i32
    %dma_wait3A_88 = tpu.memref_slice %arg15[%dma_wait3A_86, %dma_wait3A_87] : memref<10240x64xf32, #tpu.memory_space<vmem_shared>> -> memref<80x64xf32, #tpu.memory_space<vmem_shared>>
    tpu.wait_dma2 semaphore(%arg22 : memref<!tpu.dma_semaphore, #tpu.memory_space<semaphore_mem>>) src(%arg13 : memref<80x64xf32, #tpu.memory_space<vmem>>) dst(%dma_wait3A_88 : memref<80x64xf32, #tpu.memory_space<vmem_shared>>)
    %dma_wait3A_89 = arith.constant 0 : i32
    %dma_wait3A_90 = arith.constant 0 : i32
    %dma_wait3A_91 = tpu.memref_slice %arg15[%dma_wait3A_89, %dma_wait3A_90] : memref<10240x64xf32, #tpu.memory_space<vmem_shared>> -> memref<80x64xf32, #tpu.memory_space<vmem_shared>>
    %dma_wait3A_92 = arith.constant 0 : i32
    %dma_wait3A_93 = arith.constant 0 : i32
    %dma_wait3A_94 = tpu.memref_slice %arg15[%dma_wait3A_92, %dma_wait3A_93] : memref<10240x64xf32, #tpu.memory_space<vmem_shared>> -> memref<80x64xf32, #tpu.memory_space<vmem_shared>>
    tpu.wait_dma2 semaphore(%arg23 : memref<!tpu.dma_semaphore, #tpu.memory_space<semaphore_mem>>) src(%arg14 : memref<80x64xf32, #tpu.memory_space<vmem>>) dst(%dma_wait3A_94 : memref<80x64xf32, #tpu.memory_space<vmem_shared>>)
    %dma_wait3A_95 = arith.constant 0 : i32
    %dma_wait3A_96 = arith.constant 0 : i32
    %dma_wait3A_97 = tpu.memref_slice %arg15[%dma_wait3A_95, %dma_wait3A_96] : memref<10240x64xf32, #tpu.memory_space<vmem_shared>> -> memref<80x64xf32, #tpu.memory_space<vmem_shared>>
    %dma_wait3A_98 = arith.constant 0 : i32
    %dma_wait3A_99 = arith.constant 0 : i32
    %dma_wait3A_100 = tpu.memref_slice %arg15[%dma_wait3A_98, %dma_wait3A_99] : memref<10240x64xf32, #tpu.memory_space<vmem_shared>> -> memref<80x64xf32, #tpu.memory_space<vmem_shared>>
    tpu.wait_dma2 semaphore(%arg20 : memref<!tpu.dma_semaphore, #tpu.memory_space<semaphore_mem>>) src(%arg11 : memref<80x64xf32, #tpu.memory_space<vmem>>) dst(%dma_wait3A_100 : memref<80x64xf32, #tpu.memory_space<vmem_shared>>)
    %barrier3A_101 = arith.constant 0 : index
    tpu.barrier barrier_id(%barrier3A_101)
    %mul3A_102 = arith.constant 640 : i32
    %mul3A_103 = arith.muli %arg1, %mul3A_102 : i32
    %mul3A_104 = arith.constant 640 : i32
    %mul3A_105 = arith.muli %arg1, %mul3A_104 : i32
    "tpu.region"() ({
      %run_scoped3A_106 = tpu.sem_alloc : memref<!tpu.dma_semaphore, #tpu.memory_space<semaphore_mem>>
      %dma_start3A_107 = arith.constant 0 : i32
      %dma_start3A_108 = tpu.memref_slice %arg6[%arg0, %mul3A_105, %dma_start3A_107] : memref<2x10240x64xf32, #tpu.memory_space<hbm>> -> memref<1x640x64xf32, #tpu.memory_space<hbm>>
      %dma_start3A_109 = tpu.memref_squeeze %dma_start3A_108 : memref<1x640x64xf32, #tpu.memory_space<hbm>> -> memref<640x64xf32, #tpu.memory_space<hbm>>
      %dma_start3A_110 = arith.constant 0 : i32
      %dma_start3A_111 = tpu.memref_slice %arg15[%mul3A_103, %dma_start3A_110] : memref<10240x64xf32, #tpu.memory_space<vmem_shared>> -> memref<640x64xf32, #tpu.memory_space<vmem_shared>>
      tpu.enqueue_dma source(%dma_start3A_111 : memref<640x64xf32, #tpu.memory_space<vmem_shared>>) target(%dma_start3A_109 : memref<640x64xf32, #tpu.memory_space<hbm>>) target_semaphore(%run_scoped3A_106 : memref<!tpu.dma_semaphore, #tpu.memory_space<semaphore_mem>>)
      %dma_wait3A_112 = arith.constant 0 : i32
      %dma_wait3A_113 = tpu.memref_slice %arg6[%arg0, %mul3A_105, %dma_wait3A_112] : memref<2x10240x64xf32, #tpu.memory_space<hbm>> -> memref<1x640x64xf32, #tpu.memory_space<hbm>>
      %dma_wait3A_114 = tpu.memref_squeeze %dma_wait3A_113 : memref<1x640x64xf32, #tpu.memory_space<hbm>> -> memref<640x64xf32, #tpu.memory_space<hbm>>
      %dma_wait3A_115 = arith.constant 0 : i32
      %dma_wait3A_116 = tpu.memref_slice %arg15[%mul3A_103, %dma_wait3A_115] : memref<10240x64xf32, #tpu.memory_space<vmem_shared>> -> memref<640x64xf32, #tpu.memory_space<vmem_shared>>
      tpu.wait_dma2 semaphore(%run_scoped3A_106 : memref<!tpu.dma_semaphore, #tpu.memory_space<semaphore_mem>>) src(%dma_wait3A_116 : memref<640x64xf32, #tpu.memory_space<vmem_shared>>) dst(%dma_wait3A_114 : memref<640x64xf32, #tpu.memory_space<hbm>>)
      tpu.yield
    }) : () -> ()
    return
  }
}

module attributes {stable_mosaic.version = 14 : i64} {
  func.func @_t1a_body(%arg0: i32, %arg1: memref<1000x128xf32, #tpu.memory_space<vmem>>, %arg2: memref<128x64xf32, #tpu.memory_space<vmem>>, %arg3: memref<1000x64xf32, #tpu.memory_space<vmem>>) attributes {dimension_semantics = [#tpu.dimension_semantics<arbitrary>], iteration_bounds = array<i64: 10>, scalar_prefetch = 0 : i64, scratch_operands = 0 : i64, tpu.core_type = #tpu.core_type<tc>, window_params = [{transform_indices = @transform_0, window_bounds = array<i64: 1000, 128>}, {pipeline_mode = #tpu.pipeline_mode<synchronous>, transform_indices = @transform_1, window_bounds = array<i64: 128, 64>}, {transform_indices = @transform_2, window_bounds = array<i64: 1000, 64>}]} {
    %get3A = arith.constant 0 : index
    %get3A_0 = arith.constant 0 : index
    %get3A_1 = vector.load %arg1[%get3A, %get3A_0] : memref<1000x128xf32, #tpu.memory_space<vmem>>, vector<1000x128xf32>
    %get3A_2 = arith.constant 0 : index
    %get3A_3 = arith.constant 0 : index
    %get3A_4 = vector.load %arg2[%get3A_2, %get3A_3] : memref<128x64xf32, #tpu.memory_space<vmem>>, vector<128x64xf32>
    %dot_general3A = arith.constant dense<0.000000e+00> : vector<1000x64xf32>
    %dot_general3A_5 = tpu.matmul %get3A_1, %get3A_4, %dot_general3A {dimension_numbers = #tpu.dot_dimension_numbers<[1], [0], [0], [1], [0, 0, 1, 1], [], []>, transpose_lhs_hint = false} : vector<1000x128xf32>, vector<128x64xf32>, vector<1000x64xf32> -> vector<1000x64xf32>
    %swap3A = arith.constant 0 : index
    %swap3A_6 = arith.constant 0 : index
    %swap3A_7 = vector.load %arg3[%swap3A, %swap3A_6] : memref<1000x64xf32, #tpu.memory_space<vmem>>, vector<1000x64xf32>
    tpu.vector_store %arg3[%swap3A, %swap3A_6], %dot_general3A_5 {strides = array<i32>} : memref<1000x64xf32, #tpu.memory_space<vmem>>, vector<1000x64xf32>,
    return
  }
  func.func @transform_0(%arg0: i32) -> (i32, i32) {
    %c0_i32 = arith.constant 0 : i32
    %c0_i32_0 = arith.constant 0 : i32
    return %arg0, %c0_i32 : i32, i32
  }
  func.func @transform_1(%arg0: i32) -> (i32, i32) {
    %c0_i32 = arith.constant 0 : i32
    %c0_i32_0 = arith.constant 0 : i32
    %c0_i32_1 = arith.constant 0 : i32
    return %c0_i32, %c0_i32_0 : i32, i32
  }
  func.func @transform_2(%arg0: i32) -> (i32, i32) {
    %c0_i32 = arith.constant 0 : i32
    %c0_i32_0 = arith.constant 0 : i32
    return %arg0, %c0_i32 : i32, i32
  }
}

module attributes {stable_mosaic.version = 14 : i64} {
  func.func @_t0_body(%arg0: memref<32x10000xf32, #tpu.memory_space<vmem>>, %arg1: memref<10000x64xf32, #tpu.memory_space<vmem>>, %arg2: memref<1x10000xf32, #tpu.memory_space<vmem>>) attributes {dimension_semantics = [], scalar_prefetch = 0 : i64, scratch_operands = 0 : i64, tpu.core_type = #tpu.core_type<tc>} {
    %get3A = arith.constant 0 : index
    %get3A_0 = arith.constant 0 : index
    %get3A_1 = vector.load %arg0[%get3A, %get3A_0] : memref<32x10000xf32, #tpu.memory_space<vmem>>, vector<32x10000xf32>
    %reduce_sum3A = arith.constant dense<0.000000e+00> : vector<10000xf32>
    %reduce_sum3A_2 = vector.multi_reduction <add>, %get3A_1, %reduce_sum3A [0] : vector<32x10000xf32> to vector<10000xf32>
    %broadcast_in_dim3A = vector.shape_cast %reduce_sum3A_2 : vector<10000xf32> to vector<1x10000xf32>
    %add3A = arith.constant 1.000000e+00 : f32
    %add3A_3 = vector.broadcast %add3A : f32 to vector<1x10000xf32>
    %add3A_4 = arith.addf %broadcast_in_dim3A, %add3A_3 : vector<1x10000xf32>
    %rsqrt3A = math.rsqrt %add3A_4 : vector<1x10000xf32>
    %swap3A = arith.constant 0 : index
    %swap3A_5 = arith.constant 0 : index
    %swap3A_6 = vector.load %arg2[%swap3A, %swap3A_5] : memref<1x10000xf32, #tpu.memory_space<vmem>>, vector<1x10000xf32>
    tpu.vector_store %arg2[%swap3A, %swap3A_5], %rsqrt3A {strides = array<i32>} : memref<1x10000xf32, #tpu.memory_space<vmem>>, vector<1x10000xf32>,
    %broadcast_in_dim3A_7 = arith.constant 1.000000e+00 : f32
    %broadcast_in_dim3A_8 = vector.broadcast %broadcast_in_dim3A_7 : f32 to vector<1x64xf32>
    %dot_general3A = arith.constant dense<0.000000e+00> : vector<10000x64xf32>
    %dot_general3A_9 = tpu.matmul %rsqrt3A, %broadcast_in_dim3A_8, %dot_general3A {dimension_numbers = #tpu.dot_dimension_numbers<[0], [0], [1], [1], [0, 1, 1, 1], [], []>, transpose_lhs_hint = false} : vector<1x10000xf32>, vector<1x64xf32>, vector<10000x64xf32> -> vector<10000x64xf32>
    %swap3A_10 = arith.constant 0 : index
    %swap3A_11 = arith.constant 0 : index
    %swap3A_12 = vector.load %arg1[%swap3A_10, %swap3A_11] : memref<10000x64xf32, #tpu.memory_space<vmem>>, vector<10000x64xf32>
    tpu.vector_store %arg1[%swap3A_10, %swap3A_11], %dot_general3A_9 {strides = array<i32>} : memref<10000x64xf32, #tpu.memory_space<vmem>>, vector<10000x64xf32>,
    return
  }
}

module attributes {stable_mosaic.version = 14 : i64} {
  func.func @_t2_body(%arg0: i32, %arg1: memref<1000x64xf32, #tpu.memory_space<vmem>>, %arg2: memref<2x1000x64xf32, #tpu.memory_space<vmem>>, %arg3: memref<1000x64xf32, #tpu.memory_space<vmem>>, %arg4: memref<1x64xf32, #tpu.memory_space<vmem>>, %arg5: memref<1000x64xf32, #tpu.memory_space<vmem>>, %arg6: memref<1x1xf32, #tpu.memory_space<vmem>>, %arg7: memref<1x1xf32, #tpu.memory_space<vmem>>) attributes {dimension_semantics = [#tpu.dimension_semantics<arbitrary>], iteration_bounds = array<i64: 10>, scalar_prefetch = 0 : i64, scratch_operands = 0 : i64, tpu.core_type = #tpu.core_type<tc>, window_params = [{transform_indices = @transform_0, window_bounds = array<i64: 1000, 64>}, {transform_indices = @transform_1, window_bounds = array<i64: 2, 1000, 64>}, {transform_indices = @transform_2, window_bounds = array<i64: 1000, 64>}, {pipeline_mode = #tpu.pipeline_mode<synchronous>, transform_indices = @transform_3, window_bounds = array<i64: 1, 64>}, {transform_indices = @transform_4, window_bounds = array<i64: 1000, 64>}, {pipeline_mode = #tpu.pipeline_mode<synchronous>, transform_indices = @transform_5, window_bounds = array<i64: 1, 1>}, {pipeline_mode = #tpu.pipeline_mode<synchronous>, transform_indices = @transform_6, window_bounds = array<i64: 1, 1>}]} {
    %eq3A = arith.constant 0 : i32
    %eq3A_0 = arith.cmpi eq, %arg0, %eq3A : i32
    %convert_element_type3A = arith.extui %eq3A_0 : i1 to i32
    %cond3A = arith.constant 0 : i32
    %cond3A_1 = arith.cmpi ne, %convert_element_type3A, %cond3A : i32
    scf.if %cond3A_1 {
      %broadcast_in_dim3A = arith.constant 0.000000e+00 : f32
      %broadcast_in_dim3A_47 = vector.broadcast %broadcast_in_dim3A : f32 to vector<1x1xf32>
      %swap3A_48 = arith.constant 0 : index
      %swap3A_49 = arith.constant 0 : index
      %swap3A_50 = vector.load %arg7[%swap3A_48, %swap3A_49] : memref<1x1xf32, #tpu.memory_space<vmem>>, vector<1x1xf32>
      tpu.vector_store %arg7[%swap3A_48, %swap3A_49], %broadcast_in_dim3A_47 {strides = array<i32>} : memref<1x1xf32, #tpu.memory_space<vmem>>, vector<1x1xf32>,
    } else {
    }
    %get3A = arith.constant 0 : index
    %get3A_2 = arith.constant 0 : index
    %get3A_3 = vector.load %arg1[%get3A, %get3A_2] : memref<1000x64xf32, #tpu.memory_space<vmem>>, vector<1000x64xf32>
    %get3A_4 = arith.constant 0 : index
    %get3A_5 = arith.constant 0 : index
    %get3A_6 = arith.constant 0 : index
    %get3A_7 = vector.load %arg2[%get3A_4, %get3A_5, %get3A_6] : memref<2x1000x64xf32, #tpu.memory_space<vmem>>, vector<1x1000x64xf32>
    %get3A_8 = vector.shape_cast %get3A_7 : vector<1x1000x64xf32> to vector<1000x64xf32>
    %get3A_9 = arith.constant 1 : index
    %get3A_10 = arith.constant 0 : index
    %get3A_11 = arith.constant 0 : index
    %get3A_12 = vector.load %arg2[%get3A_9, %get3A_10, %get3A_11] : memref<2x1000x64xf32, #tpu.memory_space<vmem>>, vector<1x1000x64xf32>
    %get3A_13 = vector.shape_cast %get3A_12 : vector<1x1000x64xf32> to vector<1000x64xf32>
    %add3A = arith.addf %get3A_8, %get3A_13 : vector<1000x64xf32>
    %mul3A = arith.mulf %get3A_3, %add3A : vector<1000x64xf32>
    %mul3A_14 = arith.mulf %get3A_3, %get3A_3 : vector<1000x64xf32>
    %get3A_15 = arith.constant 0 : index
    %get3A_16 = arith.constant 0 : index
    %get3A_17 = vector.load %arg3[%get3A_15, %get3A_16] : memref<1000x64xf32, #tpu.memory_space<vmem>>, vector<1000x64xf32>
    %mul3A_18 = arith.mulf %mul3A_14, %get3A_17 : vector<1000x64xf32>
    %add3A_19 = arith.addf %mul3A, %mul3A_18 : vector<1000x64xf32>
    %get3A_20 = arith.constant 0 : index
    %get3A_21 = arith.constant 0 : index
    %get3A_22 = vector.load %arg4[%get3A_20, %get3A_21] : memref<1x64xf32, #tpu.memory_space<vmem>>, vector<1x64xf32>
    %add3A_23 = vector.broadcast %get3A_22 : vector<1x64xf32> to vector<1000x64xf32>
    %add3A_24 = arith.addf %add3A_19, %add3A_23 : vector<1000x64xf32>
    %max3A = arith.constant 0.000000e+00 : f32
    %max3A_25 = vector.broadcast %max3A : f32 to vector<1000x64xf32>
    %max3A_26 = arith.maximumf %add3A_24, %max3A_25 : vector<1000x64xf32>
    %get3A_27 = arith.constant 0 : index
    %get3A_28 = arith.constant 0 : index
    %get3A_29 = vector.load %arg7[%get3A_27, %get3A_28] : memref<1x1xf32, #tpu.memory_space<vmem>>, vector<1x1xf32>
    %get3A_30 = arith.constant 0 : index
    %get3A_31 = arith.constant 0 : index
    %get3A_32 = vector.load %arg5[%get3A_30, %get3A_31] : memref<1000x64xf32, #tpu.memory_space<vmem>>, vector<1000x64xf32>
    %mul3A_33 = arith.mulf %max3A_26, %get3A_32 : vector<1000x64xf32>
    %reduce_sum3A = vector.shape_cast %mul3A_33 : vector<1000x64xf32> to vector<1x1000x64xf32>
    %reduce_sum3A_34 = arith.constant dense<0.000000e+00> : vector<1xf32>
    %reduce_sum3A_35 = vector.multi_reduction <add>, %reduce_sum3A, %reduce_sum3A_34 [1, 2] : vector<1x1000x64xf32> to vector<1xf32>
    %reduce_sum3A_36 = vector.shape_cast %reduce_sum3A_35 : vector<1xf32> to vector<1x1x1xf32>
    %reduce_sum3A_37 = vector.extract %reduce_sum3A_36[0, 0, 0] : f32 from vector<1x1x1xf32>
    %add3A_38 = vector.broadcast %reduce_sum3A_37 : f32 to vector<1x1xf32>
    %add3A_39 = arith.addf %get3A_29, %add3A_38 : vector<1x1xf32>
    %swap3A = arith.constant 0 : index
    %swap3A_40 = arith.constant 0 : index
    %swap3A_41 = vector.load %arg7[%swap3A, %swap3A_40] : memref<1x1xf32, #tpu.memory_space<vmem>>, vector<1x1xf32>
    tpu.vector_store %arg7[%swap3A, %swap3A_40], %add3A_39 {strides = array<i32>} : memref<1x1xf32, #tpu.memory_space<vmem>>, vector<1x1xf32>,
    %eq3A_42 = arith.constant 9 : i32
    %eq3A_43 = arith.cmpi eq, %arg0, %eq3A_42 : i32
    %convert_element_type3A_44 = arith.extui %eq3A_43 : i1 to i32
    %cond3A_45 = arith.constant 0 : i32
    %cond3A_46 = arith.cmpi ne, %convert_element_type3A_44, %cond3A_45 : i32
    scf.if %cond3A_46 {
      %get3A_47 = arith.constant 0 : index
      %get3A_48 = arith.constant 0 : index
      %get3A_49 = vector.load %arg7[%get3A_47, %get3A_48] : memref<1x1xf32, #tpu.memory_space<vmem>>, vector<1x1xf32>
      %get3A_50 = arith.constant 0 : index
      %get3A_51 = arith.constant 0 : index
      %get3A_52 = vector.load %arg6[%get3A_50, %get3A_51] : memref<1x1xf32, #tpu.memory_space<vmem>>, vector<1x1xf32>
      %add3A_53 = arith.addf %get3A_49, %get3A_52 : vector<1x1xf32>
      %neg3A = arith.constant 0.000000e+00 : f32
      %neg3A_54 = vector.broadcast %neg3A : f32 to vector<1x1xf32>
      %neg3A_55 = arith.subf %neg3A_54, %add3A_53 : vector<1x1xf32>
      %exp3A = math.exp %neg3A_55 : vector<1x1xf32>
      %add3A_56 = arith.constant 1.000000e+00 : f32
      %add3A_57 = vector.broadcast %add3A_56 : f32 to vector<1x1xf32>
      %add3A_58 = arith.addf %add3A_57, %exp3A : vector<1x1xf32>
      %div3A = arith.constant 1.000000e+00 : f32
      %div3A_59 = vector.broadcast %div3A : f32 to vector<1x1xf32>
      %div3A_60 = arith.divf %div3A_59, %add3A_58 : vector<1x1xf32>
      %swap3A_61 = arith.constant 0 : index
      %swap3A_62 = arith.constant 0 : index
      %swap3A_63 = vector.load %arg7[%swap3A_61, %swap3A_62] : memref<1x1xf32, #tpu.memory_space<vmem>>, vector<1x1xf32>
      tpu.vector_store %arg7[%swap3A_61, %swap3A_62], %div3A_60 {strides = array<i32>} : memref<1x1xf32, #tpu.memory_space<vmem>>, vector<1x1xf32>,
    } else {
    }
    return
  }
  func.func @transform_0(%arg0: i32) -> (i32, i32) {
    %c0_i32 = arith.constant 0 : i32
    %c0_i32_0 = arith.constant 0 : i32
    return %arg0, %c0_i32 : i32, i32
  }
  func.func @transform_1(%arg0: i32) -> (i32, i32, i32) {
    %c0_i32 = arith.constant 0 : i32
    %c0_i32_0 = arith.constant 0 : i32
    %c0_i32_1 = arith.constant 0 : i32
    return %c0_i32, %arg0, %c0_i32_0 : i32, i32, i32
  }
  func.func @transform_2(%arg0: i32) -> (i32, i32) {
    %c0_i32 = arith.constant 0 : i32
    %c0_i32_0 = arith.constant 0 : i32
    return %arg0, %c0_i32 : i32, i32
  }
  func.func @transform_3(%arg0: i32) -> (i32, i32) {
    %c0_i32 = arith.constant 0 : i32
    %c0_i32_0 = arith.constant 0 : i32
    %c0_i32_1 = arith.constant 0 : i32
    return %c0_i32, %c0_i32_0 : i32, i32
  }
  func.func @transform_4(%arg0: i32) -> (i32, i32) {
    %c0_i32 = arith.constant 0 : i32
    %c0_i32_0 = arith.constant 0 : i32
    return %arg0, %c0_i32 : i32, i32
  }
  func.func @transform_5(%arg0: i32) -> (i32, i32) {
    %c0_i32 = arith.constant 0 : i32
    %c0_i32_0 = arith.constant 0 : i32
    %c0_i32_1 = arith.constant 0 : i32
    return %c0_i32, %c0_i32_0 : i32, i32
  }
  func.func @transform_6(%arg0: i32) -> (i32, i32) {
    %c0_i32 = arith.constant 0 : i32
    %c0_i32_0 = arith.constant 0 : i32
    %c0_i32_1 = arith.constant 0 : i32
    return %c0_i32, %c0_i32_0 : i32, i32
  }
}

</mosaic_0001>

<sc_bundles>
// kernel: kernel.10.cloned.1.call-start
scs
__scs_entry_jumppad:
0x0: {  	(pc) =	sbr.rel $0x88, $3  }
0x1: {  	(tag) =	ssettag $0x0;
	lr =	simm.s32 $0x1  }
0x2: {  	[smem:$0x3F9A] =	sst lr;
	_ =	strace $0xD0000000  }
0x3: {  	_ = 	snop  }
0x4: {  	_ = 	snop  }
0x5: {  	_ = 	snop  }
0x6: {  	_ = 	snop  }
0x7: {  	_ = 	snop  }
__scs_overlays_trampoline_lowered:
0x8: {  	[smem:$0x3FA9] =	sst s0  }
0x9: {  	[smem:$0x3FAA] =	sst s1  }
0xa: {  	[smem:$0x3FAB] =	sst s2  }
0xb: {  	[smem:$0x3FAC] =	sst s3  }
0xc: {  	[smem:$0x3FAD] =	sst s4  }
0xd: {  	[smem:$0x3FAE] =	sst s5  }
0xe: {  	[smem:$0x3FAF] =	sst s6  }
0xf: {  	[smem:$0x3FB0] =	sst s7  }
0x10: {  	[smem:$0x3FB1] =	sst s8  }
0x11: {  	[smem:$0x3FB2] =	sst s9;
	s0 =	simm.s32 @!p0 $0x0  }
0x12: {  	s1 =	sld [smem:$0x3F98];
	s0 =	simm.s32 @p0 $0x1  }
0x13: {  	[smem:$0x3FB3] =	sst s0;
	s0 =	simm.s32 @!p1 $0x0  }
0x14: {  	s2 =	sld [smem:$0x3F97];
	s0 =	simm.s32 @p1 $0x1  }
0x15: {  	[smem:$0x3FB4] =	sst s0;
	s0 =	simm.s32 @!p2 $0x0  }
0x16: {  	s3 =	sld [smem:$0x3FDB];
	s0 =	simm.s32 @p2 $0x1  }
0x17: {  	s4 =	simm.s32 $0x1BF5;
	[smem:$0x3FB6] =	sst s0  }
0x18: {  	s0 =	sld [smem:$0x3F99];
	_ =	swait.ge [sflag:s4], $0x0  }
0x19: {  	s7 =	sld [smem:$0x3F9A]  }
0x1a: {  	s8 =	sadd.s32 $0xFFFFE003, lr  }
0x1b: {  	s9 =	sadd.s32 $0xFFFFFEF7, lr;
	s5 =	simm.s32 $0xFFFFFFFF;
	p2 =	slt.u32 s8, $0xFFFFF086  }
0x1c: {  	p1 =	slt.u32 s9, $0xF7A;
	s5 =	simm.s32 @!p2 $0x0  }
0x1d: {  	s5 =	simm.s32 @p1 $0x1;
	p0 =	seq.s32 s7, s2  }
0x1e: {  	s7 =	smul.u32 @!p0 $0xF7A, s2;
	p2 =	seq.s32 @!p0 s5, $0x0  }
0x1f: {  	s9 =	smul.u32 $0xF7A, s1;
	s8 =	simm.s32 @!p0 $0x1BF5;
	p2 =	por !p2, p0  }
0x20: {  	[sflag:s8] =	ssyncset.s32 @!p0 $0xFFFFF086;
	s6 =	sadd.s32 @!p0 s3, s7;
	s7 =	simm.s32 @!p0 $0x108  }
0x21: {  	s3 =	sadd.s32 s3, s9;
	s6 =	sadd.s32 @!p0 $0x88, s6;
	s7 =	simm.s32 @p2 $0x1082  }
0x22: {  	[simem:s7], [sflag:s8] =	dma.local @!p0 [hbm:s6], $0xF7A  }
0x23: {  	s9 =	sor.u32 $0xD0000000, s2;
	s6 =	simm.s32 $0x108;
	_ =	swait.ge @!p0 [sflag:s8], $0x0  }
0x24: {  	s3 =	sadd.s32 $0x88, s3;
	s6 =	simm.s32 @!p1 $0x1082;
	[sflag:s4] =	ssyncset.s32 $0xFFFFF086  }
0x25: {  	[simem:s6], [sflag:s4] =	dma.local [hbm:s3], $0xF7A  }
0x26: {  	[smem:$0x3F9A] =	sst s1;
	(tag) =	ssettag s2;
	_ =	strace s9  }
0x27: {  	s1 =	sld [smem:$0x3FAA]  }
0x28: {  	s2 =	sld [smem:$0x3FAB]  }
0x29: {  	s4 =	sld [smem:$0x3FAD]  }
0x2a: {  	p0 =	seq.s32 s5, $0x0;
	s5 =	sld [smem:$0x3FAE]  }
0x2b: {  	s6 =	sld [smem:$0x3FAF]  }
0x2c: {  	s7 =	sld [smem:$0x3FB0]  }
0x2d: {  	s3 =	simm.s32 $0x108;
	s8 =	sld [smem:$0x3FB1]  }
0x2e: {  	s3 =	simm.s32 @!p0 $0x1082;
	s9 =	sld [smem:$0x3FB2]  }
0x2f: {  	lr =	sadd.s32 s0, s3;
	s0 =	sld [smem:$0x3FA9]  }
0x30: {  	s3 =	sld [smem:$0x3FAC]  }
0x31: {  	[smem:$0x3FB5] =	sst s10  }
0x32: {  	s10 =	sld [smem:$0x3FB3];
	_ =	sdelay $0x3  }
0x33: {  	p0 =	seq.s32 s10, $0x1;
	s10 =	sld [smem:$0x3FB5];
	_ =	sdelay $0x3  }
0x34: {  	[smem:$0x3FB5] =	sst s10  }
0x35: {  	s10 =	sld [smem:$0x3FB4];
	_ =	sdelay $0x3  }
0x36: {  	p1 =	seq.s32 s10, $0x1;
	s10 =	sld [smem:$0x3FB5];
	_ =	sdelay $0x3  }
0x37: {  	[smem:$0x3FB5] =	sst s10  }
0x38: {  	s10 =	sld [smem:$0x3FB6]  }
0x39: {  	_ = 	snop;
	(pc) =	sbr.ind lr, $3  }
0x3a: {  	_ = 	snop  }
0x3b: {  	_ = 	snop  }
0x3c: {  	p2 =	seq.s32 s10, $0x1;
	s10 =	sld [smem:$0x3FB5]  }
0x3d: {  	_ =	shalt  }
0x3e: {  	_ =	shalt  }
0x3f: {  	_ =	shalt  }
0x40: {  	_ =	shalt  }
0x41: {  	_ =	shalt  }
0x42: {  	_ =	shalt  }
0x43: {  	_ =	shalt  }
0x44: {  	_ =	shalt  }
0x45: {  	_ =	shalt  }
0x46: {  	_ =	shalt  }
0x47: {  	_ =	shalt  }
0x48: {  	_ =	shalt  }
0x49: {  	_ =	shalt  }
0x4a: {  	_ =	shalt  }
0x4b: {  	_ =	shalt  }
0x4c: {  	_ =	shalt  }
0x4d: {  	_ =	shalt  }
0x4e: {  	_ =	shalt  }
0x4f: {  	_ =	shalt  }
0x50: {  	_ =	shalt  }
0x51: {  	_ =	shalt  }
0x52: {  	_ =	shalt  }
0x53: {  	_ =	shalt  }
0x54: {  	_ =	shalt  }
0x55: {  	_ =	shalt  }
0x56: {  	_ =	shalt  }
0x57: {  	_ =	shalt  }
0x58: {  	_ =	shalt  }
0x59: {  	_ =	shalt  }
0x5a: {  	_ =	shalt  }
0x5b: {  	_ =	shalt  }
0x5c: {  	_ =	shalt  }
0x5d: {  	_ =	shalt  }
0x5e: {  	_ =	shalt  }
0x5f: {  	_ =	shalt  }
0x60: {  	_ =	shalt  }
0x61: {  	_ =	shalt  }
0x62: {  	_ =	shalt  }
0x63: {  	_ =	shalt  }
0x64: {  	_ =	shalt  }
0x65: {  	_ =	shalt  }
0x66: {  	_ =	shalt  }
0x67: {  	_ =	shalt  }
0x68: {  	_ =	shalt  }
0x69: {  	_ =	shalt  }
0x6a: {  	_ =	shalt  }
0x6b: {  	_ =	shalt  }
0x6c: {  	_ =	shalt  }
0x6d: {  	_ =	shalt  }
0x6e: {  	_ =	shalt  }
0x6f: {  	_ =	shalt  }
0x70: {  	_ =	shalt  }
0x71: {  	_ =	shalt  }
0x72: {  	_ =	shalt  }
0x73: {  	_ =	shalt  }
0x74: {  	_ =	shalt  }
0x75: {  	_ =	shalt  }
0x76: {  	_ =	shalt  }
0x77: {  	_ =	shalt  }
0x78: {  	_ =	shalt  }
0x79: {  	_ =	shalt  }
0x7a: {  	_ =	shalt  }
0x7b: {  	_ =	shalt  }
0x7c: {  	_ =	shalt  }
0x7d: {  	_ =	shalt  }
0x7e: {  	_ =	shalt  }
0x7f: {  	_ =	shalt  }
0x80: {  	_ =	shalt  }
0x81: {  	_ =	shalt  }
0x82: {  	_ =	shalt  }
0x83: {  	_ =	shalt  }
0x84: {  	_ =	shalt  }
0x85: {  	_ =	shalt  }
0x86: {  	_ =	shalt  }
0x87: {  	_ =	shalt  }
.Lfunc_end0:
.L_simem_size_0:
called_computation.1_lowered:
.L_overlay_start_0:
0x88: {  	s2 =	sld [smem:$0x3FD9]  }
0x89: {  	s3 =	sld [smem:$0x3FFE];
	_ =	sdelay $0x1  }
0x8a: {  	s1 =	srdreg.scid  }
0x8b: {  	s0 =	sand.u32 $0x1, s1  }
0x8c: {  	s17 =	sshll.u32 s0, $0xA;
	s2 =	sadd.s32 s3, s2  }
0x8d: {  	s2 =	sadd.s32 s2, s17  }
0x8e: {  	[smem:$0x3FC1] =	sst s2  }
0x8f: {  	_ = 	snop  }
0x90: {  	s2 =	sld [smem:$0x3FC7];
	(tm) =	ssettm $0x1  }
0x91: {  	s18 =	sld [smem:$0x3FFB];
	_ =	sdelay $0x3  }
0x92: {  	_ =	strace s18  }
0x93: {  	s3 =	sld [smem:$0x3FFC];
	_ =	sdelay $0x3  }
0x94: {  	_ =	strace s3  }
0x95: {  	s3 =	sld [smem:$0x3FFD];
	_ =	sdelay $0x3  }
0x96: {  	_ =	strace s3  }
0x97: {  	_ =	strace $0x8FFFFFFF  }
0x98: {  	s19 =	sld [smem:$0x3FDB];
	_ =	sdelay $0x1  }
0x99: {  	s4 =	simm.s32 $_scs_section_size  }
0x9a: {  	s5 =	simm.s32 $_size__tile_overlayer_lowered;
	s6 =	simm.s32 $_tile_overlayer_lowered  }
0x9b: {  	s22 =	simm.s32 $0x1BFF;
	s21 =	sshll.u32 s6, $0x1;
	s3 =	sadd.s32 s4, s19  }
0x9c: {  	s7 =	simm.s32 $0x0;
	s20 =	sshll.u32 s5, $0x1;
	s5 =	sadd.s32 s21, s3  }
0x9d: {  	[timem:s7], [sflag:s22] =	dma.local [hbm:s5], s20  }
0x9e: {  	_ =	swait.ge [sflag:s22], s20  }
0x9f: {  	s4 =	ssub.s32 $0x0, s20;
	[sflag:s22] =	ssyncset.done $0x0  }
0xa0: {  	[sflag:s22] =	ssyncadd.s32 s4;
	_ =	sdelay $0x1  }
0xa1: {  	s23 =	simm.s32 $0x1B8B  }
0xa2: {  	_ =	swait.ge [sflag:s23], $0x1  }
0xa3: {  	[sflag:s23] =	ssyncset.done $0x0  }
0xa4: {  	s25 =	simm.s32 $0x1B8E;
	s24 =	sld [smem:$0x3FFE];
	[sflag:s23] =	ssyncadd.s32 $0xFFFFFFFF  }
0xa5: {  	s26 =	simm.s32 $execute0_lowered;
	[smem:$0x3FD2] =	sst s25  }
0xa6: {  	s5 =	sshll.u32 s26, $0x1;
	_ =	strace $0x80000049;
	[dreg:$0x1] =	wrdreg $0xFFFFFFFF  }
0xa7: {  	s28 =	simm.s32 $_size_execute0_lowered;
	s3 =	sadd.s32 s3, s5;
	[dreg:$0x0] =	wrdreg $0x0  }
0xa8: {  	s5 =	sshll.u32 s28, $0x1;
	[dreg:$0x2] =	wrdreg s3  }
0xa9: {  	[dreg:$0x3] =	wrdreg s5  }
0xaa: {  	[dreg:$0x4] =	wrdreg $0xC0  }
0xab: {  	_ =	task [dreg:s7], $0x5FFFF  }
0xac: {  	[dreg:$0x1] =	wrdreg $0xFFFFFFFF  }
0xad: {  	[dreg:$0x0] =	wrdreg $0x60  }
0xae: {  	[dreg:$0x2] =	wrdreg s24  }
0xaf: {  	[dreg:$0x3] =	wrdreg s2  }
0xb0: {  	[dreg:$0x4] =	wrdreg $0xEC400  }
0xb1: {  	[dreg:$0x5] =	wrdreg $0x9  }
0xb2: {  	_ =	task.clear_ibuf [dreg:s7], $0x6FFFF;
	_ =	strace $0x90000049  }
0xb3: {  	s29 =	simm.s32 $0x9;
	_ =	strace $0x8000004B  }
0xb4: {  	_ =	swait.ge [sflag:s29], $0x1  }
0xb5: {  	[sflag:s29] =	ssyncadd.s32 $0xFFFFFFFF  }
0xb6: {  	_ =	strace $0x9000004B  }
0xb7: {  	_ =	sfence  }
0xb8: {  	s30 =	sld [smem:$0x0];
	_ =	sdelay $0x2  }
0xb9: {  	s31 =	sshll.u32 s1, $0xD;
	s1 =	sshrl.u32 s1, $0x2  }
0xba: {  	s3 =	sand.u32 $0x4000, s31;
	s1 =	sadd.s32 s1, s30  }
0xbb: {  	s0 =	sor.u32 s3, s0;
	s1 =	sshll.u32 s1, $0x11  }
0xbc: {  	s0 =	sor.u32 s1, s0  }
0xbd: {  	s0 =	sadd.s32 $0x8F2B, s0  }
0xbe: {  	[sflag:s0] =	ssyncadd.remote.s32 $0x1  }
0xbf: {  	_ =	sfence.sel $0xFFFF  }
0xc0: {  	[dreg:$0x0] =	wrdreg $0xFFFFFFFF;
	(pc) =	sbr.abs _section_cstart, $3  }
0xc1: {  	[dreg:$0x1] =	wrdreg $0xFFFFFFFF  }
0xc2: {  	_ =	task.clear_ibuf [dreg:s7], $0x2FFFF;
	_ =	strace $0x9FFFFFFF  }
0xc3: {  	(tm) =	ssettm $0x7FFFFFFF  }
tec
execute0_lowered:
.L_overlay_start_1:
0x0: {  	(tag) =	ssettag $0x1  }
0x1: {  	s0 =	rddreg [dreg:$0x0]  }
0x2: {  	s1 =	srdreg.scid;
	s5 =	rddreg [dreg:$0x1]  }
0x3: {  	s10 =	stileid.u32;
	s2 =	rddreg [dreg:$0x2];
	s28 =	simm.s32 $0xC440  }
0x4: {  	s29 =	simm.s32 $0x1;
	s30 =	simm.s32 $0xD840;
	s31 =	simm.s32 $0x2  }
0x5: {  	s1 =	sand.u32 $0x1, s1;
	s3 =	sshll.u32 s10, $0x1;
	s6 =	smul.u32 $0xA000, s10  }
0x6: {  	s10 =	smul.u32 $0x28000, s10;
	s11 =	sadd.s32 $0x14800, s0;
	s4 =	sor.u32 s1, s3  }
0x7: {  	s3 =	simm.s32 $0x0;
	s8 =	smul.u32 $0xA0000, s1;
	s1 =	ssub.s32 $0x2, s1  }
0x8: {  	s4 =	smul.u32 $0x2710, s4;
	[smem:$0x7FF] =	sst s3;
	s17 =	sshrl.u32 s1, $0x1  }
0x9: {  	s10 =	sshrl.u32 s10, $0x2;
	_ =	strace $0x8000004A;
	[dreg:$0x4] =	wrdreg s11  }
0xa: {  	s8 =	sadd.s32 s6, s8;
	s1 =	ssub.s32 s1, s17;
	s18 =	sadd.s32 s10, s2  }
0xb: {  	s6 =	sadd.s32 s6, s2;
	s7 =	sshrl.u32 s4, $0x3;
	s10 =	sadd.s32 $0x1400, s18  }
0xc: {  	s4 =	sadd.s32 $0x1E600, s0;
	s19 =	sadd.s32 $0x2800, s18;
	[dreg:$0x5] =	wrdreg s10  }
0xd: {  	s8 =	sshrl.u32 s8, $0x3;
	s20 =	sadd.s32 $0x3C00, s18;
	[dreg:$0x6] =	wrdreg s19  }
0xe: {  	s21 =	sadd.s32 $0x5000, s18;
	s22 =	sadd.s32 $0x6400, s18;
	[dreg:$0x7] =	wrdreg s20  }
0xf: {  	s23 =	sadd.s32 $0x7800, s18;
	s26 =	smax.u32 s1, $0x1;
	[dreg:$0x8] =	wrdreg s21  }
0x10: {  	s1 =	simm.s32 $0x5;
	s9 =	sadd.s32 s7, s0;
	[dreg:$0x9] =	wrdreg s22  }
0x11: {  	s0 =	sadd.s32 s8, s0;
	[dreg:$0xa] =	wrdreg s23;
	s8 =	sadd.s32 $0x8C00, s18  }
0x12: {  	s5 =	sadd.s32 s5, s7;
	[dreg:$0x10] =	wrdreg s26;
	s19 =	simm.s32 $0x9C40  }
0x13: {  	s20 =	simm.s32 $0x9;
	s22 =	simm.s32 $0x4E20;
	s23 =	simm.s32 $0x7530  }
0x14: {  	s21 =	simm.s32 $0x3;
	s26 =	simm.s32 $0x4;
	[dreg:$0xb] =	wrdreg s8  }
0x15: {  	s7 =	simm.s32 $0x8;
	s24 =	sadd.s32 $0xE00, s9;
	[dreg:$0xe] =	wrdreg s5  }
0x16: {  	s25 =	sadd.s32 $0xAA40, s9;
	s0 =	sadd.s32 $0x32000, s0;
	[dreg:$0xc] =	wrdreg s24  }
0x17: {  	v1 =	vimm.s32 $0x0;
	vm0 =	vcmask $0x300;
	s5 =	simm.s32 $0x7;
	s8 =	simm.s32 $0x0;
	[dreg:$0xd] =	wrdreg s25  }
0x18: {  	v0 =	vimm.f32 $0.0e+00;
	v1 =	vsel vm0, $0x3, v1;
	[dreg:$0xf] =	wrdreg s0;
	s24 =	simm.s32 $0x50;
	s25 =	simm.s32 $0xB040  }
.LBB2_1:
0x19: {  	s9 =	simm.s32 $0x9CC0  }
0x1a: {  	[tilespmem:s9+$0xFFFFFF80] =	vst v0  }
0x1b: {  	[tilespmem:s9+$0x70] =	vst v0  }
0x1c: {  	[tilespmem:s9+$0x60] =	vst v0  }
0x1d: {  	[tilespmem:s9+$0x50] =	vst v0  }
0x1e: {  	[tilespmem:s9+$0x40] =	vst v0  }
0x1f: {  	[tilespmem:s9+$0x30] =	vst v0  }
0x20: {  	[tilespmem:s9+$0x20] =	vst v0  }
0x21: {  	[tilespmem:s9+$0x10] =	vst v0  }
0x22: {  	[tilespmem:s9+$0x0] =	vst v0  }
0x23: {  	[tilespmem:s9+$0xFFFFFFF0] =	vst v0  }
0x24: {  	[tilespmem:s9+$0xFFFFFFE0] =	vst v0  }
0x25: {  	[tilespmem:s9+$0xFFFFFFD0] =	vst v0  }
0x26: {  	[tilespmem:s9+$0xFFFFFFC0] =	vst v0  }
0x27: {  	[tilespmem:s9+$0xFFFFFFB0] =	vst v0  }
0x28: {  	s10 =	simm.s32 $0x0;
	[tilespmem:s9+$0xFFFFFFA0] =	vst v0  }
.LBB2_2:
0x29: {  	s10 =	sadd.s32 $0x4, s10;
	[tilespmem:s9+$0xFFFFFF90] =	vst v0;
	s9 =	sadd.s32 $0x100, s9  }
0x2a: {  	[tilespmem:s9+$0xFFFFFF80] =	vst v0;
	p0 =	slt.u32 s10, $0x4C  }
0x2b: {  	[tilespmem:s9+$0x70] =	vst v0  }
0x2c: {  	[tilespmem:s9+$0x60] =	vst v0  }
0x2d: {  	[tilespmem:s9+$0x50] =	vst v0  }
0x2e: {  	[tilespmem:s9+$0x40] =	vst v0  }
0x2f: {  	[tilespmem:s9+$0x30] =	vst v0  }
0x30: {  	[tilespmem:s9+$0x20] =	vst v0  }
0x31: {  	[tilespmem:s9+$0x10] =	vst v0  }
0x32: {  	[tilespmem:s9+$0x0] =	vst v0  }
0x33: {  	[tilespmem:s9+$0xFFFFFFF0] =	vst v0  }
.Ltmp0:
0x34: {  	[tilespmem:s9+$0xFFFFFFE0] =	vst v0;
	(pc) =	sbr.rel @p0 .LBB2_2-.Ltmp0, $4  }
0x35: {  	[tilespmem:s9+$0xFFFFFFD0] =	vst v0  }
0x36: {  	[tilespmem:s9+$0xFFFFFFC0] =	vst v0  }
0x37: {  	[tilespmem:s9+$0xFFFFFFB0] =	vst v0  }
0x38: {  	[tilespmem:s9+$0xFFFFFFA0] =	vst v0  }
0x39: {  	[tilespmem:s9+$0xFFFFFF90] =	vst v0  }
0x3a: {  	[spmem:s6] =	stream.linear.scatter [tilespmem:s19], [sflag:$0x9], $0x1400, $0x38;
	[tilespmem:$0x18C40] =	vst v63  }
0x3b: {  	_ =	swait.ge [sflag:s20], $0x1400  }
0x3c: {  	[sflag:s20] =	ssyncset.done $0x0  }
0x3d: {  	s0 =	rddreg [dreg:$0x5];
	[sflag:s20] =	ssyncadd.s32 $0xFFFFEC00  }
0x3e: {  	[spmem:s0] =	stream.linear.scatter [tilespmem:s19], [sflag:$0x9], $0x1400, $0x38;
	[tilespmem:$0x18C40] =	vst v63  }
0x3f: {  	_ =	swait.ge [sflag:s20], $0x1400  }
0x40: {  	[sflag:s20] =	ssyncset.done $0x0  }
0x41: {  	s18 =	rddreg [dreg:$0x6];
	[sflag:s20] =	ssyncadd.s32 $0xFFFFEC00  }
0x42: {  	[spmem:s18] =	stream.linear.scatter [tilespmem:s19], [sflag:$0x9], $0x1400, $0x38;
	[tilespmem:$0x18C40] =	vst v63  }
0x43: {  	_ =	swait.ge [sflag:s20], $0x1400  }
0x44: {  	[sflag:s20] =	ssyncset.done $0x0  }
0x45: {  	s9 =	rddreg [dreg:$0x7];
	[sflag:s20] =	ssyncadd.s32 $0xFFFFEC00  }
0x46: {  	[spmem:s9] =	stream.linear.scatter [tilespmem:s19], [sflag:$0x9], $0x1400, $0x38;
	[tilespmem:$0x18C40] =	vst v63  }
0x47: {  	_ =	swait.ge [sflag:s20], $0x1400  }
0x48: {  	[sflag:s20] =	ssyncset.done $0x0  }
0x49: {  	s10 =	rddreg [dreg:$0x8];
	[sflag:s20] =	ssyncadd.s32 $0xFFFFEC00  }
0x4a: {  	[spmem:s10] =	stream.linear.scatter [tilespmem:s19], [sflag:$0x9], $0x1400, $0x38;
	[tilespmem:$0x18C40] =	vst v63  }
0x4b: {  	_ =	swait.ge [sflag:s20], $0x1400  }
0x4c: {  	[sflag:s20] =	ssyncset.done $0x0  }
0x4d: {  	s11 =	rddreg [dreg:$0x9];
	[sflag:s20] =	ssyncadd.s32 $0xFFFFEC00  }
0x4e: {  	[spmem:s11] =	stream.linear.scatter [tilespmem:s19], [sflag:$0x9], $0x1400, $0x38;
	[tilespmem:$0x18C40] =	vst v63  }
0x4f: {  	_ =	swait.ge [sflag:s20], $0x1400  }
0x50: {  	[sflag:s20] =	ssyncset.done $0x0  }
0x51: {  	s12 =	rddreg [dreg:$0xa];
	[sflag:s20] =	ssyncadd.s32 $0xFFFFEC00  }
0x52: {  	[spmem:s12] =	stream.linear.scatter [tilespmem:s19], [sflag:$0x9], $0x1400, $0x38;
	[tilespmem:$0x18C40] =	vst v63  }
0x53: {  	_ =	swait.ge [sflag:s20], $0x1400  }
0x54: {  	[sflag:s20] =	ssyncset.done $0x0  }
0x55: {  	s13 =	rddreg [dreg:$0xb];
	[sflag:s20] =	ssyncadd.s32 $0xFFFFEC00  }
0x56: {  	[spmem:s13] =	stream.linear.scatter [tilespmem:s19], [sflag:$0x9], $0x1400, $0x38;
	[tilespmem:$0x18C40] =	vst v63  }
0x57: {  	_ =	swait.ge [sflag:s20], $0x1400  }
0x58: {  	[sflag:s20] =	ssyncset.done $0x0  }
0x59: {  	s9 =	simm.s32 $0x0;
	s14 =	rddreg [dreg:$0xc];
	[sflag:s20] =	ssyncadd.s32 $0xFFFFEC00  }
0x5a: {  	[tilespmem:s9], [sflag:$0x9] =	stream.linear.gather [hbm4b:s14+s9], $0x2710, $0x38;
	[tilespmem:$0x18C40] =	vst v63  }
0x5b: {  	_ =	swait.ge [sflag:s20], $0x2710  }
0x5c: {  	[sflag:s20] =	ssyncset.done $0x0  }
0x5d: {  	s10 =	simm.s32 $0x2710;
	s15 =	rddreg [dreg:$0xd];
	[sflag:s20] =	ssyncadd.s32 $0xFFFFD8F0  }
0x5e: {  	[tilespmem:s10], [sflag:$0x9] =	stream.linear.gather [hbm4b:s15+s9], $0x2710, $0x38;
	[tilespmem:$0x18C40] =	vst v63  }
0x5f: {  	_ =	swait.ge [sflag:s20], $0x2710  }
0x60: {  	[sflag:s20] =	ssyncset.done $0x0  }
0x61: {  	s16 =	rddreg [dreg:$0xe];
	[sflag:s20] =	ssyncadd.s32 $0xFFFFD8F0  }
0x62: {  	[tilespmem:s22], [sflag:$0x9] =	stream.linear.gather [hbm4b:s16+s9], $0x2710, $0x38;
	[tilespmem:$0x18C40] =	vst v63  }
0x63: {  	_ =	swait.ge [sflag:s20], $0x2710  }
0x64: {  	[sflag:s20] =	ssyncset.done $0x0  }
0x65: {  	s17 =	rddreg [dreg:$0x4];
	[sflag:s20] =	ssyncadd.s32 $0xFFFFD8F0  }
0x66: {  	[tilespmem:s23], [sflag:$0x9] =	stream.linear.gather [hbm4b:s17+s9], $0x2710, $0x38;
	[tilespmem:$0x18C40] =	vst v63  }
0x67: {  	_ =	swait.ge [sflag:s20], $0x2710  }
0x68: {  	[sflag:s20] =	ssyncset.done $0x0  }
0x69: {  	[sflag:s20] =	ssyncadd.s32 $0xFFFFD8F0  }
0x6a: {  	[bflag:$0x0] =	sbarrier.arrive $0xFFFF  }
0x6b: {  	[tilespmem:s19], [sflag:$0x1] =	stream.indirect.gather [hbm4b:s4+s24], $0x40, s9, s24, $0xb8;
	[tilespmem:$0x18C40] =	vst v63  }
0x6c: {  	_ = 	snop  }
0x6d: {  	[tilespmem:s25], [sflag:$0x2] =	stream.indirect.gather [hbm4b:s4+s24], $0x40, s24, s24, $0xb8;
	[tilespmem:$0x18C40] =	vst v63  }
0x6e: {  	s18 =	simm.s32 $0xA0;
	s10 =	simm.s32 $0x0  }
0x6f: {  	[tilespmem:s28], [sflag:$0x3] =	stream.indirect.gather [hbm4b:s4+s24], $0x40, s18, s24, $0xb8;
	[tilespmem:$0x18C40] =	vst v63  }
.LBB2_4:
0x70: {  	_ =	swait.ge [sflag:s29], $0x1400  }
0x71: {  	s11 =	simm.s32 $0x1;
	[sflag:s29] =	ssyncset.done $0x0  }
0x72: {  	s13 =	sshll.u32 s10, $0x2;
	v9 =	vmov s9;
	v10 =	vmov s11;
	s11 =	simm.s32 $0x9D40;
	[sflag:s29] =	ssyncadd.s32 $0xFFFFEC00  }
0x73: {  	s12 =	simm.s32 $0x2;
	s14 =	simm.s32 $0x3;
	s15 =	simm.s32 $0x6;
	v2 =	vmov s13;
	v9 =	vshrl.u32 v9, $0x3;
	v40 =	vld [tilespmem:s11+$0xF0]  }
0x74: {  	v11 =	vmov s12;
	v12 =	vmov s14;
	s12 =	simm.s32 $0x4;
	s14 =	simm.s32 $0x5;
	v15 =	vmov s15;
	v27 =	vld [tilespmem:s11+$0xFFFFFF00]  }
0x75: {  	v2 =	vmul.u32 $0x50, v2;
	v13 =	vmov s12;
	v14 =	vmov s14;
	v28 =	vld [tilespmem:s11+$0xFFFFFF10]  }
0x76: {  	v9 =	vshll.u32 v9, v1;
	v10 =	vshrl.u32 v10, $0x3;
	v11 =	vshrl.u32 v11, $0x3;
	v29 =	vld [tilespmem:s11+$0xFFFFFF20]  }
0x77: {  	v12 =	vshrl.u32 v12, $0x3;
	v15 =	vshrl.u32 v15, $0x3;
	v13 =	vshrl.u32 v13, $0x3;
	v41 =	vld [tilespmem:s11+$0xFFFFFF40]  }
0x78: {  	v14 =	vshrl.u32 v14, $0x3;
	v10 =	vshll.u32 v10, v1;
	v30 =	vld [tilespmem:s11+$0xFFFFFF50];
	v9 =	vadd.s32 v2, v9  }
0x79: {  	v11 =	vshll.u32 v11, v1;
	v12 =	vshll.u32 v12, v1;
	v31 =	vld [tilespmem:s11+$0xFFFFFF60];
	v9 =	vbroadcast v9, $0x0  }
0x7a: {  	v43 =	vld [tilespmem:s11+$0xFFFFFF70];
	v3 =	vor.u32 $0x1, v2;
	v4 =	vor.u32 $0x2, v2;
	v5 =	vor.u32 $0x3, v2  }
0x7b: {  	v44 =	vld [tilespmem:s11+$0xFFFFFF90];
	v6 =	vor.u32 $0x4, v2;
	v7 =	vor.u32 $0x5, v2;
	v10 =	vadd.s32 v10, v3  }
0x7c: {  	v45 =	vld [tilespmem:s11+$0xFFFFFFA0];
	v8 =	vor.u32 $0x6, v2;
	v11 =	vadd.s32 v11, v4;
	v10 =	vbroadcast v10, $0x0  }
0x7d: {  	v48 =	vld [tilespmem:s11+$0xFFFFFFD0];
	v13 =	vshll.u32 v13, v1;
	v16 =	vbroadcast v11, $0x0;
	v11 =	vadd.s32 v12, v5  }
0x7e: {  	v50 =	vld [tilespmem:s11+$0xFFFFFFE0];
	v12 =	vshll.u32 v14, v1;
	v14 =	vbroadcast v11, $0x0;
	v11 =	vadd.s32 v13, v6  }
0x7f: {  	s16 =	simm.s32 $0x7;
	v13 =	vshll.u32 v15, v1;
	v15 =	vbroadcast v11, $0x0;
	v11 =	vadd.s32 v12, v7;
	v12 =	vld.idx.msk [tilespmem:v9+s22+$0x0], $0xffff  }
0x80: {  	v17 =	vbroadcast v11, $0x0;
	v11 =	vadd.s32 v13, v8;
	v13 =	vld.idx.msk [tilespmem:v9+s3+$0x0], $0xffff;
	v9 =	vmov s16  }
0x81: {  	v55 =	vld [tilespmem:s11+$0x20];
	v18 =	vbroadcast v11, $0x0;
	v11 =	vshrl.u32 v9, $0x3  }
0x82: {  	v19 =	vld.idx.msk [tilespmem:v10+s22+$0x0], $0xffff;
	v9 =	vor.u32 $0x7, v2;
	v11 =	vshll.u32 v11, v1  }
0x83: {  	v20 =	vld.idx.msk [tilespmem:v16+s22+$0x0], $0xffff;
	v24 =	vadd.s32 v11, v9  }
0x84: {  	v10 =	vld.idx.msk [tilespmem:v10+s3+$0x0], $0xffff;
	v24 =	vbroadcast v24, $0x0  }
0x85: {  	v16 =	vld.idx.msk [tilespmem:v16+s3+$0x0], $0xffff  }
0x86: {  	v21 =	vld.idx.msk [tilespmem:v14+s22+$0x0], $0xffff  }
0x87: {  	v14 =	vld.idx.msk [tilespmem:v14+s3+$0x0], $0xffff  }
0x88: {  	v22 =	vld.idx.msk [tilespmem:v15+s22+$0x0], $0xffff  }
0x89: {  	v13 =	vld.idx.msk [tilespmem:v13+s23+$0x0], $0xffff  }
0x8a: {  	v25 =	vld.idx.msk [tilespmem:v24+s3+$0x0], $0xffff  }
0x8b: {  	v15 =	vld.idx.msk [tilespmem:v15+s3+$0x0], $0xffff  }
0x8c: {  	v23 =	vld.idx.msk [tilespmem:v17+s22+$0x0], $0xffff  }
0x8d: {  	v26 =	vld.idx.msk [tilespmem:v10+s23+$0x0], $0xffff  }
0x8e: {  	v12 =	vmul.f32 v13, v12;
	v13 =	vld [tilespmem:s11+$0xFFFFFF30]  }
0x8f: {  	v17 =	vld.idx.msk [tilespmem:v17+s3+$0x0], $0xffff  }
0x90: {  	v16 =	vld.idx.msk [tilespmem:v16+s23+$0x0], $0xffff;
	v27 =	vmul.f32 v12, v27  }
0x91: {  	v10 =	vld.idx.msk [tilespmem:v24+s22+$0x0], $0xffff;
	v28 =	vmul.f32 v28, v12  }
0x92: {  	v19 =	vmul.f32 v26, v19;
	v42 =	vmul.f32 v29, v12;
	[tilespmem:s11+$0xFFFFFF00] =	vst v27;
	v39 =	vld.idx.msk [tilespmem:v25+s23+$0x0], $0xffff  }
0x93: {  	[tilespmem:s11+$0xFFFFFF10] =	vst v28;
	v12 =	vmul.f32 v13, v12;
	v13 =	vld [tilespmem:s11+$0xFFFFFF80]  }
0x94: {  	v11 =	vld.idx.msk [tilespmem:v18+s22+$0x0], $0xffff;
	v24 =	vmul.f32 v19, v41;
	[tilespmem:s11+$0xFFFFFF20] =	vst v42  }
0x95: {  	v18 =	vld.idx.msk [tilespmem:v18+s3+$0x0], $0xffff;
	[tilespmem:s11+$0xFFFFFF30] =	vst v12;
	v12 =	vmul.f32 v30, v19  }
0x96: {  	v14 =	vld.idx.msk [tilespmem:v14+s23+$0x0], $0xffff;
	v16 =	vmul.f32 v16, v20;
	v46 =	vmul.f32 v31, v19;
	[tilespmem:s11+$0xFFFFFF40] =	vst v24  }
0x97: {  	v20 =	vld [tilespmem:s11+$0xFFFFFFB0];
	[tilespmem:s11+$0xFFFFFF50] =	vst v12;
	v12 =	vmul.f32 v43, v19  }
0x98: {  	s17 =	simm.s32 $0x8;
	s18 =	simm.s32 $0x9;
	[tilespmem:s11+$0xFFFFFF60] =	vst v46;
	v19 =	vld [tilespmem:s11+$0xFFFFFFC0];
	v10 =	vmul.f32 v39, v10;
	v13 =	vmul.f32 v16, v13  }
0x99: {  	s0 =	simm.s32 $0xA;
	v47 =	vmov s17;
	v49 =	vmov s18;
	s15 =	simm.s32 $0xB;
	v15 =	vld.idx.msk [tilespmem:v15+s23+$0x0], $0xffff;
	[tilespmem:s11+$0xFFFFFF70] =	vst v12;
	v12 =	vmul.f32 v44, v16  }
0x9a: {  	v51 =	vmov s0;
	s18 =	simm.s32 $0xE;
	v52 =	vmov s15;
	v17 =	vld.idx.msk [tilespmem:v17+s23+$0x0], $0xffff;
	v25 =	vmul.f32 v40, v10;
	[tilespmem:s11+$0xFFFFFF80] =	vst v13  }
0x9b: {  	v54 =	vmov s18;
	v14 =	vmul.f32 v14, v21;
	v21 =	vld [tilespmem:s11+$0xFFFFFFF0];
	v13 =	vmul.f32 v45, v16;
	[tilespmem:s11+$0xFFFFFF90] =	vst v12  }
0x9c: {  	v56 =	vshrl.u32 v52, $0x3;
	v58 =	vshrl.u32 v54, $0x3;
	s16 =	simm.s32 $0xC;
	v12 =	vmul.f32 v20, v16;
	v16 =	vld [tilespmem:s11+$0x0];
	[tilespmem:s11+$0xF0] =	vst v25  }
0x9d: {  	v62 =	vshll.u32 v58, v1;
	v53 =	vmov s16;
	[tilespmem:s11+$0xFFFFFFA0] =	vst v13;
	v13 =	vmul.f32 v14, v19;
	v19 =	vld [tilespmem:s11+$0x10]  }
0x9e: {  	v57 =	vshrl.u32 v53, $0x3;
	v18 =	vld.idx.msk [tilespmem:v18+s23+$0x0], $0xffff;
	v26 =	vshrl.u32 v47, $0x3;
	[tilespmem:s11+$0xFFFFFFB0] =	vst v12;
	v12 =	vmul.f32 v48, v14  }
0x9f: {  	v29 =	vshrl.u32 v51, $0x3;
	v15 =	vmul.f32 v15, v22;
	v22 =	vld [tilespmem:s11+$0x30];
	[tilespmem:s11+$0xFFFFFFC0] =	vst v13;
	v13 =	vmul.f32 v50, v14  }
0xa0: {  	v26 =	vshll.u32 v26, v1;
	v29 =	vshll.u32 v29, v1;
	[tilespmem:s11+$0xFFFFFFD0] =	vst v12;
	v12 =	vmul.f32 v21, v14;
	v14 =	vld [tilespmem:s11+$0x40]  }
0xa1: {  	v28 =	vshrl.u32 v49, $0x3;
	v23 =	vmul.f32 v17, v23;
	[tilespmem:s11+$0xFFFFFFE0] =	vst v13;
	v13 =	vmul.f32 v15, v16;
	v16 =	vld [tilespmem:s11+$0x50]  }
0xa2: {  	v27 =	vshll.u32 v57, v1;
	v28 =	vshll.u32 v28, v1;
	[tilespmem:s11+$0xFFFFFFF0] =	vst v12;
	v12 =	vmul.f32 v19, v15;
	v19 =	vld [tilespmem:s11+$0x60]  }
0xa3: {  	v59 =	vld [tilespmem:s11+$0x70];
	v60 =	vmul.f32 v18, v11;
	v17 =	vadd.s32 v28, v3;
	[tilespmem:s11+$0x0] =	vst v13;
	v13 =	vmul.f32 v55, v15  }
0xa4: {  	s17 =	simm.s32 $0xD;
	v17 =	vbroadcast v17, $0x0;
	v21 =	vadd.s32 v2, v26;
	[tilespmem:s11+$0x10] =	vst v12;
	v12 =	vmul.f32 v22, v15;
	v15 =	vld [tilespmem:s11+$0x80]  }
0xa5: {  	v20 =	vmov s17;
	v22 =	vbroadcast v21, $0x0;
	v21 =	vld [tilespmem:s11+$0xA0];
	[tilespmem:s11+$0x20] =	vst v13;
	v13 =	vmul.f32 v23, v14  }
0xa6: {  	v20 =	vshrl.u32 v20, $0x3;
	v25 =	vshll.u32 v56, v1;
	v14 =	vld [tilespmem:s11+$0x90];
	[tilespmem:s11+$0x30] =	vst v12;
	v12 =	vmul.f32 v16, v23  }
0xa7: {  	v61 =	vld [tilespmem:s11+$0xB0];
	v20 =	vshll.u32 v20, v1;
	v16 =	vadd.s32 v29, v4;
	[tilespmem:s11+$0x40] =	vst v13;
	v19 =	vmul.f32 v19, v23  }
0xa8: {  	v11 =	vadd.s32 v25, v5;
	v13 =	vbroadcast v16, $0x0;
	[tilespmem:s11+$0x50] =	vst v12;
	v12 =	vmul.f32 v59, v23;
	v23 =	vld [tilespmem:s11+$0xC0]  }
0xa9: {  	v18 =	vbroadcast v11, $0x0;
	v11 =	vld [tilespmem:s11+$0xD0];
	v16 =	vadd.s32 v27, v6;
	[tilespmem:s11+$0x60] =	vst v19;
	v15 =	vmul.f32 v60, v15  }
0xaa: {  	v20 =	vadd.s32 v20, v7;
	v19 =	vbroadcast v16, $0x0;
	v63 =	vmul.f32 v21, v60;
	[tilespmem:s11+$0x70] =	vst v12;
	v12 =	vld [tilespmem:s11+$0xE0]  }
0xab: {  	v24 =	vadd.s32 v62, v8;
	v21 =	vbroadcast v20, $0x0;
	v14 =	vmul.f32 v14, v60;
	v16 =	vld.idx.msk [tilespmem:v22+s22+$0x0], $0xffff;
	[tilespmem:s11+$0x80] =	vst v15  }
0xac: {  	v20 =	vld.idx.msk [tilespmem:v22+s3+$0x0], $0xffff;
	v22 =	vbroadcast v24, $0x0;
	v15 =	vmul.f32 v61, v60;
	[tilespmem:s11+$0xA0] =	vst v63  }
0xad: {  	s14 =	simm.s32 $0xF;
	s12 =	simm.s32 $0x10;
	[tilespmem:s11+$0x90] =	vst v14;
	v14 =	vld.idx.msk [tilespmem:v17+s22+$0x0], $0xffff;
	v23 =	vmul.f32 v10, v23  }
.LBB2_5:
0xae: {  	p0 =	slt.u32 s12, $0x48;
	v24 =	vld.idx.msk [tilespmem:v13+s22+$0x0], $0xffff;
	v25 =	vmov s14;
	[tilespmem:s11+$0xB0] =	vst v15;
	v11 =	vmul.f32 v11, v10  }
0xaf: {  	v26 =	vld.idx.msk [tilespmem:v18+s22+$0x0], $0xffff;
	v25 =	vshrl.u32 v25, $0x3;
	[tilespmem:s11+$0xC0] =	vst v23;
	v10 =	vmul.f32 v12, v10  }
0xb0: {  	v15 =	vld.idx.msk [tilespmem:v19+s22+$0x0], $0xffff;
	v23 =	vshll.u32 v25, v1;
	[tilespmem:s11+$0xD0] =	vst v11  }
0xb1: {  	v12 =	vld.idx.msk [tilespmem:v21+s22+$0x0], $0xffff;
	v23 =	vadd.s32 v23, v9;
	[tilespmem:s11+$0xE0] =	vst v10  }
0xb2: {  	v11 =	vld.idx.msk [tilespmem:v22+s22+$0x0], $0xffff;
	v10 =	vbroadcast v23, $0x0  }
0xb3: {  	v17 =	vld.idx.msk [tilespmem:v17+s3+$0x0], $0xffff  }
0xb4: {  	v13 =	vld.idx.msk [tilespmem:v13+s3+$0x0], $0xffff  }
0xb5: {  	v18 =	vld.idx.msk [tilespmem:v18+s3+$0x0], $0xffff  }
0xb6: {  	v19 =	vld.idx.msk [tilespmem:v19+s3+$0x0], $0xffff  }
0xb7: {  	v21 =	vld.idx.msk [tilespmem:v21+s3+$0x0], $0xffff  }
0xb8: {  	v23 =	vld.idx.msk [tilespmem:v10+s3+$0x0], $0xffff  }
0xb9: {  	v22 =	vld.idx.msk [tilespmem:v22+s3+$0x0], $0xffff  }
0xba: {  	v20 =	vld.idx.msk [tilespmem:v20+s23+$0x0], $0xffff  }
0xbb: {  	v17 =	vld.idx.msk [tilespmem:v17+s23+$0x0], $0xffff  }
0xbc: {  	v25 =	vld.idx.msk [tilespmem:v13+s23+$0x0], $0xffff  }
0xbd: {  	v18 =	vld.idx.msk [tilespmem:v18+s23+$0x0], $0xffff  }
0xbe: {  	v19 =	vld.idx.msk [tilespmem:v19+s23+$0x0], $0xffff  }
0xbf: {  	v10 =	vld.idx.msk [tilespmem:v10+s22+$0x0], $0xffff  }
0xc0: {  	v23 =	vld.idx.msk [tilespmem:v23+s23+$0x0], $0xffff  }
0xc1: {  	v21 =	vld.idx.msk [tilespmem:v21+s23+$0x0], $0xffff  }
0xc2: {  	s11 =	sadd.s32 $0x200, s11;
	v13 =	vld.idx.msk [tilespmem:v22+s23+$0x0], $0xffff  }
0xc3: {  	v22 =	vld [tilespmem:s11+$0xF0]  }
0xc4: {  	v27 =	vld [tilespmem:s11+$0xFFFFFF00]  }
0xc5: {  	v28 =	vld [tilespmem:s11+$0xFFFFFF10]  }
0xc6: {  	v10 =	vmul.f32 v23, v10;
	v29 =	vld [tilespmem:s11+$0xFFFFFF20]  }
0xc7: {  	v16 =	vmul.f32 v20, v16;
	v20 =	vld [tilespmem:s11+$0xFFFFFF30]  }
0xc8: {  	v23 =	vld [tilespmem:s11+$0xFFFFFF40];
	v22 =	vmul.f32 v22, v10  }
0xc9: {  	v27 =	vmul.f32 v16, v27;
	v30 =	vld [tilespmem:s11+$0xFFFFFF50]  }
0xca: {  	v28 =	vmul.f32 v28, v16;
	v31 =	vld [tilespmem:s11+$0xFFFFFF60];
	[tilespmem:s11+$0xF0] =	vst v22  }
0xcb: {  	v14 =	vmul.f32 v17, v14;
	[tilespmem:s11+$0xFFFFFF00] =	vst v27;
	v22 =	vmul.f32 v29, v16;
	v17 =	vld [tilespmem:s11+$0xFFFFFF70]  }
0xcc: {  	[tilespmem:s11+$0xFFFFFF10] =	vst v28;
	v16 =	vmul.f32 v20, v16;
	v20 =	vld [tilespmem:s11+$0xFFFFFF80]  }
0xcd: {  	[tilespmem:s11+$0xFFFFFF20] =	vst v22;
	v22 =	vmul.f32 v14, v23;
	v23 =	vld [tilespmem:s11+$0xFFFFFF90]  }
0xce: {  	[tilespmem:s11+$0xFFFFFF30] =	vst v16;
	v16 =	vmul.f32 v30, v14;
	v27 =	vld [tilespmem:s11+$0xFFFFFFA0]  }
0xcf: {  	v24 =	vmul.f32 v25, v24;
	[tilespmem:s11+$0xFFFFFF40] =	vst v22;
	v22 =	vmul.f32 v31, v14;
	v25 =	vld [tilespmem:s11+$0xFFFFFFB0]  }
0xd0: {  	v28 =	vmov s12;
	[tilespmem:s11+$0xFFFFFF50] =	vst v16;
	v14 =	vmul.f32 v17, v14;
	v16 =	vld [tilespmem:s11+$0xFFFFFFC0]  }
0xd1: {  	s14 =	sadd.s32 $0x1, s12;
	s15 =	sadd.s32 $0x2, s12;
	v17 =	vshrl.u32 v28, $0x3;
	[tilespmem:s11+$0xFFFFFF60] =	vst v22;
	v20 =	vmul.f32 v24, v20;
	v22 =	vld [tilespmem:s11+$0xFFFFFFD0]  }
0xd2: {  	v29 =	vmov s15;
	v28 =	vmov s14;
	s14 =	sadd.s32 $0x3, s12;
	[tilespmem:s11+$0xFFFFFF70] =	vst v14;
	v14 =	vmul.f32 v23, v24;
	v23 =	vld [tilespmem:s11+$0xFFFFFFE0]  }
0xd3: {  	v18 =	vmul.f32 v18, v26;
	s15 =	sadd.s32 $0x5, s12;
	v30 =	vmov s14;
	s14 =	sadd.s32 $0x4, s12;
	[tilespmem:s11+$0xFFFFFF80] =	vst v20;
	v20 =	vmul.f32 v27, v24;
	v26 =	vld [tilespmem:s11+$0xFFFFFFF0]  }
0xd4: {  	v31 =	vmov s15;
	v27 =	vmov s14;
	s14 =	sadd.s32 $0x6, s12;
	[tilespmem:s11+$0xFFFFFF90] =	vst v14;
	v14 =	vmul.f32 v25, v24;
	v24 =	vld [tilespmem:s11+$0x0]  }
0xd5: {  	v17 =	vshll.u32 v17, v1;
	v25 =	vmov s14;
	[tilespmem:s11+$0xFFFFFFA0] =	vst v20;
	v16 =	vmul.f32 v18, v16;
	v20 =	vld [tilespmem:s11+$0x10]  }
0xd6: {  	v29 =	vshrl.u32 v29, $0x3;
	v28 =	vshrl.u32 v28, $0x3;
	[tilespmem:s11+$0xFFFFFFB0] =	vst v14;
	v14 =	vmul.f32 v22, v18;
	v22 =	vld [tilespmem:s11+$0x20]  }
0xd7: {  	v15 =	vmul.f32 v19, v15;
	v30 =	vshrl.u32 v30, $0x3;
	[tilespmem:s11+$0xFFFFFFC0] =	vst v16;
	v16 =	vmul.f32 v23, v18;
	v19 =	vld [tilespmem:s11+$0x30]  }
0xd8: {  	v23 =	vshrl.u32 v27, $0x3;
	v27 =	vshrl.u32 v31, $0x3;
	[tilespmem:s11+$0xFFFFFFD0] =	vst v14;
	v14 =	vmul.f32 v26, v18;
	v18 =	vld [tilespmem:s11+$0x40]  }
0xd9: {  	v17 =	vadd.s32 v2, v17;
	v25 =	vshrl.u32 v25, $0x3;
	[tilespmem:s11+$0xFFFFFFE0] =	vst v16;
	v16 =	vmul.f32 v15, v24;
	v24 =	vld [tilespmem:s11+$0x50]  }
0xda: {  	v26 =	vshll.u32 v28, v1;
	v28 =	vshll.u32 v29, v1;
	[tilespmem:s11+$0xFFFFFFF0] =	vst v14;
	v14 =	vmul.f32 v20, v15;
	v20 =	vld [tilespmem:s11+$0x60]  }
0xdb: {  	v12 =	vmul.f32 v21, v12;
	v29 =	vshll.u32 v30, v1;
	[tilespmem:s11+$0x0] =	vst v16;
	v16 =	vmul.f32 v22, v15;
	v21 =	vld [tilespmem:s11+$0x70]  }
0xdc: {  	v22 =	vshll.u32 v23, v1;
	v23 =	vshll.u32 v27, v1;
	[tilespmem:s11+$0x10] =	vst v14;
	v14 =	vmul.f32 v19, v15;
	v15 =	vld [tilespmem:s11+$0x80]  }
0xdd: {  	v27 =	vbroadcast v17, $0x0;
	v17 =	vadd.s32 v26, v3;
	[tilespmem:s11+$0x20] =	vst v16;
	v16 =	vmul.f32 v12, v18;
	v26 =	vld [tilespmem:s11+$0x90]  }
0xde: {  	v25 =	vshll.u32 v25, v1;
	v17 =	vbroadcast v17, $0x0;
	[tilespmem:s11+$0x30] =	vst v14;
	v14 =	vmul.f32 v24, v12;
	v24 =	vld [tilespmem:s11+$0xA0]  }
0xdf: {  	v18 =	vadd.s32 v28, v4;
	v28 =	vmul.f32 v13, v11;
	[tilespmem:s11+$0x40] =	vst v16;
	v16 =	vmul.f32 v20, v12;
	v30 =	vld [tilespmem:s11+$0xB0]  }
0xe0: {  	v11 =	vadd.s32 v29, v5;
	v13 =	vbroadcast v18, $0x0;
	[tilespmem:s11+$0x50] =	vst v14;
	v12 =	vmul.f32 v21, v12;
	v29 =	vld [tilespmem:s11+$0xC0]  }
.Ltmp1:
0xe1: {  	v18 =	vbroadcast v11, $0x0;
	v14 =	vadd.s32 v22, v6;
	[tilespmem:s11+$0x60] =	vst v16;
	v15 =	vmul.f32 v28, v15;
	v11 =	vld [tilespmem:s11+$0xD0];
	(pc) =	sbr.rel @p0 .LBB2_5-.Ltmp1, $4  }
0xe2: {  	v19 =	vbroadcast v14, $0x0;
	v14 =	vadd.s32 v23, v7;
	[tilespmem:s11+$0x70] =	vst v12;
	v23 =	vmul.f32 v26, v28;
	v12 =	vld [tilespmem:s11+$0xE0]  }
0xe3: {  	v21 =	vbroadcast v14, $0x0;
	v14 =	vadd.s32 v25, v8;
	v16 =	vld.idx.msk [tilespmem:v27+s22+$0x0], $0xffff;
	[tilespmem:s11+$0x80] =	vst v15;
	v24 =	vmul.f32 v24, v28  }
0xe4: {  	v22 =	vbroadcast v14, $0x0;
	v20 =	vld.idx.msk [tilespmem:v27+s3+$0x0], $0xffff;
	[tilespmem:s11+$0x90] =	vst v23;
	v15 =	vmul.f32 v30, v28  }
0xe5: {  	s14 =	sadd.s32 $0x7, s12;
	s12 =	sadd.s32 $0x8, s12;
	v14 =	vld.idx.msk [tilespmem:v17+s22+$0x0], $0xffff;
	[tilespmem:s11+$0xA0] =	vst v24;
	v23 =	vmul.f32 v10, v29  }
0xe6: {  	_ =	sdelay $0x3  }
0xe7: {  	v2 =	vld.idx.msk [tilespmem:v13+s22+$0x0], $0xffff  }
0xe8: {  	v4 =	vld.idx.msk [tilespmem:v18+s22+$0x0], $0xffff  }
0xe9: {  	v5 =	vld.idx.msk [tilespmem:v19+s22+$0x0], $0xffff  }
0xea: {  	v6 =	vld.idx.msk [tilespmem:v21+s22+$0x0], $0xffff  }
0xeb: {  	v3 =	vmov s14;
	v7 =	vld.idx.msk [tilespmem:v22+s22+$0x0], $0xffff  }
0xec: {  	v8 =	vld.idx.msk [tilespmem:v17+s3+$0x0], $0xffff;
	v3 =	vshrl.u32 v3, $0x3  }
0xed: {  	v17 =	vld.idx.msk [tilespmem:v19+s3+$0x0], $0xffff;
	s12 =	sadd.s32 $0x200, s11;
	v3 =	vshll.u32 v3, v1  }
0xee: {  	v24 =	vld [tilespmem:s12+$0xFFFFFF00];
	v3 =	vadd.s32 v3, v9  }
0xef: {  	v25 =	vld [tilespmem:s12+$0xFFFFFF10];
	v3 =	vbroadcast v3, $0x0  }
0xf0: {  	[tilespmem:s11+$0xB0] =	vst v15;
	v11 =	vmul.f32 v11, v10;
	v15 =	vld [tilespmem:s12+$0xFFFFFF20]  }
0xf1: {  	[tilespmem:s11+$0xC0] =	vst v23;
	v23 =	vld [tilespmem:s12+$0xFFFFFF60]  }
0xf2: {  	[tilespmem:s11+$0xD0] =	vst v11;
	v11 =	vld [tilespmem:s12+$0xFFFFFF40]  }
0xf3: {  	v9 =	vld.idx.msk [tilespmem:v13+s3+$0x0], $0xffff  }
0xf4: {  	v13 =	vld.idx.msk [tilespmem:v18+s3+$0x0], $0xffff  }
0xf5: {  	v19 =	vld.idx.msk [tilespmem:v3+s3+$0x0], $0xffff  }
0xf6: {  	v18 =	vld.idx.msk [tilespmem:v21+s3+$0x0], $0xffff  }
0xf7: {  	v20 =	vld.idx.msk [tilespmem:v20+s23+$0x0], $0xffff  }
0xf8: {  	v21 =	vld.idx.msk [tilespmem:v22+s3+$0x0], $0xffff  }
0xf9: {  	v22 =	vld [tilespmem:s12+$0xF0]  }
0xfa: {  	v8 =	vld.idx.msk [tilespmem:v8+s23+$0x0], $0xffff  }
0xfb: {  	v17 =	vld.idx.msk [tilespmem:v17+s23+$0x0], $0xffff  }
0xfc: {  	v10 =	vmul.f32 v12, v10;
	v12 =	vmul.f32 v20, v16;
	v3 =	vld.idx.msk [tilespmem:v3+s22+$0x0], $0xffff  }
0xfd: {  	v19 =	vld.idx.msk [tilespmem:v19+s23+$0x0], $0xffff  }
0xfe: {  	[tilespmem:s11+$0xE0] =	vst v10;
	v10 =	vmul.f32 v12, v24;
	v9 =	vld.idx.msk [tilespmem:v9+s23+$0x0], $0xffff  }
0xff: {  	v16 =	vld [tilespmem:s12+$0xFFFFFF30]  }
0x100: {  	v20 =	vld [tilespmem:s12+$0xFFFFFF50];
	[tilespmem:s12+$0xFFFFFF00] =	vst v10;
	v10 =	vmul.f32 v15, v12;
	v8 =	vmul.f32 v8, v14  }
0x101: {  	v15 =	vld [tilespmem:s12+$0xFFFFFF80]  }
0x102: {  	v13 =	vld.idx.msk [tilespmem:v13+s23+$0x0], $0xffff;
	[tilespmem:s12+$0xFFFFFF20] =	vst v10;
	v10 =	vmul.f32 v8, v11;
	v3 =	vmul.f32 v19, v3  }
0x103: {  	v18 =	vld.idx.msk [tilespmem:v18+s23+$0x0], $0xffff;
	v2 =	vmul.f32 v9, v2  }
0x104: {  	v14 =	vld [tilespmem:s12+$0xFFFFFF70];
	[tilespmem:s12+$0xFFFFFF40] =	vst v10;
	v10 =	vmul.f32 v23, v8;
	v19 =	vmul.f32 v22, v3  }
0x105: {  	v21 =	vld.idx.msk [tilespmem:v21+s23+$0x0], $0xffff;
	v22 =	vmul.f32 v25, v12;
	v12 =	vmul.f32 v16, v12  }
0x106: {  	v11 =	vld [tilespmem:s12+$0xFFFFFF90];
	[tilespmem:s12+$0xFFFFFF60] =	vst v10;
	v10 =	vmul.f32 v2, v15  }
0x107: {  	v16 =	vld [tilespmem:s12+$0xFFFFFFA0];
	[tilespmem:s12+$0xFFFFFF30] =	vst v12;
	v12 =	vmul.f32 v20, v8  }
0x108: {  	v9 =	vld [tilespmem:s12+$0xFFFFFFB0];
	[tilespmem:s12+$0xFFFFFF80] =	vst v10  }
0x109: {  	v8 =	vmul.f32 v14, v8;
	[tilespmem:s12+$0xFFFFFF50] =	vst v12;
	v12 =	vld [tilespmem:s12+$0xFFFFFFC0]  }
0x10a: {  	[tilespmem:s12+$0xF0] =	vst v19;
	v14 =	vld [tilespmem:s12+$0xFFFFFFD0]  }
0x10b: {  	[tilespmem:s12+$0xFFFFFF70] =	vst v8;
	v8 =	vmul.f32 v11, v2;
	v11 =	vld [tilespmem:s12+$0xFFFFFFE0]  }
0x10c: {  	v4 =	vmul.f32 v13, v4;
	v13 =	vld [tilespmem:s12+$0xFFFFFFF0];
	[tilespmem:s12+$0xFFFFFF10] =	vst v22;
	v10 =	vmul.f32 v16, v2  }
0x10d: {  	v2 =	vmul.f32 v9, v2;
	[tilespmem:s12+$0xFFFFFF90] =	vst v8;
	v8 =	vld [tilespmem:s12+$0x0]  }
0x10e: {  	[tilespmem:s12+$0xFFFFFFA0] =	vst v10;
	v10 =	vld [tilespmem:s12+$0x10];
	v9 =	vmul.f32 v4, v12  }
0x10f: {  	[tilespmem:s12+$0xFFFFFFB0] =	vst v2;
	v2 =	vmul.f32 v14, v4;
	v12 =	vld [tilespmem:s12+$0x20]  }
0x110: {  	v5 =	vmul.f32 v17, v5;
	[tilespmem:s12+$0xFFFFFFC0] =	vst v9;
	v9 =	vmul.f32 v11, v4;
	v11 =	vld [tilespmem:s12+$0x30]  }
0x111: {  	[tilespmem:s12+$0xFFFFFFD0] =	vst v2;
	v2 =	vmul.f32 v13, v4;
	v4 =	vld [tilespmem:s12+$0x40]  }
0x112: {  	v8 =	vmul.f32 v5, v8;
	[tilespmem:s12+$0xFFFFFFE0] =	vst v9;
	v9 =	vld [tilespmem:s12+$0x50]  }
0x113: {  	[tilespmem:s12+$0xFFFFFFF0] =	vst v2;
	v2 =	vmul.f32 v10, v5;
	v10 =	vld [tilespmem:s12+$0x60]  }
0x114: {  	v6 =	vmul.f32 v18, v6;
	[tilespmem:s12+$0x0] =	vst v8;
	v8 =	vmul.f32 v12, v5;
	v12 =	vld [tilespmem:s12+$0x70]  }
0x115: {  	[tilespmem:s12+$0x10] =	vst v2;
	v2 =	vmul.f32 v11, v5;
	v5 =	vld [tilespmem:s12+$0x80]  }
0x116: {  	[tilespmem:s12+$0x20] =	vst v8;
	v4 =	vmul.f32 v6, v4;
	v8 =	vld [tilespmem:s12+$0x90]  }
0x117: {  	[tilespmem:s12+$0x30] =	vst v2;
	v2 =	vmul.f32 v9, v6;
	v9 =	vld [tilespmem:s12+$0xA0]  }
0x118: {  	v7 =	vmul.f32 v21, v7;
	[tilespmem:s12+$0x40] =	vst v4;
	v4 =	vmul.f32 v10, v6;
	v10 =	vld [tilespmem:s12+$0xB0]  }
0x119: {  	[tilespmem:s12+$0x50] =	vst v2;
	v2 =	vmul.f32 v12, v6;
	v6 =	vld [tilespmem:s12+$0xC0]  }
0x11a: {  	[tilespmem:s12+$0x60] =	vst v4;
	v4 =	vmul.f32 v7, v5;
	v5 =	vld [tilespmem:s12+$0xD0]  }
0x11b: {  	[tilespmem:s12+$0x70] =	vst v2;
	v2 =	vmul.f32 v8, v7;
	v8 =	vld [tilespmem:s12+$0xE0]  }
0x11c: {  	[tilespmem:s12+$0x80] =	vst v4;
	v4 =	vmul.f32 v9, v7  }
0x11d: {  	[tilespmem:s12+$0x90] =	vst v2;
	v2 =	vmul.f32 v10, v7  }
0x11e: {  	s0 =	simm.s32 $0x2;
	[tilespmem:s12+$0xA0] =	vst v4;
	v4 =	vmul.f32 v3, v6  }
0x11f: {  	s14 =	smul.u32 $0x500, s10;
	v11 =	vmov s0;
	s0 =	simm.s32 $0x6;
	[tilespmem:s12+$0xB0] =	vst v2;
	v5 =	vmul.f32 v5, v3  }
0x120: {  	s15 =	sor.u32 $0x1, s13;
	v15 =	vmov s0;
	[tilespmem:s12+$0xC0] =	vst v4;
	v3 =	vmul.f32 v8, v3  }
0x121: {  	s17 =	simm.s32 $0x0;
	s18 =	simm.s32 $0x1;
	s11 =	sshra.s32 s14, $0x2;
	v11 =	vshrl.u32 v11, $0x3;
	v15 =	vshrl.u32 v15, $0x3;
	[tilespmem:s12+$0xD0] =	vst v5  }
0x122: {  	s16 =	sadd.s32 $0x2710, s11;
	v11 =	vshll.u32 v11, v1;
	v9 =	vmov s17;
	s17 =	simm.s32 $0x4;
	v10 =	vmov s18;
	s18 =	simm.s32 $0x5;
	[tilespmem:s12+$0xE0] =	vst v3  }
0x123: {  	v9 =	vshrl.u32 v9, $0x3;
	v13 =	vmov s17;
	v2 =	vmov s15;
	[spmem:s2] =	stream.indirect.scatter.add.f32 [tilespmem:s19], [sflag:$0x5], $0x40, s16, s24, $0xb8;
	[tilespmem:$0x18C40] =	vst v63  }
0x124: {  	p0 =	seq.s32 s10, $0x0;
	v14 =	vmov s18;
	v9 =	vshll.u32 v9, v1;
	v2 =	vmul.u32 $0x50, v2;
	s16 =	simm.s32 $0x3  }
0x125: {  	s14 =	sor.u32 $0x3, s13;
	v10 =	vshrl.u32 v10, $0x3;
	v13 =	vshrl.u32 v13, $0x3;
	v12 =	vmov s16;
	s16 =	simm.s32 @!p0 $0x8  }
0x126: {  	s17 =	smul.u32 $0x140, s14;
	v14 =	vshrl.u32 v14, $0x3;
	v10 =	vshll.u32 v10, v1;
	v9 =	vadd.s32 v2, v9;
	_ =	swait.ge @!p0 [sflag:s16], $0x1400  }
0x127: {  	v13 =	vshll.u32 v13, v1;
	v3 =	vor.u32 $0x1, v2;
	v9 =	vbroadcast v9, $0x0;
	[sflag:s16] =	ssyncset.done @!p0 $0x0  }
0x128: {  	v4 =	vor.u32 $0x2, v2;
	v5 =	vor.u32 $0x3, v2;
	s12 =	sshra.s32 s17, $0x2;
	v10 =	vadd.s32 v10, v3;
	[sflag:s16] =	ssyncadd.s32 @!p0 $0xFFFFEC00  }
0x129: {  	v11 =	vadd.s32 v11, v4;
	v10 =	vbroadcast v10, $0x0;
	v12 =	vshrl.u32 v12, $0x3;
	[tilespmem:s30], [sflag:$0x4] =	stream.indirect.gather [hbm4b:s4+s24], $0x40, s12, s24, $0xb8;
	[tilespmem:$0x18C40] =	vst v63  }
0x12a: {  	v6 =	vor.u32 $0x4, v2;
	v16 =	vbroadcast v11, $0x0;
	v12 =	vshll.u32 v12, v1;
	_ =	swait.ge [sflag:s31], $0x1400  }
0x12b: {  	v7 =	vor.u32 $0x5, v2;
	v8 =	vor.u32 $0x6, v2;
	v11 =	vadd.s32 v12, v5;
	[sflag:s31] =	ssyncset.done $0x0  }
0x12c: {  	v12 =	vshll.u32 v14, v1;
	v14 =	vbroadcast v11, $0x0;
	v11 =	vadd.s32 v13, v6;
	[sflag:s31] =	ssyncadd.s32 $0xFFFFEC00  }
0x12d: {  	v13 =	vshll.u32 v15, v1;
	v15 =	vbroadcast v11, $0x0;
	v11 =	vadd.s32 v12, v7;
	v12 =	vld.idx.msk [tilespmem:v9+s22+$0x0], $0xffff  }
0x12e: {  	v17 =	vbroadcast v11, $0x0;
	v11 =	vadd.s32 v13, v8;
	v13 =	vld.idx.msk [tilespmem:v9+s3+$0x0], $0xffff  }
0x12f: {  	v19 =	vld.idx.msk [tilespmem:v10+s22+$0x0], $0xffff  }
0x130: {  	v20 =	vld.idx.msk [tilespmem:v16+s22+$0x0], $0xffff  }
0x131: {  	v10 =	vld.idx.msk [tilespmem:v10+s3+$0x0], $0xffff  }
0x132: {  	s16 =	simm.s32 $0xB140;
	v16 =	vld.idx.msk [tilespmem:v16+s3+$0x0], $0xffff  }
0x133: {  	v38 =	vld [tilespmem:s16+$0xF0]  }
0x134: {  	v27 =	vld [tilespmem:s16+$0xFFFFFF00]  }
0x135: {  	v28 =	vld [tilespmem:s16+$0xFFFFFF10]  }
0x136: {  	v29 =	vld [tilespmem:s16+$0xFFFFFF20]  }
0x137: {  	v39 =	vld [tilespmem:s16+$0xFFFFFF40]  }
0x138: {  	v30 =	vld [tilespmem:s16+$0xFFFFFF50]  }
0x139: {  	v31 =	vld [tilespmem:s16+$0xFFFFFF60]  }
0x13a: {  	s18 =	simm.s32 $0x7;
	v41 =	vld [tilespmem:s16+$0xFFFFFF70]  }
0x13b: {  	v9 =	vmov s18;
	v42 =	vld [tilespmem:s16+$0xFFFFFF90]  }
0x13c: {  	v18 =	vbroadcast v11, $0x0;
	v43 =	vld [tilespmem:s16+$0xFFFFFFA0];
	v11 =	vshrl.u32 v9, $0x3  }
0x13d: {  	v46 =	vld [tilespmem:s16+$0xFFFFFFD0];
	v9 =	vor.u32 $0x7, v2;
	v11 =	vshll.u32 v11, v1  }
0x13e: {  	v48 =	vld [tilespmem:s16+$0xFFFFFFE0];
	v35 =	vadd.s32 v11, v9  }
0x13f: {  	v21 =	vld.idx.msk [tilespmem:v14+s22+$0x0], $0xffff;
	v24 =	vbroadcast v35, $0x0  }
0x140: {  	v14 =	vld.idx.msk [tilespmem:v14+s3+$0x0], $0xffff  }
0x141: {  	v22 =	vld.idx.msk [tilespmem:v15+s22+$0x0], $0xffff  }
0x142: {  	v15 =	vld.idx.msk [tilespmem:v15+s3+$0x0], $0xffff  }
0x143: {  	v23 =	vld.idx.msk [tilespmem:v17+s22+$0x0], $0xffff  }
0x144: {  	v13 =	vld.idx.msk [tilespmem:v13+s23+$0x0], $0xffff  }
0x145: {  	v36 =	vld.idx.msk [tilespmem:v24+s3+$0x0], $0xffff  }
0x146: {  	v17 =	vld.idx.msk [tilespmem:v17+s3+$0x0], $0xffff  }
0x147: {  	v11 =	vld.idx.msk [tilespmem:v18+s22+$0x0], $0xffff  }
0x148: {  	v26 =	vld.idx.msk [tilespmem:v10+s23+$0x0], $0xffff  }
0x149: {  	v12 =	vmul.f32 v13, v12;
	v13 =	vld [tilespmem:s16+$0xFFFFFF30]  }
0x14a: {  	v18 =	vld.idx.msk [tilespmem:v18+s3+$0x0], $0xffff  }
0x14b: {  	v16 =	vld.idx.msk [tilespmem:v16+s23+$0x0], $0xffff;
	v27 =	vmul.f32 v12, v27  }
0x14c: {  	v10 =	vld.idx.msk [tilespmem:v24+s22+$0x0], $0xffff;
	v28 =	vmul.f32 v28, v12  }
0x14d: {  	v19 =	vmul.f32 v26, v19;
	v40 =	vmul.f32 v29, v12;
	[tilespmem:s16+$0xFFFFFF00] =	vst v27;
	v37 =	vld.idx.msk [tilespmem:v36+s23+$0x0], $0xffff  }
0x14e: {  	[tilespmem:s16+$0xFFFFFF10] =	vst v28;
	v12 =	vmul.f32 v13, v12;
	v13 =	vld [tilespmem:s16+$0xFFFFFF80]  }
0x14f: {  	v53 =	vld [tilespmem:s16+$0x20];
	v24 =	vmul.f32 v19, v39;
	[tilespmem:s16+$0xFFFFFF20] =	vst v40  }
0x150: {  	v14 =	vld.idx.msk [tilespmem:v14+s23+$0x0], $0xffff;
	[tilespmem:s16+$0xFFFFFF30] =	vst v12;
	v12 =	vmul.f32 v30, v19  }
0x151: {  	v15 =	vld.idx.msk [tilespmem:v15+s23+$0x0], $0xffff;
	v16 =	vmul.f32 v16, v20;
	v44 =	vmul.f32 v31, v19;
	[tilespmem:s16+$0xFFFFFF40] =	vst v24  }
0x152: {  	s0 =	simm.s32 $0x9;
	v20 =	vld [tilespmem:s16+$0xFFFFFFB0];
	[tilespmem:s16+$0xFFFFFF50] =	vst v12;
	v12 =	vmul.f32 v41, v19  }
0x153: {  	v47 =	vmov s0;
	s0 =	simm.s32 $0xB;
	[tilespmem:s16+$0xFFFFFF60] =	vst v44;
	v19 =	vld [tilespmem:s16+$0xFFFFFFC0];
	v10 =	vmul.f32 v37, v10;
	v13 =	vmul.f32 v16, v13  }
0x154: {  	v50 =	vmov s0;
	s18 =	simm.s32 $0xA;
	v17 =	vld.idx.msk [tilespmem:v17+s23+$0x0], $0xffff;
	[tilespmem:s16+$0xFFFFFF70] =	vst v12;
	v12 =	vmul.f32 v42, v16  }
0x155: {  	v54 =	vshrl.u32 v50, $0x3;
	v49 =	vmov s18;
	s18 =	simm.s32 $0xC;
	v18 =	vld.idx.msk [tilespmem:v18+s23+$0x0], $0xffff;
	v25 =	vmul.f32 v38, v10;
	[tilespmem:s16+$0xFFFFFF80] =	vst v13  }
0x156: {  	s17 =	simm.s32 $0x8;
	v51 =	vmov s18;
	s18 =	simm.s32 $0xE;
	v14 =	vmul.f32 v14, v21;
	v21 =	vld [tilespmem:s16+$0xFFFFFFF0];
	v13 =	vmul.f32 v43, v16;
	[tilespmem:s16+$0xFFFFFF90] =	vst v12  }
0x157: {  	v45 =	vmov s17;
	v52 =	vmov s18;
	v12 =	vmul.f32 v20, v16;
	v16 =	vld [tilespmem:s16+$0x0];
	[tilespmem:s16+$0xF0] =	vst v25  }
0x158: {  	v55 =	vshrl.u32 v51, $0x3;
	v26 =	vshrl.u32 v45, $0x3;
	[tilespmem:s16+$0xFFFFFFA0] =	vst v13;
	v13 =	vmul.f32 v14, v19;
	v19 =	vld [tilespmem:s16+$0x10]  }
0x159: {  	v58 =	vld [tilespmem:s16+$0xA0];
	v56 =	vshrl.u32 v52, $0x3;
	v26 =	vshll.u32 v26, v1;
	[tilespmem:s16+$0xFFFFFFB0] =	vst v12;
	v12 =	vmul.f32 v46, v14  }
0x15a: {  	v29 =	vshrl.u32 v49, $0x3;
	v15 =	vmul.f32 v15, v22;
	v22 =	vld [tilespmem:s16+$0x30];
	[tilespmem:s16+$0xFFFFFFC0] =	vst v13;
	v13 =	vmul.f32 v48, v14  }
0x15b: {  	v29 =	vshll.u32 v29, v1;
	v28 =	vshrl.u32 v47, $0x3;
	[tilespmem:s16+$0xFFFFFFD0] =	vst v12;
	v12 =	vmul.f32 v21, v14;
	v14 =	vld [tilespmem:s16+$0x40]  }
0x15c: {  	v23 =	vmul.f32 v17, v23;
	v28 =	vshll.u32 v28, v1;
	[tilespmem:s16+$0xFFFFFFE0] =	vst v13;
	v13 =	vmul.f32 v15, v16;
	v16 =	vld [tilespmem:s16+$0x50]  }
0x15d: {  	v59 =	vmul.f32 v18, v11;
	v17 =	vadd.s32 v28, v3;
	[tilespmem:s16+$0xFFFFFFF0] =	vst v12;
	v12 =	vmul.f32 v19, v15;
	v19 =	vld [tilespmem:s16+$0x60]  }
0x15e: {  	v57 =	vld [tilespmem:s16+$0x70];
	v27 =	vshll.u32 v55, v1;
	v17 =	vbroadcast v17, $0x0;
	[tilespmem:s16+$0x0] =	vst v13;
	v13 =	vmul.f32 v53, v15  }
0x15f: {  	s0 =	simm.s32 $0xD;
	v63 =	vmul.f32 v58, v59;
	v21 =	vadd.s32 v2, v26;
	[tilespmem:s16+$0x10] =	vst v12;
	v12 =	vmul.f32 v22, v15;
	v15 =	vld [tilespmem:s16+$0x80]  }
0x160: {  	v20 =	vmov s0;
	v22 =	vbroadcast v21, $0x0;
	[tilespmem:s16+$0x20] =	vst v13;
	v13 =	vmul.f32 v23, v14  }
0x161: {  	v20 =	vshrl.u32 v20, $0x3;
	v25 =	vshll.u32 v54, v1;
	v21 =	vld [tilespmem:s16+$0x90];
	[tilespmem:s16+$0x30] =	vst v12;
	v12 =	vmul.f32 v16, v23  }
0x162: {  	v60 =	vld [tilespmem:s16+$0xB0];
	v20 =	vshll.u32 v20, v1;
	v14 =	vadd.s32 v29, v4;
	[tilespmem:s16+$0x40] =	vst v13;
	v13 =	vmul.f32 v19, v23  }
0x163: {  	v11 =	vadd.s32 v25, v5;
	v14 =	vbroadcast v14, $0x0;
	[tilespmem:s16+$0x50] =	vst v12;
	v12 =	vmul.f32 v57, v23;
	v23 =	vld [tilespmem:s16+$0xC0]  }
0x164: {  	v18 =	vbroadcast v11, $0x0;
	v11 =	vld [tilespmem:s16+$0xD0];
	[tilespmem:s16+$0x60] =	vst v13;
	v13 =	vmul.f32 v59, v15;
	v15 =	vadd.s32 v27, v6  }
0x165: {  	v61 =	vshll.u32 v56, v1;
	v20 =	vadd.s32 v20, v7;
	[tilespmem:s16+$0x70] =	vst v12;
	v12 =	vld [tilespmem:s16+$0xE0];
	v19 =	vbroadcast v15, $0x0  }
0x166: {  	[tilespmem:s16+$0xA0] =	vst v63;
	v62 =	vmul.f32 v21, v59;
	v21 =	vbroadcast v20, $0x0;
	v16 =	vld.idx.msk [tilespmem:v22+s22+$0x0], $0xffff;
	v15 =	vadd.s32 v61, v8  }
0x167: {  	v20 =	vld.idx.msk [tilespmem:v22+s3+$0x0], $0xffff;
	[tilespmem:s16+$0x80] =	vst v13;
	v22 =	vbroadcast v15, $0x0;
	v15 =	vmul.f32 v60, v59  }
0x168: {  	s17 =	simm.s32 $0x10;
	s18 =	simm.s32 $0xF;
	[tilespmem:s16+$0x90] =	vst v62;
	v13 =	vld.idx.msk [tilespmem:v17+s22+$0x0], $0xffff;
	v23 =	vmul.f32 v10, v23  }
.LBB2_7:
0x169: {  	p0 =	slt.u32 s17, $0x48;
	v24 =	vld.idx.msk [tilespmem:v14+s22+$0x0], $0xffff;
	v25 =	vmov s18;
	[tilespmem:s16+$0xB0] =	vst v15;
	v11 =	vmul.f32 v11, v10  }
0x16a: {  	v26 =	vld.idx.msk [tilespmem:v18+s22+$0x0], $0xffff;
	v25 =	vshrl.u32 v25, $0x3;
	[tilespmem:s16+$0xC0] =	vst v23;
	v10 =	vmul.f32 v12, v10  }
0x16b: {  	v15 =	vld.idx.msk [tilespmem:v19+s22+$0x0], $0xffff;
	v23 =	vshll.u32 v25, v1;
	[tilespmem:s16+$0xD0] =	vst v11  }
0x16c: {  	v12 =	vld.idx.msk [tilespmem:v21+s22+$0x0], $0xffff;
	v23 =	vadd.s32 v23, v9;
	[tilespmem:s16+$0xE0] =	vst v10  }
0x16d: {  	v11 =	vld.idx.msk [tilespmem:v22+s22+$0x0], $0xffff;
	v10 =	vbroadcast v23, $0x0  }
0x16e: {  	v17 =	vld.idx.msk [tilespmem:v17+s3+$0x0], $0xffff  }
0x16f: {  	v14 =	vld.idx.msk [tilespmem:v14+s3+$0x0], $0xffff  }
0x170: {  	v18 =	vld.idx.msk [tilespmem:v18+s3+$0x0], $0xffff  }
0x171: {  	v19 =	vld.idx.msk [tilespmem:v19+s3+$0x0], $0xffff  }
0x172: {  	v21 =	vld.idx.msk [tilespmem:v21+s3+$0x0], $0xffff  }
0x173: {  	v23 =	vld.idx.msk [tilespmem:v10+s3+$0x0], $0xffff  }
0x174: {  	v22 =	vld.idx.msk [tilespmem:v22+s3+$0x0], $0xffff  }
0x175: {  	v20 =	vld.idx.msk [tilespmem:v20+s23+$0x0], $0xffff  }
0x176: {  	v17 =	vld.idx.msk [tilespmem:v17+s23+$0x0], $0xffff  }
0x177: {  	v25 =	vld.idx.msk [tilespmem:v14+s23+$0x0], $0xffff  }
0x178: {  	v18 =	vld.idx.msk [tilespmem:v18+s23+$0x0], $0xffff  }
0x179: {  	v19 =	vld.idx.msk [tilespmem:v19+s23+$0x0], $0xffff  }
0x17a: {  	v10 =	vld.idx.msk [tilespmem:v10+s22+$0x0], $0xffff  }
0x17b: {  	v23 =	vld.idx.msk [tilespmem:v23+s23+$0x0], $0xffff  }
0x17c: {  	v21 =	vld.idx.msk [tilespmem:v21+s23+$0x0], $0xffff  }
0x17d: {  	s16 =	sadd.s32 $0x200, s16;
	v14 =	vld.idx.msk [tilespmem:v22+s23+$0x0], $0xffff  }
0x17e: {  	v22 =	vld [tilespmem:s16+$0xF0]  }
0x17f: {  	v27 =	vld [tilespmem:s16+$0xFFFFFF00]  }
0x180: {  	v28 =	vld [tilespmem:s16+$0xFFFFFF10]  }
0x181: {  	v10 =	vmul.f32 v23, v10;
	v29 =	vld [tilespmem:s16+$0xFFFFFF20]  }
0x182: {  	v16 =	vmul.f32 v20, v16;
	v20 =	vld [tilespmem:s16+$0xFFFFFF30]  }
0x183: {  	v23 =	vld [tilespmem:s16+$0xFFFFFF40];
	v22 =	vmul.f32 v22, v10  }
0x184: {  	v27 =	vmul.f32 v16, v27;
	v30 =	vld [tilespmem:s16+$0xFFFFFF50]  }
0x185: {  	v28 =	vmul.f32 v28, v16;
	v31 =	vld [tilespmem:s16+$0xFFFFFF60];
	[tilespmem:s16+$0xF0] =	vst v22  }
0x186: {  	v13 =	vmul.f32 v17, v13;
	[tilespmem:s16+$0xFFFFFF00] =	vst v27;
	v22 =	vmul.f32 v29, v16;
	v17 =	vld [tilespmem:s16+$0xFFFFFF70]  }
0x187: {  	[tilespmem:s16+$0xFFFFFF10] =	vst v28;
	v16 =	vmul.f32 v20, v16;
	v20 =	vld [tilespmem:s16+$0xFFFFFF80]  }
0x188: {  	[tilespmem:s16+$0xFFFFFF20] =	vst v22;
	v22 =	vmul.f32 v13, v23;
	v23 =	vld [tilespmem:s16+$0xFFFFFF90]  }
0x189: {  	[tilespmem:s16+$0xFFFFFF30] =	vst v16;
	v16 =	vmul.f32 v30, v13;
	v27 =	vld [tilespmem:s16+$0xFFFFFFA0]  }
0x18a: {  	v24 =	vmul.f32 v25, v24;
	[tilespmem:s16+$0xFFFFFF40] =	vst v22;
	v22 =	vmul.f32 v31, v13;
	v25 =	vld [tilespmem:s16+$0xFFFFFFB0]  }
0x18b: {  	v28 =	vmov s17;
	[tilespmem:s16+$0xFFFFFF50] =	vst v16;
	v13 =	vmul.f32 v17, v13;
	v16 =	vld [tilespmem:s16+$0xFFFFFFC0]  }
0x18c: {  	s18 =	sadd.s32 $0x1, s17;
	s0 =	sadd.s32 $0x2, s17;
	v17 =	vshrl.u32 v28, $0x3;
	[tilespmem:s16+$0xFFFFFF60] =	vst v22;
	v20 =	vmul.f32 v24, v20;
	v22 =	vld [tilespmem:s16+$0xFFFFFFD0]  }
0x18d: {  	v29 =	vmov s0;
	s0 =	sadd.s32 $0x3, s17;
	v28 =	vmov s18;
	[tilespmem:s16+$0xFFFFFF70] =	vst v13;
	v13 =	vmul.f32 v23, v24;
	v23 =	vld [tilespmem:s16+$0xFFFFFFE0]  }
0x18e: {  	v18 =	vmul.f32 v18, v26;
	v30 =	vmov s0;
	s0 =	sadd.s32 $0x4, s17;
	s18 =	sadd.s32 $0x5, s17;
	[tilespmem:s16+$0xFFFFFF80] =	vst v20;
	v20 =	vmul.f32 v27, v24;
	v26 =	vld [tilespmem:s16+$0xFFFFFFF0]  }
0x18f: {  	v31 =	vmov s18;
	v27 =	vmov s0;
	s0 =	sadd.s32 $0x6, s17;
	[tilespmem:s16+$0xFFFFFF90] =	vst v13;
	v13 =	vmul.f32 v25, v24;
	v24 =	vld [tilespmem:s16+$0x0]  }
0x190: {  	v17 =	vshll.u32 v17, v1;
	v25 =	vmov s0;
	[tilespmem:s16+$0xFFFFFFA0] =	vst v20;
	v16 =	vmul.f32 v18, v16;
	v20 =	vld [tilespmem:s16+$0x10]  }
0x191: {  	v29 =	vshrl.u32 v29, $0x3;
	v28 =	vshrl.u32 v28, $0x3;
	[tilespmem:s16+$0xFFFFFFB0] =	vst v13;
	v13 =	vmul.f32 v22, v18;
	v22 =	vld [tilespmem:s16+$0x20]  }
0x192: {  	v15 =	vmul.f32 v19, v15;
	v30 =	vshrl.u32 v30, $0x3;
	[tilespmem:s16+$0xFFFFFFC0] =	vst v16;
	v16 =	vmul.f32 v23, v18;
	v19 =	vld [tilespmem:s16+$0x30]  }
0x193: {  	v23 =	vshrl.u32 v27, $0x3;
	v27 =	vshrl.u32 v31, $0x3;
	[tilespmem:s16+$0xFFFFFFD0] =	vst v13;
	v13 =	vmul.f32 v26, v18;
	v18 =	vld [tilespmem:s16+$0x40]  }
0x194: {  	v17 =	vadd.s32 v2, v17;
	v25 =	vshrl.u32 v25, $0x3;
	[tilespmem:s16+$0xFFFFFFE0] =	vst v16;
	v16 =	vmul.f32 v15, v24;
	v24 =	vld [tilespmem:s16+$0x50]  }
0x195: {  	v26 =	vshll.u32 v28, v1;
	v28 =	vshll.u32 v29, v1;
	[tilespmem:s16+$0xFFFFFFF0] =	vst v13;
	v13 =	vmul.f32 v20, v15;
	v20 =	vld [tilespmem:s16+$0x60]  }
0x196: {  	v12 =	vmul.f32 v21, v12;
	v29 =	vshll.u32 v30, v1;
	[tilespmem:s16+$0x0] =	vst v16;
	v16 =	vmul.f32 v22, v15;
	v21 =	vld [tilespmem:s16+$0x70]  }
0x197: {  	v22 =	vshll.u32 v23, v1;
	v23 =	vshll.u32 v27, v1;
	[tilespmem:s16+$0x10] =	vst v13;
	v13 =	vmul.f32 v19, v15;
	v15 =	vld [tilespmem:s16+$0x80]  }
0x198: {  	v27 =	vbroadcast v17, $0x0;
	v17 =	vadd.s32 v26, v3;
	[tilespmem:s16+$0x20] =	vst v16;
	v16 =	vmul.f32 v12, v18;
	v26 =	vld [tilespmem:s16+$0x90]  }
0x199: {  	v25 =	vshll.u32 v25, v1;
	v17 =	vbroadcast v17, $0x0;
	[tilespmem:s16+$0x30] =	vst v13;
	v13 =	vmul.f32 v24, v12;
	v24 =	vld [tilespmem:s16+$0xA0]  }
0x19a: {  	v18 =	vadd.s32 v28, v4;
	v28 =	vmul.f32 v14, v11;
	[tilespmem:s16+$0x40] =	vst v16;
	v16 =	vmul.f32 v20, v12;
	v30 =	vld [tilespmem:s16+$0xB0]  }
0x19b: {  	v11 =	vadd.s32 v29, v5;
	v14 =	vbroadcast v18, $0x0;
	[tilespmem:s16+$0x50] =	vst v13;
	v12 =	vmul.f32 v21, v12;
	v29 =	vld [tilespmem:s16+$0xC0]  }
.Ltmp2:
0x19c: {  	v18 =	vbroadcast v11, $0x0;
	v13 =	vadd.s32 v22, v6;
	[tilespmem:s16+$0x60] =	vst v16;
	v15 =	vmul.f32 v28, v15;
	v11 =	vld [tilespmem:s16+$0xD0];
	(pc) =	sbr.rel @p0 .LBB2_7-.Ltmp2, $4  }
0x19d: {  	v19 =	vbroadcast v13, $0x0;
	v13 =	vadd.s32 v23, v7;
	[tilespmem:s16+$0x70] =	vst v12;
	v23 =	vmul.f32 v26, v28;
	v12 =	vld [tilespmem:s16+$0xE0]  }
0x19e: {  	v21 =	vbroadcast v13, $0x0;
	v13 =	vadd.s32 v25, v8;
	v16 =	vld.idx.msk [tilespmem:v27+s22+$0x0], $0xffff;
	[tilespmem:s16+$0x80] =	vst v15;
	v24 =	vmul.f32 v24, v28  }
0x19f: {  	v22 =	vbroadcast v13, $0x0;
	v20 =	vld.idx.msk [tilespmem:v27+s3+$0x0], $0xffff;
	[tilespmem:s16+$0x90] =	vst v23;
	v15 =	vmul.f32 v30, v28  }
0x1a0: {  	s18 =	sadd.s32 $0x7, s17;
	s17 =	sadd.s32 $0x8, s17;
	v13 =	vld.idx.msk [tilespmem:v17+s22+$0x0], $0xffff;
	[tilespmem:s16+$0xA0] =	vst v24;
	v23 =	vmul.f32 v10, v29  }
0x1a1: {  	_ =	sdelay $0x3  }
0x1a2: {  	v2 =	vld.idx.msk [tilespmem:v14+s22+$0x0], $0xffff  }
0x1a3: {  	v4 =	vld.idx.msk [tilespmem:v18+s22+$0x0], $0xffff  }
0x1a4: {  	v5 =	vld.idx.msk [tilespmem:v19+s22+$0x0], $0xffff  }
0x1a5: {  	v3 =	vmov s18;
	v6 =	vld.idx.msk [tilespmem:v21+s22+$0x0], $0xffff  }
0x1a6: {  	v7 =	vld.idx.msk [tilespmem:v22+s22+$0x0], $0xffff;
	v3 =	vshrl.u32 v3, $0x3  }
0x1a7: {  	v8 =	vld.idx.msk [tilespmem:v17+s3+$0x0], $0xffff;
	v3 =	vshll.u32 v3, v1  }
0x1a8: {  	v17 =	vld.idx.msk [tilespmem:v19+s3+$0x0], $0xffff;
	s17 =	sadd.s32 $0x200, s16;
	v3 =	vadd.s32 v3, v9  }
0x1a9: {  	v24 =	vld [tilespmem:s17+$0xFFFFFF00];
	v3 =	vbroadcast v3, $0x0  }
0x1aa: {  	v25 =	vld [tilespmem:s17+$0xFFFFFF10]  }
0x1ab: {  	v26 =	vld [tilespmem:s17+$0xFFFFFF20]  }
0x1ac: {  	v27 =	vld [tilespmem:s17+$0xFFFFFF30]  }
0x1ad: {  	[tilespmem:s16+$0xB0] =	vst v15;
	v15 =	vld [tilespmem:s17+$0xFFFFFF40]  }
0x1ae: {  	v9 =	vld.idx.msk [tilespmem:v14+s3+$0x0], $0xffff  }
0x1af: {  	v19 =	vld.idx.msk [tilespmem:v3+s3+$0x0], $0xffff  }
0x1b0: {  	v14 =	vld.idx.msk [tilespmem:v18+s3+$0x0], $0xffff  }
0x1b1: {  	v18 =	vld.idx.msk [tilespmem:v21+s3+$0x0], $0xffff  }
0x1b2: {  	v20 =	vld.idx.msk [tilespmem:v20+s23+$0x0], $0xffff  }
0x1b3: {  	v21 =	vld.idx.msk [tilespmem:v22+s3+$0x0], $0xffff  }
0x1b4: {  	v22 =	vld [tilespmem:s17+$0xF0]  }
0x1b5: {  	v8 =	vld.idx.msk [tilespmem:v8+s23+$0x0], $0xffff  }
0x1b6: {  	v11 =	vmul.f32 v11, v10;
	v3 =	vld.idx.msk [tilespmem:v3+s22+$0x0], $0xffff  }
0x1b7: {  	v10 =	vmul.f32 v12, v10;
	v12 =	vmul.f32 v20, v16;
	v19 =	vld.idx.msk [tilespmem:v19+s23+$0x0], $0xffff  }
0x1b8: {  	v17 =	vld.idx.msk [tilespmem:v17+s23+$0x0], $0xffff  }
0x1b9: {  	[tilespmem:s16+$0xE0] =	vst v10;
	v16 =	vld [tilespmem:s17+$0xFFFFFF50];
	v10 =	vmul.f32 v12, v24  }
0x1ba: {  	v20 =	vld [tilespmem:s17+$0xFFFFFF70]  }
0x1bb: {  	v9 =	vld.idx.msk [tilespmem:v9+s23+$0x0], $0xffff;
	[tilespmem:s17+$0xFFFFFF00] =	vst v10;
	v10 =	vmul.f32 v26, v12;
	v8 =	vmul.f32 v8, v13  }
0x1bc: {  	v14 =	vld.idx.msk [tilespmem:v14+s23+$0x0], $0xffff;
	v3 =	vmul.f32 v19, v3  }
0x1bd: {  	[tilespmem:s17+$0xFFFFFF20] =	vst v10;
	v10 =	vmul.f32 v8, v15;
	v19 =	vld [tilespmem:s17+$0xFFFFFF60]  }
0x1be: {  	[tilespmem:s16+$0xD0] =	vst v11;
	v18 =	vld.idx.msk [tilespmem:v18+s23+$0x0], $0xffff;
	v11 =	vmul.f32 v22, v3  }
0x1bf: {  	v13 =	vld [tilespmem:s17+$0xFFFFFF90];
	[tilespmem:s17+$0xFFFFFF40] =	vst v10;
	v22 =	vmul.f32 v25, v12;
	v12 =	vmul.f32 v27, v12  }
0x1c0: {  	[tilespmem:s17+$0xF0] =	vst v11;
	v11 =	vld [tilespmem:s17+$0xFFFFFF80]  }
0x1c1: {  	v21 =	vld.idx.msk [tilespmem:v21+s23+$0x0], $0xffff;
	v2 =	vmul.f32 v9, v2;
	[tilespmem:s17+$0xFFFFFF30] =	vst v12;
	v12 =	vmul.f32 v16, v8  }
0x1c2: {  	[tilespmem:s17+$0xFFFFFF10] =	vst v22;
	v22 =	vld [tilespmem:s17+$0xFFFFFFA0];
	v10 =	vmul.f32 v19, v8;
	v8 =	vmul.f32 v20, v8  }
0x1c3: {  	v15 =	vld [tilespmem:s17+$0xFFFFFFB0];
	[tilespmem:s17+$0xFFFFFF50] =	vst v12  }
0x1c4: {  	v16 =	vld [tilespmem:s17+$0xFFFFFFC0];
	[tilespmem:s17+$0xFFFFFF70] =	vst v8;
	v8 =	vmul.f32 v13, v2  }
0x1c5: {  	v9 =	vld [tilespmem:s17+$0xFFFFFFD0];
	[tilespmem:s17+$0xFFFFFF60] =	vst v10;
	v10 =	vmul.f32 v2, v11  }
0x1c6: {  	[tilespmem:s17+$0xFFFFFF90] =	vst v8;
	v8 =	vld [tilespmem:s17+$0x20]  }
0x1c7: {  	v4 =	vmul.f32 v14, v4;
	v12 =	vld [tilespmem:s17+$0xFFFFFFE0];
	[tilespmem:s17+$0xFFFFFF80] =	vst v10;
	v10 =	vmul.f32 v22, v2  }
0x1c8: {  	[tilespmem:s16+$0xC0] =	vst v23;
	v11 =	vld [tilespmem:s17+$0xFFFFFFF0];
	v2 =	vmul.f32 v15, v2  }
0x1c9: {  	v5 =	vmul.f32 v17, v5;
	v13 =	vld [tilespmem:s17+$0x0];
	[tilespmem:s17+$0xFFFFFFA0] =	vst v10;
	v10 =	vmul.f32 v4, v16  }
0x1ca: {  	v14 =	vld [tilespmem:s17+$0x10];
	[tilespmem:s17+$0xFFFFFFB0] =	vst v2;
	v2 =	vmul.f32 v9, v4  }
0x1cb: {  	v9 =	vld [tilespmem:s17+$0x40];
	v8 =	vmul.f32 v8, v5;
	[tilespmem:s17+$0xFFFFFFC0] =	vst v10  }
0x1cc: {  	v15 =	vld [tilespmem:s17+$0x30];
	v10 =	vmul.f32 v12, v4;
	[tilespmem:s17+$0xFFFFFFD0] =	vst v2  }
0x1cd: {  	v2 =	vmul.f32 v11, v4;
	v4 =	vld [tilespmem:s17+$0x60];
	[tilespmem:s17+$0x20] =	vst v8  }
0x1ce: {  	v6 =	vmul.f32 v18, v6;
	v12 =	vld [tilespmem:s17+$0x50];
	[tilespmem:s17+$0xFFFFFFE0] =	vst v10;
	v10 =	vmul.f32 v5, v13  }
0x1cf: {  	[tilespmem:s17+$0xFFFFFFF0] =	vst v2;
	v2 =	vmul.f32 v14, v5;
	v13 =	vld [tilespmem:s17+$0x80]  }
0x1d0: {  	v11 =	vld [tilespmem:s17+$0x70];
	v8 =	vmul.f32 v6, v9;
	[tilespmem:s17+$0x0] =	vst v10  }
0x1d1: {  	v10 =	vld [tilespmem:s17+$0x90];
	[tilespmem:s17+$0x10] =	vst v2;
	v2 =	vmul.f32 v15, v5  }
0x1d2: {  	v7 =	vmul.f32 v21, v7;
	v5 =	vld [tilespmem:s17+$0xA0];
	[tilespmem:s17+$0x40] =	vst v8;
	v4 =	vmul.f32 v4, v6  }
0x1d3: {  	v9 =	vld [tilespmem:s17+$0xB0];
	[tilespmem:s17+$0x30] =	vst v2;
	v2 =	vmul.f32 v12, v6  }
0x1d4: {  	v12 =	vld [tilespmem:s17+$0xC0];
	[tilespmem:s17+$0x60] =	vst v4;
	v4 =	vmul.f32 v7, v13  }
0x1d5: {  	v8 =	vld [tilespmem:s17+$0xD0];
	[tilespmem:s17+$0x50] =	vst v2;
	v2 =	vmul.f32 v11, v6  }
0x1d6: {  	v6 =	vld [tilespmem:s17+$0xE0];
	v10 =	vmul.f32 v10, v7;
	[tilespmem:s17+$0x80] =	vst v4  }
0x1d7: {  	s13 =	sor.u32 $0x2, s13;
	v4 =	vmul.f32 v5, v7;
	[tilespmem:s17+$0x70] =	vst v2  }
0x1d8: {  	s18 =	simm.s32 $0x1;
	v5 =	vmul.f32 v9, v7;
	v2 =	vmov s13;
	[tilespmem:s17+$0x90] =	vst v10  }
0x1d9: {  	v2 =	vmul.u32 $0x50, v2;
	v9 =	vmul.f32 v3, v12;
	[tilespmem:s17+$0xA0] =	vst v4;
	v12 =	vmov s18;
	s18 =	simm.s32 $0x3  }
0x1da: {  	s0 =	smul.u32 $0x140, s15;
	v10 =	vmul.f32 v8, v3;
	[tilespmem:s17+$0xB0] =	vst v5;
	v13 =	vmov s18;
	v12 =	vshrl.u32 v12, $0x3  }
0x1db: {  	s16 =	simm.s32 $0x0;
	v11 =	vmul.f32 v6, v3;
	v3 =	vor.u32 $0x1, v2;
	v4 =	vor.u32 $0x2, v2;
	[tilespmem:s17+$0xC0] =	vst v9  }
0x1dc: {  	s0 =	sshra.s32 s0, $0x2;
	v5 =	vor.u32 $0x3, v2;
	v6 =	vor.u32 $0x4, v2;
	v9 =	vmov s16;
	[tilespmem:s17+$0xD0] =	vst v10  }
0x1dd: {  	s15 =	simm.s32 $0x2;
	s0 =	sadd.s32 $0x2710, s0;
	s18 =	simm.s32 $0x5;
	v7 =	vor.u32 $0x5, v2;
	v8 =	vor.u32 $0x6, v2;
	v9 =	vshrl.u32 v9, $0x3;
	[tilespmem:s17+$0xE0] =	vst v11  }
0x1de: {  	v10 =	vmov s15;
	v14 =	vmov s18;
	v9 =	vshll.u32 v9, v1;
	[spmem:s2] =	stream.indirect.scatter.add.f32 [tilespmem:s25], [sflag:$0x6], $0x40, s0, s24, $0xb8;
	[tilespmem:$0x18C40] =	vst v63  }
0x1df: {  	v13 =	vshrl.u32 v13, $0x3;
	v12 =	vshll.u32 v12, v1;
	v9 =	vadd.s32 v2, v9;
	_ =	swait.ge [sflag:s1], $0x1400  }
0x1e0: {  	v10 =	vshrl.u32 v10, $0x3;
	v14 =	vshrl.u32 v14, $0x3;
	v9 =	vbroadcast v9, $0x0;
	[sflag:s1] =	ssyncset.done $0x0  }
0x1e1: {  	s16 =	simm.s32 $0x4;
	s18 =	sadd.s32 $0x140, s11;
	v12 =	vadd.s32 v12, v3;
	v13 =	vshll.u32 v13, v1;
	v10 =	vshll.u32 v10, v1;
	[sflag:s1] =	ssyncadd.s32 $0xFFFFEC00  }
0x1e2: {  	v11 =	vmov s16;
	v12 =	vbroadcast v12, $0x0;
	v10 =	vadd.s32 v10, v4;
	[tilespmem:s19], [sflag:$0x1] =	stream.indirect.gather [hbm4b:s4+s24], $0x40, s18, s24, $0xb8;
	[tilespmem:$0x18C40] =	vst v63  }
0x1e3: {  	s17 =	simm.s32 $0x6;
	v13 =	vadd.s32 v13, v5;
	v11 =	vshrl.u32 v11, $0x3;
	v10 =	vbroadcast v10, $0x0;
	_ =	swait.ge [sflag:s21], $0x1400  }
0x1e4: {  	v15 =	vmov s17;
	v13 =	vbroadcast v13, $0x0;
	v11 =	vshll.u32 v11, v1;
	[sflag:s21] =	ssyncset.done $0x0  }
0x1e5: {  	v14 =	vshll.u32 v14, v1;
	v15 =	vshrl.u32 v15, $0x3;
	v11 =	vadd.s32 v11, v6;
	[sflag:s21] =	ssyncadd.s32 $0xFFFFEC00  }
0x1e6: {  	v15 =	vshll.u32 v15, v1;
	v16 =	vbroadcast v11, $0x0;
	v11 =	vadd.s32 v14, v7;
	v14 =	vld.idx.msk [tilespmem:v9+s22+$0x0], $0xffff  }
0x1e7: {  	v17 =	vbroadcast v11, $0x0;
	v11 =	vadd.s32 v15, v8;
	v15 =	vld.idx.msk [tilespmem:v9+s3+$0x0], $0xffff  }
0x1e8: {  	v19 =	vld.idx.msk [tilespmem:v12+s22+$0x0], $0xffff  }
0x1e9: {  	v20 =	vld.idx.msk [tilespmem:v10+s22+$0x0], $0xffff  }
0x1ea: {  	v21 =	vld.idx.msk [tilespmem:v13+s22+$0x0], $0xffff  }
0x1eb: {  	v12 =	vld.idx.msk [tilespmem:v12+s3+$0x0], $0xffff  }
0x1ec: {  	v10 =	vld.idx.msk [tilespmem:v10+s3+$0x0], $0xffff  }
0x1ed: {  	v13 =	vld.idx.msk [tilespmem:v13+s3+$0x0], $0xffff  }
0x1ee: {  	s15 =	simm.s32 $0x7;
	v22 =	vld.idx.msk [tilespmem:v16+s22+$0x0], $0xffff  }
0x1ef: {  	v9 =	vmov s15;
	s15 =	simm.s32 $0xC540;
	v16 =	vld.idx.msk [tilespmem:v16+s3+$0x0], $0xffff  }
0x1f0: {  	v38 =	vld [tilespmem:s15+$0xF0]  }
0x1f1: {  	v39 =	vld [tilespmem:s15+$0xFFFFFF00]  }
0x1f2: {  	v28 =	vld [tilespmem:s15+$0xFFFFFF10]  }
0x1f3: {  	v29 =	vld [tilespmem:s15+$0xFFFFFF20]  }
0x1f4: {  	v40 =	vld [tilespmem:s15+$0xFFFFFF40]  }
0x1f5: {  	v30 =	vld [tilespmem:s15+$0xFFFFFF50]  }
0x1f6: {  	v31 =	vld [tilespmem:s15+$0xFFFFFF60]  }
0x1f7: {  	v18 =	vbroadcast v11, $0x0;
	v11 =	vshrl.u32 v9, $0x3;
	v42 =	vld [tilespmem:s15+$0xFFFFFF90]  }
0x1f8: {  	v9 =	vor.u32 $0x7, v2;
	v43 =	vld [tilespmem:s15+$0xFFFFFFA0];
	v11 =	vshll.u32 v11, v1  }
0x1f9: {  	v45 =	vld [tilespmem:s15+$0xFFFFFFB0];
	v34 =	vadd.s32 v11, v9  }
0x1fa: {  	v46 =	vld [tilespmem:s15+$0xFFFFFFD0];
	v24 =	vbroadcast v34, $0x0  }
0x1fb: {  	v48 =	vld [tilespmem:s15+$0xFFFFFFE0]  }
0x1fc: {  	v15 =	vld.idx.msk [tilespmem:v15+s23+$0x0], $0xffff  }
0x1fd: {  	v23 =	vld.idx.msk [tilespmem:v17+s22+$0x0], $0xffff  }
0x1fe: {  	v17 =	vld.idx.msk [tilespmem:v17+s3+$0x0], $0xffff  }
0x1ff: {  	v12 =	vld.idx.msk [tilespmem:v12+s23+$0x0], $0xffff  }
0x200: {  	v35 =	vld.idx.msk [tilespmem:v24+s3+$0x0], $0xffff  }
0x201: {  	v14 =	vmul.f32 v15, v14;
	v15 =	vld [tilespmem:s15+$0xFFFFFF30]  }
0x202: {  	v11 =	vld.idx.msk [tilespmem:v18+s22+$0x0], $0xffff  }
0x203: {  	v36 =	vld.idx.msk [tilespmem:v10+s23+$0x0], $0xffff;
	v27 =	vmul.f32 v14, v39  }
0x204: {  	v12 =	vmul.f32 v12, v19;
	v19 =	vld [tilespmem:s15+$0xFFFFFF70];
	v28 =	vmul.f32 v28, v14  }
0x205: {  	v18 =	vld.idx.msk [tilespmem:v18+s3+$0x0], $0xffff;
	v41 =	vmul.f32 v29, v14;
	[tilespmem:s15+$0xFFFFFF00] =	vst v27  }
0x206: {  	v10 =	vld.idx.msk [tilespmem:v24+s22+$0x0], $0xffff;
	[tilespmem:s15+$0xFFFFFF10] =	vst v28;
	v14 =	vmul.f32 v15, v14  }
0x207: {  	v24 =	vmul.f32 v12, v40;
	[tilespmem:s15+$0xFFFFFF20] =	vst v41;
	v15 =	vld [tilespmem:s15+$0xFFFFFF80]  }
0x208: {  	v20 =	vmul.f32 v36, v20;
	v37 =	vld.idx.msk [tilespmem:v35+s23+$0x0], $0xffff;
	[tilespmem:s15+$0xFFFFFF30] =	vst v14;
	v14 =	vmul.f32 v30, v12  }
0x209: {  	s17 =	simm.s32 $0x9;
	v13 =	vld.idx.msk [tilespmem:v13+s23+$0x0], $0xffff;
	v44 =	vmul.f32 v31, v12;
	[tilespmem:s15+$0xFFFFFF40] =	vst v24;
	v12 =	vmul.f32 v19, v12  }
0x20a: {  	v47 =	vmov s17;
	s17 =	simm.s32 $0xB;
	v16 =	vld.idx.msk [tilespmem:v16+s23+$0x0], $0xffff;
	[tilespmem:s15+$0xFFFFFF50] =	vst v14  }
0x20b: {  	v50 =	vmov s17;
	s17 =	simm.s32 $0xD;
	v14 =	vld [tilespmem:s15+$0xFFFFFFC0];
	[tilespmem:s15+$0xFFFFFF70] =	vst v12;
	v12 =	vmul.f32 v42, v20  }
0x20c: {  	v52 =	vmov s17;
	s18 =	simm.s32 $0xA;
	v17 =	vld.idx.msk [tilespmem:v17+s23+$0x0], $0xffff;
	[tilespmem:s15+$0xFFFFFF60] =	vst v44;
	v15 =	vmul.f32 v20, v15  }
0x20d: {  	v49 =	vmov s18;
	s18 =	simm.s32 $0xC;
	v18 =	vld.idx.msk [tilespmem:v18+s23+$0x0], $0xffff;
	v10 =	vmul.f32 v37, v10;
	[tilespmem:s15+$0xFFFFFF90] =	vst v12;
	v12 =	vmul.f32 v45, v20  }
0x20e: {  	v51 =	vmov s18;
	s18 =	simm.s32 $0xE;
	v13 =	vmul.f32 v13, v21;
	v21 =	vld [tilespmem:s15+$0xFFFFFFF0];
	[tilespmem:s15+$0xFFFFFF80] =	vst v15;
	v15 =	vmul.f32 v43, v20  }
0x20f: {  	v55 =	vshrl.u32 v50, $0x3;
	v53 =	vmov s18;
	v25 =	vmul.f32 v38, v10;
	v20 =	vld [tilespmem:s15+$0x0];
	[tilespmem:s15+$0xFFFFFFB0] =	vst v12  }
0x210: {  	v56 =	vshrl.u32 v51, $0x3;
	v57 =	vshrl.u32 v53, $0x3;
	[tilespmem:s15+$0xFFFFFFA0] =	vst v15;
	v14 =	vmul.f32 v13, v14;
	v15 =	vld [tilespmem:s15+$0x10]  }
0x211: {  	v54 =	vld [tilespmem:s15+$0x20];
	v16 =	vmul.f32 v16, v22;
	v29 =	vshrl.u32 v49, $0x3;
	v12 =	vmul.f32 v46, v13;
	[tilespmem:s15+$0xF0] =	vst v25  }
0x212: {  	v22 =	vld [tilespmem:s15+$0x30];
	v23 =	vmul.f32 v17, v23;
	v29 =	vshll.u32 v29, v1;
	[tilespmem:s15+$0xFFFFFFC0] =	vst v14;
	v14 =	vmul.f32 v48, v13  }
0x213: {  	s16 =	simm.s32 $0x8;
	v59 =	vmul.f32 v18, v11;
	v28 =	vshrl.u32 v47, $0x3;
	[tilespmem:s15+$0xFFFFFFD0] =	vst v12;
	v12 =	vmul.f32 v21, v13;
	v13 =	vld [tilespmem:s15+$0x40]  }
0x214: {  	v28 =	vshll.u32 v28, v1;
	v19 =	vmov s16;
	[tilespmem:s15+$0xFFFFFFE0] =	vst v14;
	v14 =	vmul.f32 v16, v20;
	v20 =	vld [tilespmem:s15+$0x50]  }
0x215: {  	v17 =	vadd.s32 v28, v3;
	v19 =	vshrl.u32 v19, $0x3;
	[tilespmem:s15+$0xFFFFFFF0] =	vst v12;
	v12 =	vmul.f32 v15, v16;
	v15 =	vld [tilespmem:s15+$0x60]  }
0x216: {  	v58 =	vld [tilespmem:s15+$0x70];
	v17 =	vbroadcast v17, $0x0;
	v19 =	vshll.u32 v19, v1;
	[tilespmem:s15+$0x0] =	vst v14;
	v14 =	vmul.f32 v54, v16  }
0x217: {  	v19 =	vadd.s32 v2, v19;
	v25 =	vshll.u32 v55, v1;
	[tilespmem:s15+$0x10] =	vst v12;
	v12 =	vmul.f32 v22, v16;
	v16 =	vld [tilespmem:s15+$0x80]  }
0x218: {  	v11 =	vadd.s32 v25, v5;
	v22 =	vbroadcast v19, $0x0;
	v13 =	vmul.f32 v23, v13;
	[tilespmem:s15+$0x20] =	vst v14;
	v14 =	vld [tilespmem:s15+$0x90]  }
0x219: {  	v21 =	vshrl.u32 v52, $0x3;
	v18 =	vbroadcast v11, $0x0;
	[tilespmem:s15+$0x30] =	vst v12;
	v12 =	vmul.f32 v20, v23;
	v20 =	vld [tilespmem:s15+$0xA0]  }
0x21a: {  	v60 =	vld [tilespmem:s15+$0xB0];
	v19 =	vshll.u32 v21, v1;
	v21 =	vadd.s32 v29, v4;
	[tilespmem:s15+$0x40] =	vst v13;
	v15 =	vmul.f32 v15, v23  }
0x21b: {  	v27 =	vshll.u32 v56, v1;
	v13 =	vbroadcast v21, $0x0;
	[tilespmem:s15+$0x50] =	vst v12;
	v12 =	vmul.f32 v58, v23;
	v23 =	vld [tilespmem:s15+$0xC0]  }
0x21c: {  	v11 =	vld [tilespmem:s15+$0xD0];
	v61 =	vadd.s32 v19, v7;
	[tilespmem:s15+$0x60] =	vst v15;
	v15 =	vmul.f32 v59, v16;
	v16 =	vadd.s32 v27, v6  }
0x21d: {  	v21 =	vshll.u32 v57, v1;
	[tilespmem:s15+$0x70] =	vst v12;
	v14 =	vmul.f32 v14, v59;
	v12 =	vld [tilespmem:s15+$0xE0];
	v19 =	vbroadcast v16, $0x0  }
0x21e: {  	v62 =	vadd.s32 v21, v8;
	v21 =	vbroadcast v61, $0x0;
	v16 =	vld.idx.msk [tilespmem:v22+s22+$0x0], $0xffff;
	[tilespmem:s15+$0x80] =	vst v15;
	v63 =	vmul.f32 v20, v59  }
0x21f: {  	v20 =	vld.idx.msk [tilespmem:v22+s3+$0x0], $0xffff;
	v22 =	vbroadcast v62, $0x0;
	v15 =	vmul.f32 v60, v59;
	[tilespmem:s15+$0x90] =	vst v14  }
0x220: {  	s17 =	simm.s32 $0xF;
	s16 =	simm.s32 $0x10;
	v14 =	vld.idx.msk [tilespmem:v17+s22+$0x0], $0xffff;
	[tilespmem:s15+$0xA0] =	vst v63;
	v23 =	vmul.f32 v10, v23  }
.LBB2_9:
0x221: {  	p0 =	slt.u32 s16, $0x48;
	v24 =	vld.idx.msk [tilespmem:v13+s22+$0x0], $0xffff;
	v25 =	vmov s17;
	[tilespmem:s15+$0xB0] =	vst v15;
	v11 =	vmul.f32 v11, v10  }
0x222: {  	v26 =	vld.idx.msk [tilespmem:v18+s22+$0x0], $0xffff;
	v25 =	vshrl.u32 v25, $0x3;
	[tilespmem:s15+$0xC0] =	vst v23;
	v10 =	vmul.f32 v12, v10  }
0x223: {  	v15 =	vld.idx.msk [tilespmem:v19+s22+$0x0], $0xffff;
	v23 =	vshll.u32 v25, v1;
	[tilespmem:s15+$0xD0] =	vst v11  }
0x224: {  	v12 =	vld.idx.msk [tilespmem:v21+s22+$0x0], $0xffff;
	v23 =	vadd.s32 v23, v9;
	[tilespmem:s15+$0xE0] =	vst v10  }
0x225: {  	v11 =	vld.idx.msk [tilespmem:v22+s22+$0x0], $0xffff;
	v10 =	vbroadcast v23, $0x0  }
0x226: {  	v17 =	vld.idx.msk [tilespmem:v17+s3+$0x0], $0xffff  }
0x227: {  	v13 =	vld.idx.msk [tilespmem:v13+s3+$0x0], $0xffff  }
0x228: {  	v18 =	vld.idx.msk [tilespmem:v18+s3+$0x0], $0xffff  }
0x229: {  	v19 =	vld.idx.msk [tilespmem:v19+s3+$0x0], $0xffff  }
0x22a: {  	v21 =	vld.idx.msk [tilespmem:v21+s3+$0x0], $0xffff  }
0x22b: {  	v23 =	vld.idx.msk [tilespmem:v10+s3+$0x0], $0xffff  }
0x22c: {  	v22 =	vld.idx.msk [tilespmem:v22+s3+$0x0], $0xffff  }
0x22d: {  	v20 =	vld.idx.msk [tilespmem:v20+s23+$0x0], $0xffff  }
0x22e: {  	v17 =	vld.idx.msk [tilespmem:v17+s23+$0x0], $0xffff  }
0x22f: {  	v25 =	vld.idx.msk [tilespmem:v13+s23+$0x0], $0xffff  }
0x230: {  	v18 =	vld.idx.msk [tilespmem:v18+s23+$0x0], $0xffff  }
0x231: {  	v19 =	vld.idx.msk [tilespmem:v19+s23+$0x0], $0xffff  }
0x232: {  	v10 =	vld.idx.msk [tilespmem:v10+s22+$0x0], $0xffff  }
0x233: {  	v23 =	vld.idx.msk [tilespmem:v23+s23+$0x0], $0xffff  }
0x234: {  	v21 =	vld.idx.msk [tilespmem:v21+s23+$0x0], $0xffff  }
0x235: {  	s15 =	sadd.s32 $0x200, s15;
	v13 =	vld.idx.msk [tilespmem:v22+s23+$0x0], $0xffff  }
0x236: {  	v22 =	vld [tilespmem:s15+$0xF0]  }
0x237: {  	v27 =	vld [tilespmem:s15+$0xFFFFFF00]  }
0x238: {  	v28 =	vld [tilespmem:s15+$0xFFFFFF10]  }
0x239: {  	v10 =	vmul.f32 v23, v10;
	v29 =	vld [tilespmem:s15+$0xFFFFFF20]  }
0x23a: {  	v16 =	vmul.f32 v20, v16;
	v20 =	vld [tilespmem:s15+$0xFFFFFF30]  }
0x23b: {  	v23 =	vld [tilespmem:s15+$0xFFFFFF40];
	v22 =	vmul.f32 v22, v10  }
0x23c: {  	v27 =	vmul.f32 v16, v27;
	v30 =	vld [tilespmem:s15+$0xFFFFFF50]  }
0x23d: {  	v28 =	vmul.f32 v28, v16;
	v31 =	vld [tilespmem:s15+$0xFFFFFF60];
	[tilespmem:s15+$0xF0] =	vst v22  }
0x23e: {  	v14 =	vmul.f32 v17, v14;
	[tilespmem:s15+$0xFFFFFF00] =	vst v27;
	v22 =	vmul.f32 v29, v16;
	v17 =	vld [tilespmem:s15+$0xFFFFFF70]  }
0x23f: {  	[tilespmem:s15+$0xFFFFFF10] =	vst v28;
	v16 =	vmul.f32 v20, v16;
	v20 =	vld [tilespmem:s15+$0xFFFFFF80]  }
0x240: {  	[tilespmem:s15+$0xFFFFFF20] =	vst v22;
	v22 =	vmul.f32 v14, v23;
	v23 =	vld [tilespmem:s15+$0xFFFFFF90]  }
0x241: {  	[tilespmem:s15+$0xFFFFFF30] =	vst v16;
	v16 =	vmul.f32 v30, v14;
	v27 =	vld [tilespmem:s15+$0xFFFFFFA0]  }
0x242: {  	v24 =	vmul.f32 v25, v24;
	[tilespmem:s15+$0xFFFFFF40] =	vst v22;
	v22 =	vmul.f32 v31, v14;
	v25 =	vld [tilespmem:s15+$0xFFFFFFB0]  }
0x243: {  	v28 =	vmov s16;
	[tilespmem:s15+$0xFFFFFF50] =	vst v16;
	v14 =	vmul.f32 v17, v14;
	v16 =	vld [tilespmem:s15+$0xFFFFFFC0]  }
0x244: {  	s0 =	sadd.s32 $0x1, s16;
	s17 =	sadd.s32 $0x2, s16;
	v17 =	vshrl.u32 v28, $0x3;
	[tilespmem:s15+$0xFFFFFF60] =	vst v22;
	v20 =	vmul.f32 v24, v20;
	v22 =	vld [tilespmem:s15+$0xFFFFFFD0]  }
0x245: {  	v29 =	vmov s17;
	v28 =	vmov s0;
	s0 =	sadd.s32 $0x3, s16;
	[tilespmem:s15+$0xFFFFFF70] =	vst v14;
	v14 =	vmul.f32 v23, v24;
	v23 =	vld [tilespmem:s15+$0xFFFFFFE0]  }
0x246: {  	v18 =	vmul.f32 v18, v26;
	s17 =	sadd.s32 $0x5, s16;
	v30 =	vmov s0;
	s0 =	sadd.s32 $0x4, s16;
	[tilespmem:s15+$0xFFFFFF80] =	vst v20;
	v20 =	vmul.f32 v27, v24;
	v26 =	vld [tilespmem:s15+$0xFFFFFFF0]  }
0x247: {  	v31 =	vmov s17;
	v27 =	vmov s0;
	s0 =	sadd.s32 $0x6, s16;
	[tilespmem:s15+$0xFFFFFF90] =	vst v14;
	v14 =	vmul.f32 v25, v24;
	v24 =	vld [tilespmem:s15+$0x0]  }
0x248: {  	v17 =	vshll.u32 v17, v1;
	v25 =	vmov s0;
	[tilespmem:s15+$0xFFFFFFA0] =	vst v20;
	v16 =	vmul.f32 v18, v16;
	v20 =	vld [tilespmem:s15+$0x10]  }
0x249: {  	v29 =	vshrl.u32 v29, $0x3;
	v28 =	vshrl.u32 v28, $0x3;
	[tilespmem:s15+$0xFFFFFFB0] =	vst v14;
	v14 =	vmul.f32 v22, v18;
	v22 =	vld [tilespmem:s15+$0x20]  }
0x24a: {  	v15 =	vmul.f32 v19, v15;
	v30 =	vshrl.u32 v30, $0x3;
	[tilespmem:s15+$0xFFFFFFC0] =	vst v16;
	v16 =	vmul.f32 v23, v18;
	v19 =	vld [tilespmem:s15+$0x30]  }
0x24b: {  	v23 =	vshrl.u32 v27, $0x3;
	v27 =	vshrl.u32 v31, $0x3;
	[tilespmem:s15+$0xFFFFFFD0] =	vst v14;
	v14 =	vmul.f32 v26, v18;
	v18 =	vld [tilespmem:s15+$0x40]  }
0x24c: {  	v17 =	vadd.s32 v2, v17;
	v25 =	vshrl.u32 v25, $0x3;
	[tilespmem:s15+$0xFFFFFFE0] =	vst v16;
	v16 =	vmul.f32 v15, v24;
	v24 =	vld [tilespmem:s15+$0x50]  }
0x24d: {  	v26 =	vshll.u32 v28, v1;
	v28 =	vshll.u32 v29, v1;
	[tilespmem:s15+$0xFFFFFFF0] =	vst v14;
	v14 =	vmul.f32 v20, v15;
	v20 =	vld [tilespmem:s15+$0x60]  }
0x24e: {  	v12 =	vmul.f32 v21, v12;
	v29 =	vshll.u32 v30, v1;
	[tilespmem:s15+$0x0] =	vst v16;
	v16 =	vmul.f32 v22, v15;
	v21 =	vld [tilespmem:s15+$0x70]  }
0x24f: {  	v22 =	vshll.u32 v23, v1;
	v23 =	vshll.u32 v27, v1;
	[tilespmem:s15+$0x10] =	vst v14;
	v14 =	vmul.f32 v19, v15;
	v15 =	vld [tilespmem:s15+$0x80]  }
0x250: {  	v27 =	vbroadcast v17, $0x0;
	v17 =	vadd.s32 v26, v3;
	[tilespmem:s15+$0x20] =	vst v16;
	v16 =	vmul.f32 v12, v18;
	v26 =	vld [tilespmem:s15+$0x90]  }
0x251: {  	v25 =	vshll.u32 v25, v1;
	v17 =	vbroadcast v17, $0x0;
	[tilespmem:s15+$0x30] =	vst v14;
	v14 =	vmul.f32 v24, v12;
	v24 =	vld [tilespmem:s15+$0xA0]  }
0x252: {  	v18 =	vadd.s32 v28, v4;
	v28 =	vmul.f32 v13, v11;
	[tilespmem:s15+$0x40] =	vst v16;
	v16 =	vmul.f32 v20, v12;
	v30 =	vld [tilespmem:s15+$0xB0]  }
0x253: {  	v11 =	vadd.s32 v29, v5;
	v13 =	vbroadcast v18, $0x0;
	[tilespmem:s15+$0x50] =	vst v14;
	v12 =	vmul.f32 v21, v12;
	v29 =	vld [tilespmem:s15+$0xC0]  }
.Ltmp3:
0x254: {  	v18 =	vbroadcast v11, $0x0;
	v14 =	vadd.s32 v22, v6;
	[tilespmem:s15+$0x60] =	vst v16;
	v15 =	vmul.f32 v28, v15;
	v11 =	vld [tilespmem:s15+$0xD0];
	(pc) =	sbr.rel @p0 .LBB2_9-.Ltmp3, $4  }
0x255: {  	v19 =	vbroadcast v14, $0x0;
	v14 =	vadd.s32 v23, v7;
	[tilespmem:s15+$0x70] =	vst v12;
	v23 =	vmul.f32 v26, v28;
	v12 =	vld [tilespmem:s15+$0xE0]  }
0x256: {  	v21 =	vbroadcast v14, $0x0;
	v14 =	vadd.s32 v25, v8;
	v16 =	vld.idx.msk [tilespmem:v27+s22+$0x0], $0xffff;
	[tilespmem:s15+$0x80] =	vst v15;
	v24 =	vmul.f32 v24, v28  }
0x257: {  	v22 =	vbroadcast v14, $0x0;
	v20 =	vld.idx.msk [tilespmem:v27+s3+$0x0], $0xffff;
	[tilespmem:s15+$0x90] =	vst v23;
	v15 =	vmul.f32 v30, v28  }
0x258: {  	s17 =	sadd.s32 $0x7, s16;
	s16 =	sadd.s32 $0x8, s16;
	v14 =	vld.idx.msk [tilespmem:v17+s22+$0x0], $0xffff;
	[tilespmem:s15+$0xA0] =	vst v24;
	v23 =	vmul.f32 v10, v29  }
0x259: {  	_ =	sdelay $0x3  }
0x25a: {  	v2 =	vld.idx.msk [tilespmem:v13+s22+$0x0], $0xffff  }
0x25b: {  	v4 =	vld.idx.msk [tilespmem:v18+s22+$0x0], $0xffff  }
0x25c: {  	v5 =	vld.idx.msk [tilespmem:v19+s22+$0x0], $0xffff  }
0x25d: {  	v6 =	vld.idx.msk [tilespmem:v21+s22+$0x0], $0xffff  }
0x25e: {  	v3 =	vmov s17;
	v7 =	vld.idx.msk [tilespmem:v22+s22+$0x0], $0xffff  }
0x25f: {  	v8 =	vld.idx.msk [tilespmem:v17+s3+$0x0], $0xffff;
	v3 =	vshrl.u32 v3, $0x3  }
0x260: {  	v17 =	vld.idx.msk [tilespmem:v19+s3+$0x0], $0xffff;
	s16 =	sadd.s32 $0x200, s15;
	v3 =	vshll.u32 v3, v1  }
0x261: {  	v24 =	vld [tilespmem:s16+$0xFFFFFF00];
	v3 =	vadd.s32 v3, v9  }
0x262: {  	v25 =	vld [tilespmem:s16+$0xFFFFFF10];
	v3 =	vbroadcast v3, $0x0  }
0x263: {  	[tilespmem:s15+$0xB0] =	vst v15;
	v11 =	vmul.f32 v11, v10;
	v15 =	vld [tilespmem:s16+$0xFFFFFF20]  }
0x264: {  	[tilespmem:s15+$0xC0] =	vst v23;
	v23 =	vld [tilespmem:s16+$0xFFFFFF60]  }
0x265: {  	[tilespmem:s15+$0xD0] =	vst v11;
	v11 =	vld [tilespmem:s16+$0xFFFFFF40]  }
0x266: {  	v9 =	vld.idx.msk [tilespmem:v13+s3+$0x0], $0xffff  }
0x267: {  	v13 =	vld.idx.msk [tilespmem:v18+s3+$0x0], $0xffff  }
0x268: {  	v19 =	vld.idx.msk [tilespmem:v3+s3+$0x0], $0xffff  }
0x269: {  	v18 =	vld.idx.msk [tilespmem:v21+s3+$0x0], $0xffff  }
0x26a: {  	v20 =	vld.idx.msk [tilespmem:v20+s23+$0x0], $0xffff  }
0x26b: {  	v21 =	vld.idx.msk [tilespmem:v22+s3+$0x0], $0xffff  }
0x26c: {  	v22 =	vld [tilespmem:s16+$0xF0]  }
0x26d: {  	v8 =	vld.idx.msk [tilespmem:v8+s23+$0x0], $0xffff  }
0x26e: {  	v17 =	vld.idx.msk [tilespmem:v17+s23+$0x0], $0xffff  }
0x26f: {  	v10 =	vmul.f32 v12, v10;
	v12 =	vmul.f32 v20, v16;
	v3 =	vld.idx.msk [tilespmem:v3+s22+$0x0], $0xffff  }
0x270: {  	v19 =	vld.idx.msk [tilespmem:v19+s23+$0x0], $0xffff  }
0x271: {  	[tilespmem:s15+$0xE0] =	vst v10;
	v10 =	vmul.f32 v12, v24;
	v9 =	vld.idx.msk [tilespmem:v9+s23+$0x0], $0xffff  }
0x272: {  	v16 =	vld [tilespmem:s16+$0xFFFFFF30]  }
0x273: {  	v20 =	vld [tilespmem:s16+$0xFFFFFF50];
	[tilespmem:s16+$0xFFFFFF00] =	vst v10;
	v10 =	vmul.f32 v15, v12;
	v8 =	vmul.f32 v8, v14  }
0x274: {  	v15 =	vld [tilespmem:s16+$0xFFFFFF80]  }
0x275: {  	v13 =	vld.idx.msk [tilespmem:v13+s23+$0x0], $0xffff;
	[tilespmem:s16+$0xFFFFFF20] =	vst v10;
	v10 =	vmul.f32 v8, v11;
	v3 =	vmul.f32 v19, v3  }
0x276: {  	v18 =	vld.idx.msk [tilespmem:v18+s23+$0x0], $0xffff;
	v2 =	vmul.f32 v9, v2  }
0x277: {  	v14 =	vld [tilespmem:s16+$0xFFFFFF70];
	[tilespmem:s16+$0xFFFFFF40] =	vst v10;
	v10 =	vmul.f32 v23, v8;
	v19 =	vmul.f32 v22, v3  }
0x278: {  	v21 =	vld.idx.msk [tilespmem:v21+s23+$0x0], $0xffff;
	v22 =	vmul.f32 v25, v12;
	v12 =	vmul.f32 v16, v12  }
0x279: {  	v11 =	vld [tilespmem:s16+$0xFFFFFF90];
	[tilespmem:s16+$0xFFFFFF60] =	vst v10;
	v10 =	vmul.f32 v2, v15  }
0x27a: {  	v16 =	vld [tilespmem:s16+$0xFFFFFFA0];
	[tilespmem:s16+$0xFFFFFF30] =	vst v12;
	v12 =	vmul.f32 v20, v8  }
0x27b: {  	v9 =	vld [tilespmem:s16+$0xFFFFFFB0];
	[tilespmem:s16+$0xFFFFFF80] =	vst v10  }
0x27c: {  	v8 =	vmul.f32 v14, v8;
	[tilespmem:s16+$0xFFFFFF50] =	vst v12;
	v12 =	vld [tilespmem:s16+$0xFFFFFFC0]  }
0x27d: {  	[tilespmem:s16+$0xF0] =	vst v19;
	v14 =	vld [tilespmem:s16+$0xFFFFFFD0]  }
0x27e: {  	[tilespmem:s16+$0xFFFFFF70] =	vst v8;
	v8 =	vmul.f32 v11, v2;
	v11 =	vld [tilespmem:s16+$0xFFFFFFE0]  }
0x27f: {  	v4 =	vmul.f32 v13, v4;
	v13 =	vld [tilespmem:s16+$0xFFFFFFF0];
	[tilespmem:s16+$0xFFFFFF10] =	vst v22;
	v10 =	vmul.f32 v16, v2  }
0x280: {  	v2 =	vmul.f32 v9, v2;
	[tilespmem:s16+$0xFFFFFF90] =	vst v8;
	v8 =	vld [tilespmem:s16+$0x0]  }
0x281: {  	[tilespmem:s16+$0xFFFFFFA0] =	vst v10;
	v10 =	vld [tilespmem:s16+$0x10];
	v9 =	vmul.f32 v4, v12  }
0x282: {  	[tilespmem:s16+$0xFFFFFFB0] =	vst v2;
	v2 =	vmul.f32 v14, v4;
	v12 =	vld [tilespmem:s16+$0x20]  }
0x283: {  	v5 =	vmul.f32 v17, v5;
	[tilespmem:s16+$0xFFFFFFC0] =	vst v9;
	v9 =	vmul.f32 v11, v4;
	v11 =	vld [tilespmem:s16+$0x30]  }
0x284: {  	[tilespmem:s16+$0xFFFFFFD0] =	vst v2;
	v2 =	vmul.f32 v13, v4;
	v4 =	vld [tilespmem:s16+$0x40]  }
0x285: {  	v8 =	vmul.f32 v5, v8;
	[tilespmem:s16+$0xFFFFFFE0] =	vst v9;
	v9 =	vld [tilespmem:s16+$0x50]  }
0x286: {  	[tilespmem:s16+$0xFFFFFFF0] =	vst v2;
	v2 =	vmul.f32 v10, v5;
	v10 =	vld [tilespmem:s16+$0x60]  }
0x287: {  	v6 =	vmul.f32 v18, v6;
	[tilespmem:s16+$0x0] =	vst v8;
	v8 =	vmul.f32 v12, v5;
	v12 =	vld [tilespmem:s16+$0x70]  }
0x288: {  	[tilespmem:s16+$0x10] =	vst v2;
	v2 =	vmul.f32 v11, v5;
	v5 =	vld [tilespmem:s16+$0x80]  }
0x289: {  	[tilespmem:s16+$0x20] =	vst v8;
	v4 =	vmul.f32 v6, v4;
	v8 =	vld [tilespmem:s16+$0x90]  }
0x28a: {  	[tilespmem:s16+$0x30] =	vst v2;
	v2 =	vmul.f32 v9, v6;
	v9 =	vld [tilespmem:s16+$0xA0]  }
0x28b: {  	v7 =	vmul.f32 v21, v7;
	[tilespmem:s16+$0x40] =	vst v4;
	v4 =	vmul.f32 v10, v6;
	v10 =	vld [tilespmem:s16+$0xB0]  }
0x28c: {  	[tilespmem:s16+$0x50] =	vst v2;
	v2 =	vmul.f32 v12, v6;
	v6 =	vld [tilespmem:s16+$0xC0]  }
0x28d: {  	[tilespmem:s16+$0x60] =	vst v4;
	v4 =	vmul.f32 v7, v5;
	v5 =	vld [tilespmem:s16+$0xD0]  }
0x28e: {  	[tilespmem:s16+$0x70] =	vst v2;
	v2 =	vmul.f32 v8, v7;
	v8 =	vld [tilespmem:s16+$0xE0]  }
0x28f: {  	s17 =	simm.s32 $0x4;
	[tilespmem:s16+$0x80] =	vst v4;
	v4 =	vmul.f32 v9, v7  }
0x290: {  	s0 =	smul.u32 $0x140, s13;
	s13 =	simm.s32 $0x6;
	v13 =	vmov s17;
	[tilespmem:s16+$0x90] =	vst v2;
	v2 =	vmul.f32 v10, v7  }
0x291: {  	v15 =	vmov s13;
	v13 =	vshrl.u32 v13, $0x3;
	[tilespmem:s16+$0xA0] =	vst v4;
	v4 =	vmul.f32 v3, v6  }
0x292: {  	s18 =	simm.s32 $0x0;
	s15 =	simm.s32 $0x2;
	v15 =	vshrl.u32 v15, $0x3;
	v13 =	vshll.u32 v13, v1;
	[tilespmem:s16+$0xB0] =	vst v2;
	v5 =	vmul.f32 v5, v3  }
0x293: {  	p0 =	seq.s32 s10, $0x1E;
	v11 =	vmov s15;
	v9 =	vmov s18;
	[tilespmem:s16+$0xC0] =	vst v4;
	v3 =	vmul.f32 v8, v3  }
0x294: {  	s0 =	sshra.s32 s0, $0x2;
	v11 =	vshrl.u32 v11, $0x3;
	s18 =	simm.s32 $0x5;
	v9 =	vshrl.u32 v9, $0x3;
	v2 =	vmov s14;
	s14 =	simm.s32 $0x1;
	[tilespmem:s16+$0xD0] =	vst v5  }
0x295: {  	s0 =	sadd.s32 $0x2710, s0;
	v14 =	vmov s18;
	v2 =	vmul.u32 $0x50, v2;
	v10 =	vmov s14;
	s14 =	simm.s32 @!p0 $0x6;
	[tilespmem:s16+$0xE0] =	vst v3  }
0x296: {  	v11 =	vshll.u32 v11, v1;
	v9 =	vshll.u32 v9, v1;
	v14 =	vshrl.u32 v14, $0x3;
	[spmem:s2] =	stream.indirect.scatter.add.f32 [tilespmem:s28], [sflag:$0x7], $0x40, s0, s24, $0xb8;
	[tilespmem:$0x18C40] =	vst v63  }
0x297: {  	v10 =	vshrl.u32 v10, $0x3;
	v3 =	vor.u32 $0x1, v2;
	v9 =	vadd.s32 v2, v9;
	_ =	swait.ge @!p0 [sflag:s14], $0x1400  }
0x298: {  	s13 =	simm.s32 @!p0 $0x50;
	v4 =	vor.u32 $0x2, v2;
	s16 =	simm.s32 $0x3;
	v10 =	vshll.u32 v10, v1;
	v9 =	vbroadcast v9, $0x0;
	[sflag:s14] =	ssyncset.done @!p0 $0x0  }
0x299: {  	v5 =	vor.u32 $0x3, v2;
	v12 =	vmov s16;
	s0 =	sadd.s32 @!p0 $0x190, s11;
	v10 =	vadd.s32 v10, v3;
	[sflag:s14] =	ssyncadd.s32 @!p0 $0xFFFFEC00;
	s14 =	simm.s32 @!p0 $0xB040  }
0x29a: {  	v11 =	vadd.s32 v11, v4;
	v12 =	vshrl.u32 v12, $0x3;
	v10 =	vbroadcast v10, $0x0;
	[tilespmem:s14], [sflag:$0x2] =	stream.indirect.gather @!p0 [hbm4b:s4+s13], $0x40, s0, s13, $0xb8;
	[tilespmem:$0x18C40] =	vst v63  }
0x29b: {  	v6 =	vor.u32 $0x4, v2;
	v16 =	vbroadcast v11, $0x0;
	v12 =	vshll.u32 v12, v1;
	_ =	swait.ge [sflag:s26], $0x1400  }
0x29c: {  	v7 =	vor.u32 $0x5, v2;
	v8 =	vor.u32 $0x6, v2;
	v11 =	vadd.s32 v12, v5;
	[sflag:s26] =	ssyncset.done $0x0  }
0x29d: {  	v12 =	vshll.u32 v14, v1;
	v14 =	vbroadcast v11, $0x0;
	v11 =	vadd.s32 v13, v6;
	[sflag:s26] =	ssyncadd.s32 $0xFFFFEC00  }
0x29e: {  	v13 =	vshll.u32 v15, v1;
	v15 =	vbroadcast v11, $0x0;
	v11 =	vadd.s32 v12, v7;
	v12 =	vld.idx.msk [tilespmem:v9+s22+$0x0], $0xffff  }
0x29f: {  	v17 =	vbroadcast v11, $0x0;
	v11 =	vadd.s32 v13, v8;
	v13 =	vld.idx.msk [tilespmem:v9+s3+$0x0], $0xffff  }
0x2a0: {  	v19 =	vld.idx.msk [tilespmem:v10+s22+$0x0], $0xffff  }
0x2a1: {  	v20 =	vld.idx.msk [tilespmem:v16+s22+$0x0], $0xffff  }
0x2a2: {  	v10 =	vld.idx.msk [tilespmem:v10+s3+$0x0], $0xffff  }
0x2a3: {  	s13 =	simm.s32 $0xD940;
	v16 =	vld.idx.msk [tilespmem:v16+s3+$0x0], $0xffff  }
0x2a4: {  	v40 =	vld [tilespmem:s13+$0xF0]  }
0x2a5: {  	v27 =	vld [tilespmem:s13+$0xFFFFFF00]  }
0x2a6: {  	v28 =	vld [tilespmem:s13+$0xFFFFFF10]  }
0x2a7: {  	v29 =	vld [tilespmem:s13+$0xFFFFFF20]  }
0x2a8: {  	v41 =	vld [tilespmem:s13+$0xFFFFFF40]  }
0x2a9: {  	v30 =	vld [tilespmem:s13+$0xFFFFFF50]  }
0x2aa: {  	s15 =	simm.s32 $0x7;
	v31 =	vld [tilespmem:s13+$0xFFFFFF60]  }
0x2ab: {  	v9 =	vmov s15;
	v43 =	vld [tilespmem:s13+$0xFFFFFF70]  }
0x2ac: {  	v18 =	vbroadcast v11, $0x0;
	v44 =	vld [tilespmem:s13+$0xFFFFFF90];
	v11 =	vshrl.u32 v9, $0x3  }
0x2ad: {  	v45 =	vld [tilespmem:s13+$0xFFFFFFA0];
	v9 =	vor.u32 $0x7, v2;
	v11 =	vshll.u32 v11, v1  }
0x2ae: {  	v48 =	vld [tilespmem:s13+$0xFFFFFFD0];
	v37 =	vadd.s32 v11, v9  }
0x2af: {  	v50 =	vld [tilespmem:s13+$0xFFFFFFE0];
	v24 =	vbroadcast v37, $0x0  }
0x2b0: {  	v55 =	vld [tilespmem:s13+$0x20]  }
0x2b1: {  	v21 =	vld.idx.msk [tilespmem:v14+s22+$0x0], $0xffff  }
0x2b2: {  	v14 =	vld.idx.msk [tilespmem:v14+s3+$0x0], $0xffff  }
0x2b3: {  	v22 =	vld.idx.msk [tilespmem:v15+s22+$0x0], $0xffff  }
0x2b4: {  	v13 =	vld.idx.msk [tilespmem:v13+s23+$0x0], $0xffff  }
0x2b5: {  	v38 =	vld.idx.msk [tilespmem:v24+s3+$0x0], $0xffff  }
0x2b6: {  	v15 =	vld.idx.msk [tilespmem:v15+s3+$0x0], $0xffff  }
0x2b7: {  	v23 =	vld.idx.msk [tilespmem:v17+s22+$0x0], $0xffff  }
0x2b8: {  	v26 =	vld.idx.msk [tilespmem:v10+s23+$0x0], $0xffff  }
0x2b9: {  	v12 =	vmul.f32 v13, v12;
	v13 =	vld [tilespmem:s13+$0xFFFFFF30]  }
0x2ba: {  	v17 =	vld.idx.msk [tilespmem:v17+s3+$0x0], $0xffff  }
0x2bb: {  	v16 =	vld.idx.msk [tilespmem:v16+s23+$0x0], $0xffff;
	v27 =	vmul.f32 v12, v27  }
0x2bc: {  	v10 =	vld.idx.msk [tilespmem:v24+s22+$0x0], $0xffff;
	v28 =	vmul.f32 v28, v12  }
0x2bd: {  	v19 =	vmul.f32 v26, v19;
	v42 =	vmul.f32 v29, v12;
	[tilespmem:s13+$0xFFFFFF00] =	vst v27;
	v39 =	vld.idx.msk [tilespmem:v38+s23+$0x0], $0xffff  }
0x2be: {  	[tilespmem:s13+$0xFFFFFF10] =	vst v28;
	v12 =	vmul.f32 v13, v12;
	v13 =	vld [tilespmem:s13+$0xFFFFFF80]  }
0x2bf: {  	v11 =	vld.idx.msk [tilespmem:v18+s22+$0x0], $0xffff;
	v24 =	vmul.f32 v19, v41;
	[tilespmem:s13+$0xFFFFFF20] =	vst v42  }
0x2c0: {  	v18 =	vld.idx.msk [tilespmem:v18+s3+$0x0], $0xffff;
	[tilespmem:s13+$0xFFFFFF30] =	vst v12;
	v12 =	vmul.f32 v30, v19  }
0x2c1: {  	v14 =	vld.idx.msk [tilespmem:v14+s23+$0x0], $0xffff;
	v16 =	vmul.f32 v16, v20;
	v46 =	vmul.f32 v31, v19;
	[tilespmem:s13+$0xFFFFFF40] =	vst v24  }
0x2c2: {  	s18 =	simm.s32 $0xA;
	v20 =	vld [tilespmem:s13+$0xFFFFFFB0];
	[tilespmem:s13+$0xFFFFFF50] =	vst v12;
	v12 =	vmul.f32 v43, v19  }
0x2c3: {  	v51 =	vmov s18;
	s18 =	simm.s32 $0xE;
	[tilespmem:s13+$0xFFFFFF60] =	vst v46;
	v19 =	vld [tilespmem:s13+$0xFFFFFFC0];
	v10 =	vmul.f32 v39, v10;
	v13 =	vmul.f32 v16, v13  }
0x2c4: {  	s17 =	simm.s32 $0x9;
	v54 =	vmov s18;
	v15 =	vld.idx.msk [tilespmem:v15+s23+$0x0], $0xffff;
	[tilespmem:s13+$0xFFFFFF70] =	vst v12;
	v12 =	vmul.f32 v44, v16  }
0x2c5: {  	v49 =	vmov s17;
	v58 =	vshrl.u32 v54, $0x3;
	s16 =	simm.s32 $0x8;
	v17 =	vld.idx.msk [tilespmem:v17+s23+$0x0], $0xffff;
	v25 =	vmul.f32 v40, v10;
	[tilespmem:s13+$0xFFFFFF80] =	vst v13  }
0x2c6: {  	v47 =	vmov s16;
	s16 =	simm.s32 $0xC;
	v14 =	vmul.f32 v14, v21;
	v21 =	vld [tilespmem:s13+$0xFFFFFFF0];
	v13 =	vmul.f32 v45, v16;
	[tilespmem:s13+$0xFFFFFF90] =	vst v12  }
0x2c7: {  	v62 =	vshll.u32 v58, v1;
	v53 =	vmov s16;
	s15 =	simm.s32 $0xB;
	v12 =	vmul.f32 v20, v16;
	v16 =	vld [tilespmem:s13+$0x0];
	[tilespmem:s13+$0xF0] =	vst v25  }
0x2c8: {  	v57 =	vshrl.u32 v53, $0x3;
	v52 =	vmov s15;
	[tilespmem:s13+$0xFFFFFFA0] =	vst v13;
	v13 =	vmul.f32 v14, v19;
	v19 =	vld [tilespmem:s13+$0x10]  }
0x2c9: {  	v56 =	vshrl.u32 v52, $0x3;
	v18 =	vld.idx.msk [tilespmem:v18+s23+$0x0], $0xffff;
	v26 =	vshrl.u32 v47, $0x3;
	[tilespmem:s13+$0xFFFFFFB0] =	vst v12;
	v12 =	vmul.f32 v48, v14  }
0x2ca: {  	v29 =	vshrl.u32 v51, $0x3;
	v15 =	vmul.f32 v15, v22;
	v22 =	vld [tilespmem:s13+$0x30];
	[tilespmem:s13+$0xFFFFFFC0] =	vst v13;
	v13 =	vmul.f32 v50, v14  }
0x2cb: {  	v26 =	vshll.u32 v26, v1;
	v29 =	vshll.u32 v29, v1;
	[tilespmem:s13+$0xFFFFFFD0] =	vst v12;
	v12 =	vmul.f32 v21, v14;
	v14 =	vld [tilespmem:s13+$0x40]  }
0x2cc: {  	v28 =	vshrl.u32 v49, $0x3;
	v23 =	vmul.f32 v17, v23;
	[tilespmem:s13+$0xFFFFFFE0] =	vst v13;
	v13 =	vmul.f32 v15, v16;
	v16 =	vld [tilespmem:s13+$0x50]  }
0x2cd: {  	v27 =	vshll.u32 v57, v1;
	v28 =	vshll.u32 v28, v1;
	[tilespmem:s13+$0xFFFFFFF0] =	vst v12;
	v12 =	vmul.f32 v19, v15;
	v19 =	vld [tilespmem:s13+$0x60]  }
0x2ce: {  	v59 =	vld [tilespmem:s13+$0x70];
	v60 =	vmul.f32 v18, v11;
	v17 =	vadd.s32 v28, v3;
	[tilespmem:s13+$0x0] =	vst v13;
	v13 =	vmul.f32 v55, v15  }
0x2cf: {  	s17 =	simm.s32 $0xD;
	v17 =	vbroadcast v17, $0x0;
	v21 =	vadd.s32 v2, v26;
	[tilespmem:s13+$0x10] =	vst v12;
	v12 =	vmul.f32 v22, v15;
	v15 =	vld [tilespmem:s13+$0x80]  }
0x2d0: {  	v20 =	vmov s17;
	v22 =	vbroadcast v21, $0x0;
	v21 =	vld [tilespmem:s13+$0xA0];
	[tilespmem:s13+$0x20] =	vst v13;
	v13 =	vmul.f32 v23, v14  }
0x2d1: {  	v20 =	vshrl.u32 v20, $0x3;
	v25 =	vshll.u32 v56, v1;
	v14 =	vld [tilespmem:s13+$0x90];
	[tilespmem:s13+$0x30] =	vst v12;
	v12 =	vmul.f32 v16, v23  }
0x2d2: {  	v61 =	vld [tilespmem:s13+$0xB0];
	v20 =	vshll.u32 v20, v1;
	v16 =	vadd.s32 v29, v4;
	[tilespmem:s13+$0x40] =	vst v13;
	v19 =	vmul.f32 v19, v23  }
0x2d3: {  	v11 =	vadd.s32 v25, v5;
	v13 =	vbroadcast v16, $0x0;
	[tilespmem:s13+$0x50] =	vst v12;
	v12 =	vmul.f32 v59, v23;
	v23 =	vld [tilespmem:s13+$0xC0]  }
0x2d4: {  	v18 =	vbroadcast v11, $0x0;
	v11 =	vld [tilespmem:s13+$0xD0];
	v16 =	vadd.s32 v27, v6;
	[tilespmem:s13+$0x60] =	vst v19;
	v15 =	vmul.f32 v60, v15  }
0x2d5: {  	v20 =	vadd.s32 v20, v7;
	v19 =	vbroadcast v16, $0x0;
	v63 =	vmul.f32 v21, v60;
	[tilespmem:s13+$0x70] =	vst v12;
	v12 =	vld [tilespmem:s13+$0xE0]  }
0x2d6: {  	v24 =	vadd.s32 v62, v8;
	v21 =	vbroadcast v20, $0x0;
	v14 =	vmul.f32 v14, v60;
	v16 =	vld.idx.msk [tilespmem:v22+s22+$0x0], $0xffff;
	[tilespmem:s13+$0x80] =	vst v15  }
0x2d7: {  	v20 =	vld.idx.msk [tilespmem:v22+s3+$0x0], $0xffff;
	v22 =	vbroadcast v24, $0x0;
	v15 =	vmul.f32 v61, v60;
	[tilespmem:s13+$0xA0] =	vst v63  }
0x2d8: {  	s14 =	simm.s32 $0x10;
	s15 =	simm.s32 $0xF;
	[tilespmem:s13+$0x90] =	vst v14;
	v14 =	vld.idx.msk [tilespmem:v17+s22+$0x0], $0xffff;
	v23 =	vmul.f32 v10, v23  }
.LBB2_11:
0x2d9: {  	p1 =	slt.u32 s14, $0x48;
	v24 =	vld.idx.msk [tilespmem:v13+s22+$0x0], $0xffff;
	v25 =	vmov s15;
	[tilespmem:s13+$0xB0] =	vst v15;
	v11 =	vmul.f32 v11, v10  }
0x2da: {  	v26 =	vld.idx.msk [tilespmem:v18+s22+$0x0], $0xffff;
	v25 =	vshrl.u32 v25, $0x3;
	[tilespmem:s13+$0xC0] =	vst v23;
	v10 =	vmul.f32 v12, v10  }
0x2db: {  	v15 =	vld.idx.msk [tilespmem:v19+s22+$0x0], $0xffff;
	v23 =	vshll.u32 v25, v1;
	[tilespmem:s13+$0xD0] =	vst v11  }
0x2dc: {  	v12 =	vld.idx.msk [tilespmem:v21+s22+$0x0], $0xffff;
	v23 =	vadd.s32 v23, v9;
	[tilespmem:s13+$0xE0] =	vst v10  }
0x2dd: {  	v11 =	vld.idx.msk [tilespmem:v22+s22+$0x0], $0xffff;
	v10 =	vbroadcast v23, $0x0  }
0x2de: {  	v17 =	vld.idx.msk [tilespmem:v17+s3+$0x0], $0xffff  }
0x2df: {  	v13 =	vld.idx.msk [tilespmem:v13+s3+$0x0], $0xffff  }
0x2e0: {  	v18 =	vld.idx.msk [tilespmem:v18+s3+$0x0], $0xffff  }
0x2e1: {  	v19 =	vld.idx.msk [tilespmem:v19+s3+$0x0], $0xffff  }
0x2e2: {  	v21 =	vld.idx.msk [tilespmem:v21+s3+$0x0], $0xffff  }
0x2e3: {  	v23 =	vld.idx.msk [tilespmem:v10+s3+$0x0], $0xffff  }
0x2e4: {  	v22 =	vld.idx.msk [tilespmem:v22+s3+$0x0], $0xffff  }
0x2e5: {  	v20 =	vld.idx.msk [tilespmem:v20+s23+$0x0], $0xffff  }
0x2e6: {  	v17 =	vld.idx.msk [tilespmem:v17+s23+$0x0], $0xffff  }
0x2e7: {  	v25 =	vld.idx.msk [tilespmem:v13+s23+$0x0], $0xffff  }
0x2e8: {  	v18 =	vld.idx.msk [tilespmem:v18+s23+$0x0], $0xffff  }
0x2e9: {  	v19 =	vld.idx.msk [tilespmem:v19+s23+$0x0], $0xffff  }
0x2ea: {  	v10 =	vld.idx.msk [tilespmem:v10+s22+$0x0], $0xffff  }
0x2eb: {  	v23 =	vld.idx.msk [tilespmem:v23+s23+$0x0], $0xffff  }
0x2ec: {  	v21 =	vld.idx.msk [tilespmem:v21+s23+$0x0], $0xffff  }
0x2ed: {  	s13 =	sadd.s32 $0x200, s13;
	v13 =	vld.idx.msk [tilespmem:v22+s23+$0x0], $0xffff  }
0x2ee: {  	v22 =	vld [tilespmem:s13+$0xF0]  }
0x2ef: {  	v27 =	vld [tilespmem:s13+$0xFFFFFF00]  }
0x2f0: {  	v28 =	vld [tilespmem:s13+$0xFFFFFF10]  }
0x2f1: {  	v10 =	vmul.f32 v23, v10;
	v29 =	vld [tilespmem:s13+$0xFFFFFF20]  }
0x2f2: {  	v16 =	vmul.f32 v20, v16;
	v20 =	vld [tilespmem:s13+$0xFFFFFF30]  }
0x2f3: {  	v23 =	vld [tilespmem:s13+$0xFFFFFF40];
	v22 =	vmul.f32 v22, v10  }
0x2f4: {  	v27 =	vmul.f32 v16, v27;
	v30 =	vld [tilespmem:s13+$0xFFFFFF50]  }
0x2f5: {  	v28 =	vmul.f32 v28, v16;
	v31 =	vld [tilespmem:s13+$0xFFFFFF60];
	[tilespmem:s13+$0xF0] =	vst v22  }
0x2f6: {  	v14 =	vmul.f32 v17, v14;
	[tilespmem:s13+$0xFFFFFF00] =	vst v27;
	v22 =	vmul.f32 v29, v16;
	v17 =	vld [tilespmem:s13+$0xFFFFFF70]  }
0x2f7: {  	[tilespmem:s13+$0xFFFFFF10] =	vst v28;
	v16 =	vmul.f32 v20, v16;
	v20 =	vld [tilespmem:s13+$0xFFFFFF80]  }
0x2f8: {  	[tilespmem:s13+$0xFFFFFF20] =	vst v22;
	v22 =	vmul.f32 v14, v23;
	v23 =	vld [tilespmem:s13+$0xFFFFFF90]  }
0x2f9: {  	[tilespmem:s13+$0xFFFFFF30] =	vst v16;
	v16 =	vmul.f32 v30, v14;
	v27 =	vld [tilespmem:s13+$0xFFFFFFA0]  }
0x2fa: {  	v24 =	vmul.f32 v25, v24;
	[tilespmem:s13+$0xFFFFFF40] =	vst v22;
	v22 =	vmul.f32 v31, v14;
	v25 =	vld [tilespmem:s13+$0xFFFFFFB0]  }
0x2fb: {  	v28 =	vmov s14;
	[tilespmem:s13+$0xFFFFFF50] =	vst v16;
	v14 =	vmul.f32 v17, v14;
	v16 =	vld [tilespmem:s13+$0xFFFFFFC0]  }
0x2fc: {  	s0 =	sadd.s32 $0x1, s14;
	s15 =	sadd.s32 $0x2, s14;
	v17 =	vshrl.u32 v28, $0x3;
	[tilespmem:s13+$0xFFFFFF60] =	vst v22;
	v20 =	vmul.f32 v24, v20;
	v22 =	vld [tilespmem:s13+$0xFFFFFFD0]  }
0x2fd: {  	v29 =	vmov s15;
	v28 =	vmov s0;
	s0 =	sadd.s32 $0x3, s14;
	[tilespmem:s13+$0xFFFFFF70] =	vst v14;
	v14 =	vmul.f32 v23, v24;
	v23 =	vld [tilespmem:s13+$0xFFFFFFE0]  }
0x2fe: {  	v18 =	vmul.f32 v18, v26;
	s15 =	sadd.s32 $0x5, s14;
	v30 =	vmov s0;
	s0 =	sadd.s32 $0x4, s14;
	[tilespmem:s13+$0xFFFFFF80] =	vst v20;
	v20 =	vmul.f32 v27, v24;
	v26 =	vld [tilespmem:s13+$0xFFFFFFF0]  }
0x2ff: {  	v31 =	vmov s15;
	v27 =	vmov s0;
	s0 =	sadd.s32 $0x6, s14;
	[tilespmem:s13+$0xFFFFFF90] =	vst v14;
	v14 =	vmul.f32 v25, v24;
	v24 =	vld [tilespmem:s13+$0x0]  }
0x300: {  	v17 =	vshll.u32 v17, v1;
	v25 =	vmov s0;
	[tilespmem:s13+$0xFFFFFFA0] =	vst v20;
	v16 =	vmul.f32 v18, v16;
	v20 =	vld [tilespmem:s13+$0x10]  }
0x301: {  	v29 =	vshrl.u32 v29, $0x3;
	v28 =	vshrl.u32 v28, $0x3;
	[tilespmem:s13+$0xFFFFFFB0] =	vst v14;
	v14 =	vmul.f32 v22, v18;
	v22 =	vld [tilespmem:s13+$0x20]  }
0x302: {  	v15 =	vmul.f32 v19, v15;
	v30 =	vshrl.u32 v30, $0x3;
	[tilespmem:s13+$0xFFFFFFC0] =	vst v16;
	v16 =	vmul.f32 v23, v18;
	v19 =	vld [tilespmem:s13+$0x30]  }
0x303: {  	v23 =	vshrl.u32 v27, $0x3;
	v27 =	vshrl.u32 v31, $0x3;
	[tilespmem:s13+$0xFFFFFFD0] =	vst v14;
	v14 =	vmul.f32 v26, v18;
	v18 =	vld [tilespmem:s13+$0x40]  }
0x304: {  	v17 =	vadd.s32 v2, v17;
	v25 =	vshrl.u32 v25, $0x3;
	[tilespmem:s13+$0xFFFFFFE0] =	vst v16;
	v16 =	vmul.f32 v15, v24;
	v24 =	vld [tilespmem:s13+$0x50]  }
0x305: {  	v26 =	vshll.u32 v28, v1;
	v28 =	vshll.u32 v29, v1;
	[tilespmem:s13+$0xFFFFFFF0] =	vst v14;
	v14 =	vmul.f32 v20, v15;
	v20 =	vld [tilespmem:s13+$0x60]  }
0x306: {  	v12 =	vmul.f32 v21, v12;
	v29 =	vshll.u32 v30, v1;
	[tilespmem:s13+$0x0] =	vst v16;
	v16 =	vmul.f32 v22, v15;
	v21 =	vld [tilespmem:s13+$0x70]  }
0x307: {  	v22 =	vshll.u32 v23, v1;
	v23 =	vshll.u32 v27, v1;
	[tilespmem:s13+$0x10] =	vst v14;
	v14 =	vmul.f32 v19, v15;
	v15 =	vld [tilespmem:s13+$0x80]  }
0x308: {  	v27 =	vbroadcast v17, $0x0;
	v17 =	vadd.s32 v26, v3;
	[tilespmem:s13+$0x20] =	vst v16;
	v16 =	vmul.f32 v12, v18;
	v26 =	vld [tilespmem:s13+$0x90]  }
0x309: {  	v25 =	vshll.u32 v25, v1;
	v17 =	vbroadcast v17, $0x0;
	[tilespmem:s13+$0x30] =	vst v14;
	v14 =	vmul.f32 v24, v12;
	v24 =	vld [tilespmem:s13+$0xA0]  }
0x30a: {  	v18 =	vadd.s32 v28, v4;
	v28 =	vmul.f32 v13, v11;
	[tilespmem:s13+$0x40] =	vst v16;
	v16 =	vmul.f32 v20, v12;
	v30 =	vld [tilespmem:s13+$0xB0]  }
0x30b: {  	v11 =	vadd.s32 v29, v5;
	v13 =	vbroadcast v18, $0x0;
	[tilespmem:s13+$0x50] =	vst v14;
	v12 =	vmul.f32 v21, v12;
	v29 =	vld [tilespmem:s13+$0xC0]  }
.Ltmp4:
0x30c: {  	v18 =	vbroadcast v11, $0x0;
	v14 =	vadd.s32 v22, v6;
	[tilespmem:s13+$0x60] =	vst v16;
	v15 =	vmul.f32 v28, v15;
	v11 =	vld [tilespmem:s13+$0xD0];
	(pc) =	sbr.rel @p1 .LBB2_11-.Ltmp4, $4  }
0x30d: {  	v19 =	vbroadcast v14, $0x0;
	v14 =	vadd.s32 v23, v7;
	[tilespmem:s13+$0x70] =	vst v12;
	v23 =	vmul.f32 v26, v28;
	v12 =	vld [tilespmem:s13+$0xE0]  }
0x30e: {  	v21 =	vbroadcast v14, $0x0;
	v14 =	vadd.s32 v25, v8;
	v16 =	vld.idx.msk [tilespmem:v27+s22+$0x0], $0xffff;
	[tilespmem:s13+$0x80] =	vst v15;
	v24 =	vmul.f32 v24, v28  }
0x30f: {  	v22 =	vbroadcast v14, $0x0;
	v20 =	vld.idx.msk [tilespmem:v27+s3+$0x0], $0xffff;
	[tilespmem:s13+$0x90] =	vst v23;
	v15 =	vmul.f32 v30, v28  }
0x310: {  	s15 =	sadd.s32 $0x7, s14;
	s14 =	sadd.s32 $0x8, s14;
	v14 =	vld.idx.msk [tilespmem:v17+s22+$0x0], $0xffff;
	[tilespmem:s13+$0xA0] =	vst v24;
	v23 =	vmul.f32 v10, v29  }
0x311: {  	_ =	sdelay $0x3  }
0x312: {  	v2 =	vld.idx.msk [tilespmem:v13+s22+$0x0], $0xffff  }
0x313: {  	v4 =	vld.idx.msk [tilespmem:v18+s22+$0x0], $0xffff  }
0x314: {  	v5 =	vld.idx.msk [tilespmem:v19+s22+$0x0], $0xffff  }
0x315: {  	v6 =	vld.idx.msk [tilespmem:v21+s22+$0x0], $0xffff  }
0x316: {  	v7 =	vld.idx.msk [tilespmem:v22+s22+$0x0], $0xffff  }
0x317: {  	v8 =	vld.idx.msk [tilespmem:v17+s3+$0x0], $0xffff  }
0x318: {  	v50 =	vld.idx.msk [tilespmem:v13+s3+$0x0], $0xffff  }
0x319: {  	v51 =	vld.idx.msk [tilespmem:v18+s3+$0x0], $0xffff  }
0x31a: {  	v52 =	vld.idx.msk [tilespmem:v19+s3+$0x0], $0xffff  }
0x31b: {  	v53 =	vld.idx.msk [tilespmem:v21+s3+$0x0], $0xffff  }
0x31c: {  	v55 =	vld.idx.msk [tilespmem:v22+s3+$0x0], $0xffff;
	s14 =	sadd.s32 $0x200, s13  }
0x31d: {  	v24 =	vld [tilespmem:s14+$0xFFFFFF00]  }
0x31e: {  	v25 =	vld [tilespmem:s14+$0xFFFFFF10]  }
0x31f: {  	v57 =	vld [tilespmem:s14+$0xFFFFFF20]  }
0x320: {  	v60 =	vld [tilespmem:s14+$0xFFFFFF30]  }
0x321: {  	v61 =	vld [tilespmem:s14+$0xFFFFFF40]  }
0x322: {  	v63 =	vld [tilespmem:s14+$0xFFFFFF50]  }
0x323: {  	v27 =	vld [tilespmem:s14+$0xFFFFFF70]  }
0x324: {  	v28 =	vld [tilespmem:s14+$0xFFFFFF80]  }
0x325: {  	v20 =	vld.idx.msk [tilespmem:v20+s23+$0x0], $0xffff  }
0x326: {  	v30 =	vld [tilespmem:s14+$0xFFFFFF90]  }
0x327: {  	v32 =	vld [tilespmem:s14+$0xFFFFFFA0]  }
0x328: {  	v34 =	vld [tilespmem:s14+$0xFFFFFFB0]  }
0x329: {  	v3 =	vmov s15;
	v8 =	vld.idx.msk [tilespmem:v8+s23+$0x0], $0xffff  }
0x32a: {  	[tilespmem:s13+$0xB0] =	vst v15;
	v11 =	vmul.f32 v11, v10;
	v3 =	vshrl.u32 v3, $0x3;
	v35 =	vld [tilespmem:s14+$0xFFFFFFC0];
	v59 =	vmul.f32 v20, v16  }
0x32b: {  	[tilespmem:s13+$0xC0] =	vst v23;
	v58 =	vmul.f32 v12, v10;
	v37 =	vld [tilespmem:s14+$0xFFFFFFD0];
	v3 =	vshll.u32 v3, v1  }
0x32c: {  	[tilespmem:s13+$0xD0] =	vst v11;
	v3 =	vadd.s32 v3, v9;
	v9 =	vld.idx.msk [tilespmem:v50+s23+$0x0], $0xffff;
	v62 =	vmul.f32 v59, v24  }
0x32d: {  	[tilespmem:s13+$0xE0] =	vst v58;
	v24 =	vmul.f32 v25, v59;
	v25 =	vld [tilespmem:s14+$0xFFFFFF60]  }
0x32e: {  	v39 =	vld [tilespmem:s14+$0xFFFFFFE0];
	v26 =	vmul.f32 v57, v59;
	[tilespmem:s14+$0xFFFFFF00] =	vst v62;
	v8 =	vmul.f32 v8, v14  }
0x32f: {  	v41 =	vld [tilespmem:s14+$0xFFFFFFF0];
	v12 =	vmul.f32 v60, v59;
	[tilespmem:s14+$0xFFFFFF10] =	vst v24  }
0x330: {  	v42 =	vld [tilespmem:s14+$0x0];
	v3 =	vbroadcast v3, $0x0;
	[tilespmem:s14+$0xFFFFFF20] =	vst v26;
	v29 =	vmul.f32 v8, v61  }
0x331: {  	v13 =	vld.idx.msk [tilespmem:v51+s23+$0x0], $0xffff;
	[tilespmem:s14+$0xFFFFFF30] =	vst v12;
	v31 =	vmul.f32 v63, v8  }
0x332: {  	v44 =	vld [tilespmem:s14+$0x10];
	v2 =	vmul.f32 v9, v2;
	v33 =	vmul.f32 v25, v8;
	[tilespmem:s14+$0xFFFFFF40] =	vst v29  }
0x333: {  	v45 =	vld [tilespmem:s14+$0x20];
	v8 =	vmul.f32 v27, v8;
	[tilespmem:s14+$0xFFFFFF50] =	vst v31  }
0x334: {  	v17 =	vld.idx.msk [tilespmem:v52+s23+$0x0], $0xffff;
	v36 =	vmul.f32 v2, v28;
	[tilespmem:s14+$0xFFFFFF60] =	vst v33  }
0x335: {  	v21 =	vld.idx.msk [tilespmem:v55+s23+$0x0], $0xffff;
	v38 =	vmul.f32 v30, v2;
	[tilespmem:s14+$0xFFFFFF70] =	vst v8  }
0x336: {  	v54 =	vld.idx.msk [tilespmem:v3+s3+$0x0], $0xffff;
	v4 =	vmul.f32 v13, v4;
	v40 =	vmul.f32 v32, v2;
	[tilespmem:s14+$0xFFFFFF80] =	vst v36  }
0x337: {  	v18 =	vld.idx.msk [tilespmem:v53+s23+$0x0], $0xffff;
	v2 =	vmul.f32 v34, v2;
	[tilespmem:s14+$0xFFFFFF90] =	vst v38  }
0x338: {  	v53 =	vld [tilespmem:s14+$0x80];
	v43 =	vmul.f32 v4, v35;
	[tilespmem:s14+$0xFFFFFFA0] =	vst v40  }
0x339: {  	v47 =	vld [tilespmem:s14+$0x30];
	v5 =	vmul.f32 v17, v5;
	v46 =	vmul.f32 v39, v4;
	[tilespmem:s14+$0xFFFFFFB0] =	vst v2  }
0x33a: {  	v55 =	vld [tilespmem:s14+$0xA0];
	v2 =	vmul.f32 v37, v4;
	[tilespmem:s14+$0xFFFFFFC0] =	vst v43  }
0x33b: {  	v48 =	vld [tilespmem:s14+$0x40];
	v7 =	vmul.f32 v21, v7;
	v51 =	vmul.f32 v45, v5;
	[tilespmem:s14+$0xFFFFFFE0] =	vst v46  }
0x33c: {  	v49 =	vld [tilespmem:s14+$0x50];
	[tilespmem:s14+$0xFFFFFFD0] =	vst v2;
	v2 =	vmul.f32 v41, v4  }
0x33d: {  	v3 =	vld.idx.msk [tilespmem:v3+s22+$0x0], $0xffff;
	v59 =	vmul.f32 v7, v53;
	[tilespmem:s14+$0x20] =	vst v51  }
0x33e: {  	v19 =	vld.idx.msk [tilespmem:v54+s23+$0x0], $0xffff;
	[tilespmem:s14+$0xFFFFFFF0] =	vst v2;
	v2 =	vmul.f32 v44, v5  }
0x33f: {  	v52 =	vld [tilespmem:s14+$0x70];
	v62 =	vmul.f32 v55, v7;
	[tilespmem:s14+$0x80] =	vst v59  }
0x340: {  	v56 =	vld [tilespmem:s14+$0xF0];
	v6 =	vmul.f32 v18, v6;
	[tilespmem:s14+$0x10] =	vst v2;
	v2 =	vmul.f32 v47, v5  }
0x341: {  	v8 =	vmul.f32 v5, v42;
	[tilespmem:s14+$0xA0] =	vst v62;
	v54 =	vld [tilespmem:s14+$0x90]  }
0x342: {  	v50 =	vld [tilespmem:s14+$0x60];
	[tilespmem:s14+$0x30] =	vst v2;
	v2 =	vmul.f32 v49, v6  }
0x343: {  	v57 =	vld [tilespmem:s14+$0xB0];
	[tilespmem:s14+$0x0] =	vst v8;
	v4 =	vmul.f32 v6, v48;
	v3 =	vmul.f32 v19, v3  }
0x344: {  	v58 =	vld [tilespmem:s14+$0xC0];
	[tilespmem:s14+$0x50] =	vst v2;
	v2 =	vmul.f32 v52, v6  }
0x345: {  	v60 =	vld [tilespmem:s14+$0xD0];
	[tilespmem:s14+$0x40] =	vst v4;
	v19 =	vmul.f32 v56, v3  }
0x346: {  	v61 =	vld [tilespmem:s14+$0xE0];
	[tilespmem:s14+$0x70] =	vst v2;
	v2 =	vmul.f32 v54, v7  }
0x347: {  	v56 =	vmul.f32 v50, v6;
	[tilespmem:s14+$0xF0] =	vst v19  }
0x348: {  	[tilespmem:s14+$0x90] =	vst v2;
	v2 =	vmul.f32 v57, v7  }
0x349: {  	v63 =	vmul.f32 v3, v58;
	[tilespmem:s14+$0x60] =	vst v56  }
.Ltmp5:
0x34a: {  	[tilespmem:s14+$0xB0] =	vst v2;
	v2 =	vmul.f32 v60, v3;
	(pc) =	sbr.rel @p0 .LBB2_14-.Ltmp5, $4  }
0x34b: {  	[tilespmem:s14+$0xC0] =	vst v63;
	v3 =	vmul.f32 v61, v3  }
0x34c: {  	[tilespmem:s14+$0xD0] =	vst v2  }
0x34d: {  	s0 =	sadd.s32 $0x2710, s12;
	[tilespmem:s14+$0xE0] =	vst v3  }
0x34e: {  	[spmem:s2] =	stream.indirect.scatter.add.f32 [tilespmem:s30], [sflag:$0x8], $0x40, s0, s24, $0xb8;
	[tilespmem:$0x18C40] =	vst v63  }
.Ltmp6:
0x34f: {  	(pc) =	sbr.rel .LBB2_4-.Ltmp6, $4  }
0x350: {  	_ =	swait.ge [sflag:s5], $0x1400  }
0x351: {  	[sflag:s5] =	ssyncset.done $0x0  }
0x352: {  	s0 =	sadd.s32 $0x1E0, s11;
	s10 =	sadd.s32 $0x1, s10;
	[sflag:s5] =	ssyncadd.s32 $0xFFFFEC00  }
0x353: {  	[tilespmem:s28], [sflag:$0x3] =	stream.indirect.gather [hbm4b:s4+s24], $0x40, s0, s24, $0xb8;
	[tilespmem:$0x18C40] =	vst v63  }
.LBB2_14:
0x354: {  	s0 =	simm.s32 $0x0;
	s16 =	simm.s32 $0x1  }
0x355: {  	s9 =	simm.s32 $0x2;
	s10 =	simm.s32 $0x3;
	s17 =	simm.s32 $0x4;
	v2 =	vmov s0;
	v3 =	vmov s16  }
0x356: {  	s18 =	simm.s32 $0x5;
	v4 =	vmov s9;
	v5 =	vmov s10;
	v6 =	vmov s17;
	s10 =	simm.s32 $0x6  }
0x357: {  	v7 =	vmov s18;
	v2 =	vshrl.u32 v2, $0x3;
	v8 =	vmov s10  }
0x358: {  	v3 =	vshrl.u32 v3, $0x3;
	v4 =	vshrl.u32 v4, $0x3;
	v5 =	vshrl.u32 v5, $0x3  }
0x359: {  	_ =	swait.ge [sflag:s29], $0x1400;
	v6 =	vshrl.u32 v6, $0x3;
	v7 =	vshrl.u32 v7, $0x3;
	v2 =	vshll.u32 v2, v1  }
0x35a: {  	[sflag:s29] =	ssyncset.done $0x0;
	v3 =	vshll.u32 v3, v1;
	v8 =	vshrl.u32 v8, $0x3;
	v4 =	vshll.u32 v4, v1  }
0x35b: {  	s9 =	simm.s32 $0x9D40;
	[sflag:s29] =	ssyncadd.s32 $0xFFFFEC00;
	v5 =	vshll.u32 v5, v1;
	v2 =	vadd.s32 $0x26C0, v2;
	v3 =	vadd.s32 $0x26C1, v3  }
0x35c: {  	v19 =	vld [tilespmem:s9+$0xFFFFFF00];
	v2 =	vbroadcast v2, $0x0;
	v9 =	vbroadcast v3, $0x0;
	v3 =	vadd.s32 $0x26C2, v4  }
0x35d: {  	v20 =	vld [tilespmem:s9+$0xFFFFFF10];
	v4 =	vshll.u32 v6, v1;
	v6 =	vbroadcast v3, $0x0;
	v3 =	vadd.s32 $0x26C3, v5  }
0x35e: {  	v21 =	vld [tilespmem:s9+$0xFFFFFF20];
	v5 =	vshll.u32 v7, v1;
	v7 =	vbroadcast v3, $0x0;
	v3 =	vadd.s32 $0x26C4, v4  }
0x35f: {  	v48 =	vld [tilespmem:s9+$0xFFFFFF40];
	v4 =	vshll.u32 v8, v1;
	v8 =	vbroadcast v3, $0x0;
	v3 =	vadd.s32 $0x26C5, v5  }
0x360: {  	s11 =	simm.s32 $0x7;
	v22 =	vld [tilespmem:s9+$0xFFFFFF50];
	v10 =	vbroadcast v3, $0x0;
	v3 =	vadd.s32 $0x26C6, v4  }
0x361: {  	v23 =	vld [tilespmem:s9+$0xFFFFFF60];
	v4 =	vbroadcast v3, $0x0;
	v3 =	vmov s11  }
0x362: {  	v49 =	vld [tilespmem:s9+$0xFFFFFF90];
	v3 =	vshrl.u32 v3, $0x3  }
0x363: {  	v50 =	vld [tilespmem:s9+$0xFFFFFFA0];
	v3 =	vshll.u32 v3, v1  }
0x364: {  	v52 =	vld [tilespmem:s9+$0xFFFFFFE0];
	v16 =	vadd.s32 $0x26C7, v3  }
0x365: {  	v5 =	vld.idx.msk [tilespmem:v2+s22+$0x0], $0xffff;
	v16 =	vbroadcast v16, $0x0  }
0x366: {  	v2 =	vld.idx.msk [tilespmem:v2+s3+$0x0], $0xffff  }
0x367: {  	v11 =	vld.idx.msk [tilespmem:v9+s22+$0x0], $0xffff  }
0x368: {  	v9 =	vld.idx.msk [tilespmem:v9+s3+$0x0], $0xffff  }
0x369: {  	v12 =	vld.idx.msk [tilespmem:v6+s22+$0x0], $0xffff  }
0x36a: {  	v6 =	vld.idx.msk [tilespmem:v6+s3+$0x0], $0xffff  }
0x36b: {  	v17 =	vld.idx.msk [tilespmem:v16+s3+$0x0], $0xffff  }
0x36c: {  	v13 =	vld.idx.msk [tilespmem:v7+s22+$0x0], $0xffff  }
0x36d: {  	v7 =	vld.idx.msk [tilespmem:v7+s3+$0x0], $0xffff  }
0x36e: {  	v14 =	vld.idx.msk [tilespmem:v8+s22+$0x0], $0xffff  }
0x36f: {  	v8 =	vld.idx.msk [tilespmem:v8+s3+$0x0], $0xffff  }
0x370: {  	v15 =	vld.idx.msk [tilespmem:v10+s22+$0x0], $0xffff  }
0x371: {  	v18 =	vld.idx.msk [tilespmem:v2+s23+$0x0], $0xffff  }
0x372: {  	v2 =	vld.idx.msk [tilespmem:v16+s22+$0x0], $0xffff  }
0x373: {  	v16 =	vld.idx.msk [tilespmem:v17+s23+$0x0], $0xffff  }
0x374: {  	v10 =	vld.idx.msk [tilespmem:v10+s3+$0x0], $0xffff  }
0x375: {  	v17 =	vld [tilespmem:s9+$0xF0]  }
0x376: {  	v3 =	vld.idx.msk [tilespmem:v4+s22+$0x0], $0xffff  }
0x377: {  	v9 =	vld.idx.msk [tilespmem:v9+s23+$0x0], $0xffff;
	v5 =	vmul.f32 v18, v5  }
0x378: {  	v2 =	vmul.f32 v16, v2;
	v16 =	vld [tilespmem:s9+$0xFFFFFF30]  }
0x379: {  	v4 =	vld.idx.msk [tilespmem:v4+s3+$0x0], $0xffff;
	v19 =	vmul.f32 v5, v19  }
0x37a: {  	v6 =	vld.idx.msk [tilespmem:v6+s23+$0x0], $0xffff;
	v17 =	vmul.f32 v17, v2  }
0x37b: {  	v7 =	vld.idx.msk [tilespmem:v7+s23+$0x0], $0xffff;
	v20 =	vmul.f32 v20, v5;
	[tilespmem:s9+$0xFFFFFF00] =	vst v19  }
0x37c: {  	v9 =	vmul.f32 v9, v11;
	v11 =	vld [tilespmem:s9+$0xFFFFFF70];
	[tilespmem:s9+$0xF0] =	vst v17;
	v17 =	vmul.f32 v21, v5  }
0x37d: {  	[tilespmem:s9+$0xFFFFFF10] =	vst v20;
	v5 =	vmul.f32 v16, v5;
	v16 =	vld [tilespmem:s9+$0xFFFFFF80]  }
0x37e: {  	v8 =	vld.idx.msk [tilespmem:v8+s23+$0x0], $0xffff;
	[tilespmem:s9+$0xFFFFFF20] =	vst v17;
	v17 =	vmul.f32 v9, v48  }
0x37f: {  	v10 =	vld.idx.msk [tilespmem:v10+s23+$0x0], $0xffff;
	[tilespmem:s9+$0xFFFFFF30] =	vst v5;
	v5 =	vmul.f32 v22, v9  }
0x380: {  	v6 =	vmul.f32 v6, v12;
	v12 =	vld [tilespmem:s9+$0xFFFFFFB0];
	[tilespmem:s9+$0xFFFFFF40] =	vst v17;
	v17 =	vmul.f32 v23, v9  }
0x381: {  	s13 =	simm.s32 $0x9;
	s14 =	simm.s32 $0xA;
	[tilespmem:s9+$0xFFFFFF50] =	vst v5;
	v5 =	vmul.f32 v11, v9;
	v9 =	vld [tilespmem:s9+$0xFFFFFFC0]  }
0x382: {  	s15 =	simm.s32 $0xB;
	v51 =	vmov s13;
	v53 =	vmov s14;
	s16 =	simm.s32 $0xC;
	[tilespmem:s9+$0xFFFFFF60] =	vst v17;
	v16 =	vmul.f32 v6, v16;
	v17 =	vld [tilespmem:s9+$0xFFFFFFD0]  }
0x383: {  	v54 =	vmov s15;
	s18 =	simm.s32 $0xE;
	v55 =	vmov s16;
	v4 =	vld.idx.msk [tilespmem:v4+s23+$0x0], $0xffff;
	[tilespmem:s9+$0xFFFFFF70] =	vst v5;
	v5 =	vmul.f32 v49, v6  }
0x384: {  	v56 =	vmov s18;
	v7 =	vmul.f32 v7, v13;
	v13 =	vld [tilespmem:s9+$0xFFFFFFF0];
	[tilespmem:s9+$0xFFFFFF80] =	vst v16;
	v16 =	vmul.f32 v50, v6  }
0x385: {  	v57 =	vshrl.u32 v54, $0x3;
	v58 =	vshrl.u32 v55, $0x3;
	[tilespmem:s9+$0xFFFFFF90] =	vst v5;
	v5 =	vmul.f32 v12, v6;
	v6 =	vld [tilespmem:s9+$0x0]  }
0x386: {  	v59 =	vshrl.u32 v56, $0x3;
	v61 =	vshll.u32 v58, v1;
	[tilespmem:s9+$0xFFFFFFA0] =	vst v16;
	v9 =	vmul.f32 v7, v9;
	v16 =	vld [tilespmem:s9+$0x10]  }
0x387: {  	v8 =	vmul.f32 v8, v14;
	v20 =	vshrl.u32 v51, $0x3;
	[tilespmem:s9+$0xFFFFFFB0] =	vst v5;
	v5 =	vmul.f32 v17, v7;
	v17 =	vld [tilespmem:s9+$0x20]  }
0x388: {  	s12 =	simm.s32 $0x8;
	v14 =	vld [tilespmem:s9+$0x30];
	v10 =	vmul.f32 v10, v15;
	v21 =	vshrl.u32 v53, $0x3;
	[tilespmem:s9+$0xFFFFFFC0] =	vst v9;
	v9 =	vmul.f32 v52, v7  }
0x389: {  	s17 =	simm.s32 $0xD;
	v60 =	vshll.u32 v21, v1;
	v11 =	vmov s12;
	[tilespmem:s9+$0xFFFFFFD0] =	vst v5;
	v5 =	vmul.f32 v13, v7;
	v7 =	vld [tilespmem:s9+$0x40]  }
0x38a: {  	v11 =	vshrl.u32 v11, $0x3;
	v12 =	vmov s17;
	v13 =	vld [tilespmem:s9+$0x50];
	[tilespmem:s9+$0xFFFFFFE0] =	vst v9;
	v6 =	vmul.f32 v8, v6  }
0x38b: {  	v11 =	vshll.u32 v11, v1;
	v12 =	vshrl.u32 v12, $0x3;
	[tilespmem:s9+$0xFFFFFFF0] =	vst v5;
	v5 =	vmul.f32 v16, v8;
	v16 =	vld [tilespmem:s9+$0x60]  }
0x38c: {  	v15 =	vld [tilespmem:s9+$0x70];
	v11 =	vadd.s32 $0x26C0, v11;
	v12 =	vshll.u32 v12, v1;
	[tilespmem:s9+$0x0] =	vst v6;
	v6 =	vmul.f32 v17, v8  }
0x38d: {  	v12 =	vadd.s32 $0x26C5, v12;
	v9 =	vshll.u32 v20, v1;
	[tilespmem:s9+$0x10] =	vst v5;
	v5 =	vmul.f32 v14, v8;
	v8 =	vld [tilespmem:s9+$0x80]  }
0x38e: {  	v9 =	vadd.s32 $0x26C1, v9;
	v14 =	vbroadcast v11, $0x0;
	[tilespmem:s9+$0x20] =	vst v6;
	v6 =	vmul.f32 v10, v7;
	v7 =	vld [tilespmem:s9+$0x90]  }
0x38f: {  	v17 =	vshll.u32 v57, v1;
	v9 =	vbroadcast v9, $0x0;
	v11 =	vmul.f32 v13, v10;
	v13 =	vld [tilespmem:s9+$0xA0];
	[tilespmem:s9+$0x30] =	vst v5  }
0x390: {  	v62 =	vld [tilespmem:s9+$0xB0];
	v5 =	vadd.s32 $0x26C2, v60;
	[tilespmem:s9+$0x40] =	vst v6;
	v6 =	vmul.f32 v16, v10;
	v16 =	vmul.f32 v4, v3  }
0x391: {  	v5 =	vbroadcast v5, $0x0;
	v3 =	vadd.s32 $0x26C3, v17;
	[tilespmem:s9+$0x50] =	vst v11;
	v4 =	vmul.f32 v15, v10;
	v15 =	vld [tilespmem:s9+$0xC0]  }
0x392: {  	v11 =	vadd.s32 $0x26C4, v61;
	v10 =	vbroadcast v3, $0x0;
	v3 =	vld [tilespmem:s9+$0xD0];
	[tilespmem:s9+$0x60] =	vst v6;
	v6 =	vmul.f32 v16, v8  }
0x393: {  	v17 =	vshll.u32 v59, v1;
	v11 =	vbroadcast v11, $0x0;
	[tilespmem:s9+$0x70] =	vst v4;
	v4 =	vld [tilespmem:s9+$0xE0];
	v7 =	vmul.f32 v7, v16  }
0x394: {  	v17 =	vadd.s32 $0x26C6, v17;
	v8 =	vld.idx.msk [tilespmem:v14+s22+$0x0], $0xffff;
	v63 =	vmul.f32 v13, v16;
	v13 =	vbroadcast v12, $0x0;
	[tilespmem:s9+$0x80] =	vst v6  }
0x395: {  	v12 =	vld.idx.msk [tilespmem:v14+s3+$0x0], $0xffff;
	v14 =	vbroadcast v17, $0x0;
	[tilespmem:s9+$0x90] =	vst v7;
	v7 =	vmul.f32 v62, v16  }
0x396: {  	s10 =	simm.s32 $0x10;
	s11 =	simm.s32 $0xF;
	v6 =	vld.idx.msk [tilespmem:v9+s22+$0x0], $0xffff;
	[tilespmem:s9+$0xA0] =	vst v63;
	v15 =	vmul.f32 v2, v15  }
.LBB2_15:
0x397: {  	p0 =	slt.u32 s10, $0x48;
	v16 =	vld.idx.msk [tilespmem:v5+s22+$0x0], $0xffff;
	v17 =	vmov s11;
	[tilespmem:s9+$0xB0] =	vst v7;
	v3 =	vmul.f32 v3, v2  }
0x398: {  	v18 =	vld.idx.msk [tilespmem:v10+s22+$0x0], $0xffff;
	v17 =	vshrl.u32 v17, $0x3;
	[tilespmem:s9+$0xC0] =	vst v15;
	v2 =	vmul.f32 v4, v2  }
0x399: {  	v7 =	vld.idx.msk [tilespmem:v11+s22+$0x0], $0xffff;
	v15 =	vshll.u32 v17, v1;
	[tilespmem:s9+$0xD0] =	vst v3  }
0x39a: {  	v4 =	vld.idx.msk [tilespmem:v13+s22+$0x0], $0xffff;
	v15 =	vadd.s32 $0x26C7, v15;
	[tilespmem:s9+$0xE0] =	vst v2  }
0x39b: {  	v3 =	vld.idx.msk [tilespmem:v14+s22+$0x0], $0xffff;
	v2 =	vbroadcast v15, $0x0  }
0x39c: {  	v9 =	vld.idx.msk [tilespmem:v9+s3+$0x0], $0xffff  }
0x39d: {  	v5 =	vld.idx.msk [tilespmem:v5+s3+$0x0], $0xffff  }
0x39e: {  	v10 =	vld.idx.msk [tilespmem:v10+s3+$0x0], $0xffff  }
0x39f: {  	v11 =	vld.idx.msk [tilespmem:v11+s3+$0x0], $0xffff  }
0x3a0: {  	v13 =	vld.idx.msk [tilespmem:v13+s3+$0x0], $0xffff  }
0x3a1: {  	v15 =	vld.idx.msk [tilespmem:v2+s3+$0x0], $0xffff  }
0x3a2: {  	v14 =	vld.idx.msk [tilespmem:v14+s3+$0x0], $0xffff  }
0x3a3: {  	v12 =	vld.idx.msk [tilespmem:v12+s23+$0x0], $0xffff  }
0x3a4: {  	v9 =	vld.idx.msk [tilespmem:v9+s23+$0x0], $0xffff  }
0x3a5: {  	v17 =	vld.idx.msk [tilespmem:v5+s23+$0x0], $0xffff  }
0x3a6: {  	v10 =	vld.idx.msk [tilespmem:v10+s23+$0x0], $0xffff  }
0x3a7: {  	v11 =	vld.idx.msk [tilespmem:v11+s23+$0x0], $0xffff  }
0x3a8: {  	v2 =	vld.idx.msk [tilespmem:v2+s22+$0x0], $0xffff  }
0x3a9: {  	v15 =	vld.idx.msk [tilespmem:v15+s23+$0x0], $0xffff  }
0x3aa: {  	v13 =	vld.idx.msk [tilespmem:v13+s23+$0x0], $0xffff  }
0x3ab: {  	s9 =	sadd.s32 $0x200, s9;
	v5 =	vld.idx.msk [tilespmem:v14+s23+$0x0], $0xffff  }
0x3ac: {  	v14 =	vld [tilespmem:s9+$0xF0]  }
0x3ad: {  	v19 =	vld [tilespmem:s9+$0xFFFFFF00]  }
0x3ae: {  	v20 =	vld [tilespmem:s9+$0xFFFFFF10]  }
0x3af: {  	v2 =	vmul.f32 v15, v2;
	v21 =	vld [tilespmem:s9+$0xFFFFFF20]  }
0x3b0: {  	v8 =	vmul.f32 v12, v8;
	v12 =	vld [tilespmem:s9+$0xFFFFFF30]  }
0x3b1: {  	v15 =	vld [tilespmem:s9+$0xFFFFFF40];
	v14 =	vmul.f32 v14, v2  }
0x3b2: {  	v19 =	vmul.f32 v8, v19;
	v22 =	vld [tilespmem:s9+$0xFFFFFF50]  }
0x3b3: {  	v20 =	vmul.f32 v20, v8;
	v23 =	vld [tilespmem:s9+$0xFFFFFF60];
	[tilespmem:s9+$0xF0] =	vst v14  }
0x3b4: {  	v6 =	vmul.f32 v9, v6;
	[tilespmem:s9+$0xFFFFFF00] =	vst v19;
	v14 =	vmul.f32 v21, v8;
	v9 =	vld [tilespmem:s9+$0xFFFFFF70]  }
0x3b5: {  	[tilespmem:s9+$0xFFFFFF10] =	vst v20;
	v8 =	vmul.f32 v12, v8;
	v12 =	vld [tilespmem:s9+$0xFFFFFF80]  }
0x3b6: {  	[tilespmem:s9+$0xFFFFFF20] =	vst v14;
	v14 =	vmul.f32 v6, v15;
	v15 =	vld [tilespmem:s9+$0xFFFFFF90]  }
0x3b7: {  	[tilespmem:s9+$0xFFFFFF30] =	vst v8;
	v8 =	vmul.f32 v22, v6;
	v19 =	vld [tilespmem:s9+$0xFFFFFFA0]  }
0x3b8: {  	v16 =	vmul.f32 v17, v16;
	[tilespmem:s9+$0xFFFFFF40] =	vst v14;
	v14 =	vmul.f32 v23, v6;
	v17 =	vld [tilespmem:s9+$0xFFFFFFB0]  }
0x3b9: {  	v20 =	vmov s10;
	[tilespmem:s9+$0xFFFFFF50] =	vst v8;
	v6 =	vmul.f32 v9, v6;
	v8 =	vld [tilespmem:s9+$0xFFFFFFC0]  }
0x3ba: {  	s0 =	sadd.s32 $0x1, s10;
	s11 =	sadd.s32 $0x2, s10;
	v9 =	vshrl.u32 v20, $0x3;
	[tilespmem:s9+$0xFFFFFF60] =	vst v14;
	v12 =	vmul.f32 v16, v12;
	v14 =	vld [tilespmem:s9+$0xFFFFFFD0]  }
0x3bb: {  	v21 =	vmov s11;
	v20 =	vmov s0;
	s0 =	sadd.s32 $0x3, s10;
	[tilespmem:s9+$0xFFFFFF70] =	vst v6;
	v6 =	vmul.f32 v15, v16;
	v15 =	vld [tilespmem:s9+$0xFFFFFFE0]  }
0x3bc: {  	v10 =	vmul.f32 v10, v18;
	s11 =	sadd.s32 $0x5, s10;
	v22 =	vmov s0;
	s0 =	sadd.s32 $0x4, s10;
	[tilespmem:s9+$0xFFFFFF80] =	vst v12;
	v12 =	vmul.f32 v19, v16;
	v18 =	vld [tilespmem:s9+$0xFFFFFFF0]  }
0x3bd: {  	v23 =	vmov s11;
	v19 =	vmov s0;
	s0 =	sadd.s32 $0x6, s10;
	[tilespmem:s9+$0xFFFFFF90] =	vst v6;
	v6 =	vmul.f32 v17, v16;
	v16 =	vld [tilespmem:s9+$0x0]  }
0x3be: {  	v9 =	vshll.u32 v9, v1;
	v17 =	vmov s0;
	[tilespmem:s9+$0xFFFFFFA0] =	vst v12;
	v8 =	vmul.f32 v10, v8;
	v12 =	vld [tilespmem:s9+$0x10]  }
0x3bf: {  	v21 =	vshrl.u32 v21, $0x3;
	v20 =	vshrl.u32 v20, $0x3;
	[tilespmem:s9+$0xFFFFFFB0] =	vst v6;
	v6 =	vmul.f32 v14, v10;
	v14 =	vld [tilespmem:s9+$0x20]  }
0x3c0: {  	v7 =	vmul.f32 v11, v7;
	v22 =	vshrl.u32 v22, $0x3;
	[tilespmem:s9+$0xFFFFFFC0] =	vst v8;
	v8 =	vmul.f32 v15, v10;
	v11 =	vld [tilespmem:s9+$0x30]  }
0x3c1: {  	v15 =	vshrl.u32 v19, $0x3;
	v19 =	vshrl.u32 v23, $0x3;
	[tilespmem:s9+$0xFFFFFFD0] =	vst v6;
	v6 =	vmul.f32 v18, v10;
	v10 =	vld [tilespmem:s9+$0x40]  }
0x3c2: {  	v9 =	vadd.s32 $0x26C0, v9;
	v17 =	vshrl.u32 v17, $0x3;
	[tilespmem:s9+$0xFFFFFFE0] =	vst v8;
	v8 =	vmul.f32 v7, v16;
	v16 =	vld [tilespmem:s9+$0x50]  }
0x3c3: {  	v18 =	vshll.u32 v20, v1;
	v20 =	vshll.u32 v21, v1;
	[tilespmem:s9+$0xFFFFFFF0] =	vst v6;
	v6 =	vmul.f32 v12, v7;
	v12 =	vld [tilespmem:s9+$0x60]  }
0x3c4: {  	v4 =	vmul.f32 v13, v4;
	v21 =	vshll.u32 v22, v1;
	[tilespmem:s9+$0x0] =	vst v8;
	v8 =	vmul.f32 v14, v7;
	v13 =	vld [tilespmem:s9+$0x70]  }
0x3c5: {  	v14 =	vshll.u32 v15, v1;
	v15 =	vshll.u32 v19, v1;
	[tilespmem:s9+$0x10] =	vst v6;
	v6 =	vmul.f32 v11, v7;
	v7 =	vld [tilespmem:s9+$0x80]  }
0x3c6: {  	v19 =	vbroadcast v9, $0x0;
	v9 =	vadd.s32 $0x26C1, v18;
	[tilespmem:s9+$0x20] =	vst v8;
	v8 =	vmul.f32 v4, v10;
	v18 =	vld [tilespmem:s9+$0x90]  }
0x3c7: {  	v17 =	vshll.u32 v17, v1;
	v9 =	vbroadcast v9, $0x0;
	[tilespmem:s9+$0x30] =	vst v6;
	v6 =	vmul.f32 v16, v4;
	v16 =	vld [tilespmem:s9+$0xA0]  }
0x3c8: {  	v10 =	vadd.s32 $0x26C2, v20;
	v20 =	vmul.f32 v5, v3;
	[tilespmem:s9+$0x40] =	vst v8;
	v8 =	vmul.f32 v12, v4;
	v22 =	vld [tilespmem:s9+$0xB0]  }
0x3c9: {  	v3 =	vadd.s32 $0x26C3, v21;
	v5 =	vbroadcast v10, $0x0;
	[tilespmem:s9+$0x50] =	vst v6;
	v4 =	vmul.f32 v13, v4;
	v21 =	vld [tilespmem:s9+$0xC0]  }
.Ltmp7:
0x3ca: {  	v10 =	vbroadcast v3, $0x0;
	v6 =	vadd.s32 $0x26C4, v14;
	[tilespmem:s9+$0x60] =	vst v8;
	v7 =	vmul.f32 v20, v7;
	v3 =	vld [tilespmem:s9+$0xD0];
	(pc) =	sbr.rel @p0 .LBB2_15-.Ltmp7, $4  }
0x3cb: {  	v11 =	vbroadcast v6, $0x0;
	v6 =	vadd.s32 $0x26C5, v15;
	[tilespmem:s9+$0x70] =	vst v4;
	v15 =	vmul.f32 v18, v20;
	v4 =	vld [tilespmem:s9+$0xE0]  }
0x3cc: {  	v13 =	vbroadcast v6, $0x0;
	v6 =	vadd.s32 $0x26C6, v17;
	v8 =	vld.idx.msk [tilespmem:v19+s22+$0x0], $0xffff;
	[tilespmem:s9+$0x80] =	vst v7;
	v16 =	vmul.f32 v16, v20  }
0x3cd: {  	v14 =	vbroadcast v6, $0x0;
	v12 =	vld.idx.msk [tilespmem:v19+s3+$0x0], $0xffff;
	[tilespmem:s9+$0x90] =	vst v15;
	v7 =	vmul.f32 v22, v20  }
0x3ce: {  	s11 =	sadd.s32 $0x7, s10;
	s10 =	sadd.s32 $0x8, s10;
	v6 =	vld.idx.msk [tilespmem:v9+s22+$0x0], $0xffff;
	[tilespmem:s9+$0xA0] =	vst v16;
	v15 =	vmul.f32 v2, v21  }
0x3cf: {  	_ =	sdelay $0x3  }
0x3d0: {  	v16 =	vld.idx.msk [tilespmem:v5+s22+$0x0], $0xffff  }
0x3d1: {  	v18 =	vld.idx.msk [tilespmem:v10+s22+$0x0], $0xffff  }
0x3d2: {  	v19 =	vld.idx.msk [tilespmem:v11+s22+$0x0], $0xffff  }
0x3d3: {  	v20 =	vld.idx.msk [tilespmem:v13+s22+$0x0], $0xffff  }
0x3d4: {  	v21 =	vld.idx.msk [tilespmem:v14+s22+$0x0], $0xffff  }
0x3d5: {  	v9 =	vld.idx.msk [tilespmem:v9+s3+$0x0], $0xffff  }
0x3d6: {  	v62 =	vld.idx.msk [tilespmem:v5+s3+$0x0], $0xffff  }
0x3d7: {  	v63 =	vld.idx.msk [tilespmem:v10+s3+$0x0], $0xffff  }
0x3d8: {  	v24 =	vld.idx.msk [tilespmem:v11+s3+$0x0], $0xffff  }
0x3d9: {  	v25 =	vld.idx.msk [tilespmem:v13+s3+$0x0], $0xffff  }
0x3da: {  	v26 =	vld.idx.msk [tilespmem:v14+s3+$0x0], $0xffff;
	s10 =	sadd.s32 $0x200, s9  }
0x3db: {  	v23 =	vld [tilespmem:s10+$0xF0]  }
0x3dc: {  	v28 =	vld [tilespmem:s10+$0xFFFFFF20]  }
0x3dd: {  	v17 =	vmov s11;
	v30 =	vld [tilespmem:s10+$0xFFFFFF30]  }
0x3de: {  	v17 =	vshrl.u32 v17, $0x3;
	v32 =	vld [tilespmem:s10+$0xFFFFFF50]  }
0x3df: {  	v34 =	vld [tilespmem:s10+$0xFFFFFF60];
	v17 =	vshll.u32 v17, v1  }
0x3e0: {  	v35 =	vld [tilespmem:s10+$0xFFFFFF70];
	v17 =	vadd.s32 $0x26C7, v17  }
0x3e1: {  	v36 =	vld [tilespmem:s10+$0xFFFFFF80];
	v17 =	vbroadcast v17, $0x0  }
0x3e2: {  	v12 =	vld.idx.msk [tilespmem:v12+s23+$0x0], $0xffff  }
0x3e3: {  	v9 =	vld.idx.msk [tilespmem:v9+s23+$0x0], $0xffff  }
0x3e4: {  	v11 =	vld.idx.msk [tilespmem:v24+s23+$0x0], $0xffff  }
0x3e5: {  	v24 =	vld [tilespmem:s10+$0xFFFFFF00]  }
0x3e6: {  	v13 =	vld.idx.msk [tilespmem:v25+s23+$0x0], $0xffff  }
0x3e7: {  	v3 =	vmul.f32 v3, v2;
	v22 =	vld.idx.msk [tilespmem:v17+s3+$0x0], $0xffff  }
0x3e8: {  	[tilespmem:s9+$0xB0] =	vst v7;
	v2 =	vmul.f32 v4, v2;
	v25 =	vld [tilespmem:s10+$0xFFFFFF10];
	v29 =	vmul.f32 v12, v8  }
0x3e9: {  	[tilespmem:s9+$0xD0] =	vst v3;
	v3 =	vld [tilespmem:s10+$0xFFFFFF40]  }
0x3ea: {  	v38 =	vld [tilespmem:s10+$0xFFFFFFA0];
	[tilespmem:s9+$0xE0] =	vst v2;
	v2 =	vmul.f32 v29, v24  }
0x3eb: {  	[tilespmem:s9+$0xC0] =	vst v15;
	v5 =	vld.idx.msk [tilespmem:v62+s23+$0x0], $0xffff;
	v4 =	vmul.f32 v30, v29  }
0x3ec: {  	v39 =	vld [tilespmem:s10+$0xFFFFFFB0];
	v6 =	vmul.f32 v9, v6;
	[tilespmem:s10+$0xFFFFFF00] =	vst v2;
	v2 =	vmul.f32 v28, v29  }
0x3ed: {  	v17 =	vld.idx.msk [tilespmem:v17+s22+$0x0], $0xffff;
	[tilespmem:s10+$0xFFFFFF30] =	vst v4;
	v33 =	vmul.f32 v25, v29  }
0x3ee: {  	[tilespmem:s10+$0xFFFFFF20] =	vst v2;
	v2 =	vmul.f32 v6, v3;
	v3 =	vld [tilespmem:s10+$0xFFFFFF90]  }
0x3ef: {  	[tilespmem:s10+$0xFFFFFF10] =	vst v33;
	v37 =	vmul.f32 v32, v6;
	v22 =	vld.idx.msk [tilespmem:v22+s23+$0x0], $0xffff  }
0x3f0: {  	v10 =	vld.idx.msk [tilespmem:v63+s23+$0x0], $0xffff;
	v5 =	vmul.f32 v5, v16;
	[tilespmem:s10+$0xFFFFFF40] =	vst v2;
	v2 =	vmul.f32 v34, v6  }
0x3f1: {  	v41 =	vld [tilespmem:s10+$0xFFFFFFC0];
	v40 =	vmul.f32 v35, v6;
	[tilespmem:s10+$0xFFFFFF50] =	vst v37  }
0x3f2: {  	v42 =	vld [tilespmem:s10+$0xFFFFFFD0];
	[tilespmem:s10+$0xFFFFFF60] =	vst v2;
	v2 =	vmul.f32 v5, v36  }
0x3f3: {  	v43 =	vld [tilespmem:s10+$0xFFFFFFE0];
	[tilespmem:s10+$0xFFFFFF70] =	vst v40;
	v3 =	vmul.f32 v3, v5  }
0x3f4: {  	v45 =	vld [tilespmem:s10+$0xFFFFFFF0];
	v27 =	vmul.f32 v22, v17;
	[tilespmem:s10+$0xFFFFFF80] =	vst v2;
	v2 =	vmul.f32 v38, v5  }
0x3f5: {  	v46 =	vld [tilespmem:s10+$0x0];
	v44 =	vmul.f32 v10, v18;
	[tilespmem:s10+$0xFFFFFF90] =	vst v3;
	v3 =	vmul.f32 v39, v5  }
0x3f6: {  	v47 =	vld [tilespmem:s10+$0x10];
	v31 =	vmul.f32 v23, v27;
	[tilespmem:s10+$0xFFFFFFA0] =	vst v2  }
0x3f7: {  	v48 =	vld [tilespmem:s10+$0x20];
	v2 =	vmul.f32 v44, v41;
	[tilespmem:s10+$0xFFFFFFB0] =	vst v3  }
0x3f8: {  	v50 =	vld [tilespmem:s10+$0x30];
	v3 =	vmul.f32 v42, v44;
	[tilespmem:s10+$0xF0] =	vst v31  }
0x3f9: {  	v51 =	vld [tilespmem:s10+$0x40];
	v49 =	vmul.f32 v11, v19;
	[tilespmem:s10+$0xFFFFFFC0] =	vst v2;
	v2 =	vmul.f32 v43, v44  }
0x3fa: {  	v52 =	vld [tilespmem:s10+$0x50];
	[tilespmem:s10+$0xFFFFFFD0] =	vst v3;
	v3 =	vmul.f32 v45, v44  }
0x3fb: {  	v53 =	vld [tilespmem:s10+$0x60];
	[tilespmem:s10+$0xFFFFFFE0] =	vst v2;
	v2 =	vmul.f32 v49, v46  }
0x3fc: {  	v14 =	vld.idx.msk [tilespmem:v26+s23+$0x0], $0xffff;
	[tilespmem:s10+$0xFFFFFFF0] =	vst v3;
	v3 =	vmul.f32 v47, v49  }
0x3fd: {  	v55 =	vld [tilespmem:s10+$0x70];
	v54 =	vmul.f32 v13, v20;
	[tilespmem:s10+$0x0] =	vst v2;
	v2 =	vmul.f32 v48, v49  }
0x3fe: {  	v56 =	vld [tilespmem:s10+$0x80];
	[tilespmem:s10+$0x10] =	vst v3;
	v3 =	vmul.f32 v50, v49  }
0x3ff: {  	v57 =	vld [tilespmem:s10+$0x90];
	[tilespmem:s10+$0x20] =	vst v2;
	v2 =	vmul.f32 v54, v51  }
0x400: {  	v58 =	vld [tilespmem:s10+$0xA0];
	[tilespmem:s10+$0x30] =	vst v3;
	v3 =	vmul.f32 v52, v54  }
0x401: {  	v60 =	vld [tilespmem:s10+$0xB0];
	v59 =	vmul.f32 v14, v21;
	[tilespmem:s10+$0x40] =	vst v2;
	v2 =	vmul.f32 v53, v54  }
0x402: {  	v61 =	vld [tilespmem:s10+$0xC0];
	[tilespmem:s10+$0x50] =	vst v3;
	v3 =	vmul.f32 v55, v54  }
0x403: {  	v62 =	vld [tilespmem:s10+$0xD0];
	[tilespmem:s10+$0x60] =	vst v2;
	v2 =	vmul.f32 v59, v56  }
0x404: {  	v63 =	vld [tilespmem:s10+$0xE0];
	[tilespmem:s10+$0x70] =	vst v3;
	v3 =	vmul.f32 v57, v59  }
0x405: {  	[tilespmem:s10+$0x80] =	vst v2;
	v2 =	vmul.f32 v58, v59  }
0x406: {  	[tilespmem:s10+$0x90] =	vst v3;
	v3 =	vmul.f32 v60, v59  }
0x407: {  	[tilespmem:s10+$0xA0] =	vst v2;
	v2 =	vmul.f32 v27, v61  }
0x408: {  	[tilespmem:s10+$0xB0] =	vst v3;
	v3 =	vmul.f32 v62, v27  }
0x409: {  	[tilespmem:s10+$0xC0] =	vst v2;
	v2 =	vmul.f32 v63, v27  }
0x40a: {  	[tilespmem:s10+$0xD0] =	vst v3  }
0x40b: {  	s0 =	simm.s32 $0x4DD0;
	s14 =	simm.s32 $0x6;
	[tilespmem:s10+$0xE0] =	vst v2  }
0x40c: {  	[spmem:s2] =	stream.indirect.scatter.add.f32 [tilespmem:s19], [sflag:$0x5], $0x40, s0, s24, $0xb8;
	[tilespmem:$0x18C40] =	vst v63  }
0x40d: {  	_ =	swait.ge [sflag:s14], $0x1400  }
0x40e: {  	[sflag:s14] =	ssyncset.done $0x0  }
0x40f: {  	[sflag:s14] =	ssyncadd.s32 $0xFFFFEC00  }
0x410: {  	_ =	swait.ge [sflag:s5], $0x1400  }
0x411: {  	[sflag:s5] =	ssyncset.done $0x0  }
0x412: {  	[sflag:s5] =	ssyncadd.s32 $0xFFFFEC00  }
0x413: {  	_ =	swait.ge [sflag:s7], $0x1400  }
0x414: {  	[sflag:s7] =	ssyncset.done $0x0  }
0x415: {  	[sflag:s7] =	ssyncadd.s32 $0xFFFFEC00  }
0x416: {  	_ =	swait.ge [sflag:s1], $0x1400  }
0x417: {  	[sflag:s1] =	ssyncset.done $0x0  }
0x418: {  	s15 =	stileid.u32;
	[sflag:s1] =	ssyncadd.s32 $0xFFFFEC00  }
0x419: {  	s0 =	sshll.u32 s15, $0x6;
	[bflag:$0x0] =	sbarrier.arrive $0xFFFF  }
0x41a: {  	s16 =	sshrl.u32 s6, $0x3;
	s0 =	sor.u32 $0x1C09, s0;
	s17 =	rddreg [dreg:$0xf]  }
0x41b: {  	[hbm:s17], [sflag:s0] =	dma.local [spmem:s16], $0x1400  }
0x41c: {  	_ =	swait.ge [sflag:s20], $0x1400  }
0x41d: {  	s8 =	sadd.s32 $0x1, s8;
	s18 =	rddreg [dreg:$0x10]  }
0x41e: {  	p0 =	sne.s32 s8, s18  }
.Ltmp8:
0x41f: {  	_ = 	snop;
	(pc) =	sbr.rel @p0 .LBB2_1-.Ltmp8, $3  }
0x420: {  	_ =	sdelay $0x1  }
0x421: {  	[sflag:s20] =	ssyncset.done $0x0  }
0x422: {  	[sflag:s20] =	ssyncadd.s32 $0xFFFFEC00  }
0x423: {  	_ =	sfence.sel $0x180000  }
0x424: {  	[bflag:$0x0] =	sbarrier.arrive $0xFFFF  }
0x425: {  	_ =	strace $0x9000004A  }
0x426: {  	s0 =	stileid.u32;
	[bflag:$0x2] =	sbarrier.arrive $0xFFFF  }
0x427: {  	p0 =	sne.s32 s0, $0x0;
	s0 =	rddreg [dreg:$0x3]  }
0x428: {  	s0 =	sadd.s32 @!p0 $0x100000, s0  }
0x429: {  	[sflag:s0] =	ssyncadd.tile.s32 @!p0 $0x1;
	_ =	shalt  }
.Lfunc_end2:
_tile_overlayer_lowered:
.L_overlay_start_2:
0x42a: {  	(tag) =	ssettag $0x2  }
0x42b: {  	s0 =	rddreg [dreg:$0x0];
	s2 =	stileid.u32  }
0x42c: {  	s1 =	rddreg [dreg:$0x1];
	p0 =	sne.s32 s2, $0x0  }
0x42d: {  	s3 =	rddreg [dreg:$0x2];
	[bflag:$0x3] =	sbarrier.arrive $0xFFFF;
	s2 =	simm.s32 @!p0 $0x1C09  }
0x42e: {  	[timem:s3], [sflag:s2] =	dma.local @!p0 [hbm:s0], s1  }
0x42f: {  	s0 =	simm.s32 @!p0 $0x9  }
0x430: {  	_ =	swait.ge @!p0 [sflag:s0], s1  }
0x431: {  	s1 =	ssub.s32 @!p0 $0x0, s1;
	[sflag:s0] =	ssyncset.done @!p0 $0x0  }
0x432: {  	[sflag:s0] =	ssyncadd.s32 @!p0 s1  }
0x433: {  	[bflag:$0x3] =	sbarrier.arrive $0xFFFF  }
0x434: {  	_ =	shalt  }

// kernel: kernel.7.cloned.1.call-start
scs
__scs_entry_jumppad:
0x0: {  	(pc) =	sbr.rel $0x88, $3  }
0x1: {  	(tag) =	ssettag $0x0;
	lr =	simm.s32 $0x1  }
0x2: {  	[smem:$0x3F9A] =	sst lr;
	_ =	strace $0xD0000000  }
0x3: {  	_ = 	snop  }
0x4: {  	_ = 	snop  }
0x5: {  	_ = 	snop  }
0x6: {  	_ = 	snop  }
0x7: {  	_ = 	snop  }
__scs_overlays_trampoline_lowered:
0x8: {  	[smem:$0x3FA9] =	sst s0  }
0x9: {  	[smem:$0x3FAA] =	sst s1  }
0xa: {  	[smem:$0x3FAB] =	sst s2  }
0xb: {  	[smem:$0x3FAC] =	sst s3  }
0xc: {  	[smem:$0x3FAD] =	sst s4  }
0xd: {  	[smem:$0x3FAE] =	sst s5  }
0xe: {  	[smem:$0x3FAF] =	sst s6  }
0xf: {  	[smem:$0x3FB0] =	sst s7  }
0x10: {  	[smem:$0x3FB1] =	sst s8  }
0x11: {  	[smem:$0x3FB2] =	sst s9;
	s0 =	simm.s32 @!p0 $0x0  }
0x12: {  	s1 =	sld [smem:$0x3F98];
	s0 =	simm.s32 @p0 $0x1  }
0x13: {  	[smem:$0x3FB3] =	sst s0;
	s0 =	simm.s32 @!p1 $0x0  }
0x14: {  	s2 =	sld [smem:$0x3F97];
	s0 =	simm.s32 @p1 $0x1  }
0x15: {  	[smem:$0x3FB4] =	sst s0;
	s0 =	simm.s32 @!p2 $0x0  }
0x16: {  	s3 =	sld [smem:$0x3FDB];
	s0 =	simm.s32 @p2 $0x1  }
0x17: {  	s4 =	simm.s32 $0x1BF5;
	[smem:$0x3FB6] =	sst s0  }
0x18: {  	s0 =	sld [smem:$0x3F99];
	_ =	swait.ge [sflag:s4], $0x0  }
0x19: {  	s7 =	sld [smem:$0x3F9A]  }
0x1a: {  	s8 =	sadd.s32 $0xFFFFE003, lr  }
0x1b: {  	s9 =	sadd.s32 $0xFFFFFEF7, lr;
	s5 =	simm.s32 $0xFFFFFFFF;
	p2 =	slt.u32 s8, $0xFFFFF086  }
0x1c: {  	p1 =	slt.u32 s9, $0xF7A;
	s5 =	simm.s32 @!p2 $0x0  }
0x1d: {  	s5 =	simm.s32 @p1 $0x1;
	p0 =	seq.s32 s7, s2  }
0x1e: {  	s7 =	smul.u32 @!p0 $0xF7A, s2;
	p2 =	seq.s32 @!p0 s5, $0x0  }
0x1f: {  	s9 =	smul.u32 $0xF7A, s1;
	s8 =	simm.s32 @!p0 $0x1BF5;
	p2 =	por !p2, p0  }
0x20: {  	[sflag:s8] =	ssyncset.s32 @!p0 $0xFFFFF086;
	s6 =	sadd.s32 @!p0 s3, s7;
	s7 =	simm.s32 @!p0 $0x108  }
0x21: {  	s3 =	sadd.s32 s3, s9;
	s6 =	sadd.s32 @!p0 $0x88, s6;
	s7 =	simm.s32 @p2 $0x1082  }
0x22: {  	[simem:s7], [sflag:s8] =	dma.local @!p0 [hbm:s6], $0xF7A  }
0x23: {  	s9 =	sor.u32 $0xD0000000, s2;
	s6 =	simm.s32 $0x108;
	_ =	swait.ge @!p0 [sflag:s8], $0x0  }
0x24: {  	s3 =	sadd.s32 $0x88, s3;
	s6 =	simm.s32 @!p1 $0x1082;
	[sflag:s4] =	ssyncset.s32 $0xFFFFF086  }
0x25: {  	[simem:s6], [sflag:s4] =	dma.local [hbm:s3], $0xF7A  }
0x26: {  	[smem:$0x3F9A] =	sst s1;
	(tag) =	ssettag s2;
	_ =	strace s9  }
0x27: {  	s1 =	sld [smem:$0x3FAA]  }
0x28: {  	s2 =	sld [smem:$0x3FAB]  }
0x29: {  	s4 =	sld [smem:$0x3FAD]  }
0x2a: {  	p0 =	seq.s32 s5, $0x0;
	s5 =	sld [smem:$0x3FAE]  }
0x2b: {  	s6 =	sld [smem:$0x3FAF]  }
0x2c: {  	s7 =	sld [smem:$0x3FB0]  }
0x2d: {  	s3 =	simm.s32 $0x108;
	s8 =	sld [smem:$0x3FB1]  }
0x2e: {  	s3 =	simm.s32 @!p0 $0x1082;
	s9 =	sld [smem:$0x3FB2]  }
0x2f: {  	lr =	sadd.s32 s0, s3;
	s0 =	sld [smem:$0x3FA9]  }
0x30: {  	s3 =	sld [smem:$0x3FAC]  }
0x31: {  	[smem:$0x3FB5] =	sst s10  }
0x32: {  	s10 =	sld [smem:$0x3FB3];
	_ =	sdelay $0x3  }
0x33: {  	p0 =	seq.s32 s10, $0x1;
	s10 =	sld [smem:$0x3FB5];
	_ =	sdelay $0x3  }
0x34: {  	[smem:$0x3FB5] =	sst s10  }
0x35: {  	s10 =	sld [smem:$0x3FB4];
	_ =	sdelay $0x3  }
0x36: {  	p1 =	seq.s32 s10, $0x1;
	s10 =	sld [smem:$0x3FB5];
	_ =	sdelay $0x3  }
0x37: {  	[smem:$0x3FB5] =	sst s10  }
0x38: {  	s10 =	sld [smem:$0x3FB6]  }
0x39: {  	_ = 	snop;
	(pc) =	sbr.ind lr, $3  }
0x3a: {  	_ = 	snop  }
0x3b: {  	_ = 	snop  }
0x3c: {  	p2 =	seq.s32 s10, $0x1;
	s10 =	sld [smem:$0x3FB5]  }
0x3d: {  	_ =	shalt  }
0x3e: {  	_ =	shalt  }
0x3f: {  	_ =	shalt  }
0x40: {  	_ =	shalt  }
0x41: {  	_ =	shalt  }
0x42: {  	_ =	shalt  }
0x43: {  	_ =	shalt  }
0x44: {  	_ =	shalt  }
0x45: {  	_ =	shalt  }
0x46: {  	_ =	shalt  }
0x47: {  	_ =	shalt  }
0x48: {  	_ =	shalt  }
0x49: {  	_ =	shalt  }
0x4a: {  	_ =	shalt  }
0x4b: {  	_ =	shalt  }
0x4c: {  	_ =	shalt  }
0x4d: {  	_ =	shalt  }
0x4e: {  	_ =	shalt  }
0x4f: {  	_ =	shalt  }
0x50: {  	_ =	shalt  }
0x51: {  	_ =	shalt  }
0x52: {  	_ =	shalt  }
0x53: {  	_ =	shalt  }
0x54: {  	_ =	shalt  }
0x55: {  	_ =	shalt  }
0x56: {  	_ =	shalt  }
0x57: {  	_ =	shalt  }
0x58: {  	_ =	shalt  }
0x59: {  	_ =	shalt  }
0x5a: {  	_ =	shalt  }
0x5b: {  	_ =	shalt  }
0x5c: {  	_ =	shalt  }
0x5d: {  	_ =	shalt  }
0x5e: {  	_ =	shalt  }
0x5f: {  	_ =	shalt  }
0x60: {  	_ =	shalt  }
0x61: {  	_ =	shalt  }
0x62: {  	_ =	shalt  }
0x63: {  	_ =	shalt  }
0x64: {  	_ =	shalt  }
0x65: {  	_ =	shalt  }
0x66: {  	_ =	shalt  }
0x67: {  	_ =	shalt  }
0x68: {  	_ =	shalt  }
0x69: {  	_ =	shalt  }
0x6a: {  	_ =	shalt  }
0x6b: {  	_ =	shalt  }
0x6c: {  	_ =	shalt  }
0x6d: {  	_ =	shalt  }
0x6e: {  	_ =	shalt  }
0x6f: {  	_ =	shalt  }
0x70: {  	_ =	shalt  }
0x71: {  	_ =	shalt  }
0x72: {  	_ =	shalt  }
0x73: {  	_ =	shalt  }
0x74: {  	_ =	shalt  }
0x75: {  	_ =	shalt  }
0x76: {  	_ =	shalt  }
0x77: {  	_ =	shalt  }
0x78: {  	_ =	shalt  }
0x79: {  	_ =	shalt  }
0x7a: {  	_ =	shalt  }
0x7b: {  	_ =	shalt  }
0x7c: {  	_ =	shalt  }
0x7d: {  	_ =	shalt  }
0x7e: {  	_ =	shalt  }
0x7f: {  	_ =	shalt  }
0x80: {  	_ =	shalt  }
0x81: {  	_ =	shalt  }
0x82: {  	_ =	shalt  }
0x83: {  	_ =	shalt  }
0x84: {  	_ =	shalt  }
0x85: {  	_ =	shalt  }
0x86: {  	_ =	shalt  }
0x87: {  	_ =	shalt  }
.Lfunc_end0:
.L_simem_size_0:
called_computation_lowered:
.L_overlay_start_0:
0x88: {  	s2 =	sld [smem:$0x3FD9]  }
0x89: {  	s3 =	sld [smem:$0x3FFE];
	_ =	sdelay $0x1  }
0x8a: {  	s1 =	srdreg.scid  }
0x8b: {  	s0 =	sand.u32 $0x1, s1  }
0x8c: {  	s17 =	sshll.u32 s0, $0xA;
	s2 =	sadd.s32 s3, s2  }
0x8d: {  	s2 =	sadd.s32 s2, s17  }
0x8e: {  	[smem:$0x3FC1] =	sst s2  }
0x8f: {  	_ = 	snop  }
0x90: {  	s2 =	sld [smem:$0x3FC7];
	(tm) =	ssettm $0x1  }
0x91: {  	s18 =	sld [smem:$0x3FFB];
	_ =	sdelay $0x3  }
0x92: {  	_ =	strace s18  }
0x93: {  	s3 =	sld [smem:$0x3FFC];
	_ =	sdelay $0x3  }
0x94: {  	_ =	strace s3  }
0x95: {  	s3 =	sld [smem:$0x3FFD];
	_ =	sdelay $0x3  }
0x96: {  	_ =	strace s3  }
0x97: {  	_ =	strace $0x8FFFFFFF  }
0x98: {  	s19 =	sld [smem:$0x3FDB];
	_ =	sdelay $0x1  }
0x99: {  	s4 =	simm.s32 $_scs_section_size  }
0x9a: {  	s5 =	simm.s32 $_size__tile_overlayer_lowered;
	s6 =	simm.s32 $_tile_overlayer_lowered  }
0x9b: {  	s22 =	simm.s32 $0x1BFF;
	s21 =	sshll.u32 s6, $0x1;
	s3 =	sadd.s32 s4, s19  }
0x9c: {  	s7 =	simm.s32 $0x0;
	s20 =	sshll.u32 s5, $0x1;
	s5 =	sadd.s32 s21, s3  }
0x9d: {  	[timem:s7], [sflag:s22] =	dma.local [hbm:s5], s20  }
0x9e: {  	_ =	swait.ge [sflag:s22], s20  }
0x9f: {  	s4 =	ssub.s32 $0x0, s20;
	[sflag:s22] =	ssyncset.done $0x0  }
0xa0: {  	[sflag:s22] =	ssyncadd.s32 s4;
	_ =	sdelay $0x1  }
0xa1: {  	s23 =	simm.s32 $0x1B8B  }
0xa2: {  	_ =	swait.ge [sflag:s23], $0x1  }
0xa3: {  	[sflag:s23] =	ssyncset.done $0x0  }
0xa4: {  	s25 =	simm.s32 $0x1B8E;
	s24 =	sld [smem:$0x3FFE];
	[sflag:s23] =	ssyncadd.s32 $0xFFFFFFFF  }
0xa5: {  	s26 =	simm.s32 $execute0_lowered;
	[smem:$0x3FD2] =	sst s25  }
0xa6: {  	s5 =	sshll.u32 s26, $0x1;
	_ =	strace $0x80000046;
	[dreg:$0x1] =	wrdreg $0xFFFFFFFF  }
0xa7: {  	s28 =	simm.s32 $_size_execute0_lowered;
	s3 =	sadd.s32 s3, s5;
	[dreg:$0x0] =	wrdreg $0x0  }
0xa8: {  	s5 =	sshll.u32 s28, $0x1;
	[dreg:$0x2] =	wrdreg s3  }
0xa9: {  	[dreg:$0x3] =	wrdreg s5  }
0xaa: {  	[dreg:$0x4] =	wrdreg $0xC0  }
0xab: {  	_ =	task [dreg:s7], $0x5FFFF  }
0xac: {  	[dreg:$0x1] =	wrdreg $0xFFFFFFFF  }
0xad: {  	[dreg:$0x0] =	wrdreg $0x60  }
0xae: {  	[dreg:$0x2] =	wrdreg s24  }
0xaf: {  	[dreg:$0x3] =	wrdreg s2  }
0xb0: {  	[dreg:$0x4] =	wrdreg $0x9  }
0xb1: {  	_ =	task.clear_ibuf [dreg:s7], $0x5FFFF;
	_ =	strace $0x90000046  }
0xb2: {  	s29 =	simm.s32 $0x9;
	_ =	strace $0x80000048  }
0xb3: {  	_ =	swait.ge [sflag:s29], $0x1  }
0xb4: {  	[sflag:s29] =	ssyncadd.s32 $0xFFFFFFFF  }
0xb5: {  	_ =	strace $0x90000048  }
0xb6: {  	_ =	sfence  }
0xb7: {  	s30 =	sld [smem:$0x0];
	_ =	sdelay $0x2  }
0xb8: {  	s31 =	sshll.u32 s1, $0xD;
	s1 =	sshrl.u32 s1, $0x2  }
0xb9: {  	s3 =	sand.u32 $0x4000, s31;
	s1 =	sadd.s32 s1, s30  }
0xba: {  	s0 =	sor.u32 s3, s0;
	s1 =	sshll.u32 s1, $0x11  }
0xbb: {  	s0 =	sor.u32 s1, s0  }
0xbc: {  	s0 =	sadd.s32 $0x8F2B, s0  }
0xbd: {  	[sflag:s0] =	ssyncadd.remote.s32 $0x1  }
0xbe: {  	_ =	sfence.sel $0xFFFF  }
0xbf: {  	[dreg:$0x0] =	wrdreg $0xFFFFFFFF;
	(pc) =	sbr.abs _section_cstart, $3  }
0xc0: {  	[dreg:$0x1] =	wrdreg $0xFFFFFFFF  }
0xc1: {  	_ =	task.clear_ibuf [dreg:s7], $0x2FFFF;
	_ =	strace $0x9FFFFFFF  }
0xc2: {  	(tm) =	ssettm $0x7FFFFFFF  }
0xc3: {  	_ =	shalt  }
tec
execute0_lowered:
.L_overlay_start_1:
0x0: {  	(tag) =	ssettag $0x1  }
0x1: {  	s1 =	srdreg.scid;
	s0 =	stileid.u32  }
0x2: {  	s4 =	rddreg [dreg:$0x0];
	s3 =	sand.u32 $0x1, s1;
	s30 =	sshll.u32 s0, $0x1  }
0x3: {  	s5 =	rddreg [dreg:$0x1];
	s1 =	sor.u32 s3, s30  }
0x4: {  	s2 =	simm.s32 $0x0;
	s9 =	simm.s32 $0x4E20;
	s6 =	smul.u32 $0x2710, s1  }
0x5: {  	s10 =	simm.s32 $0x0;
	[smem:$0x7FF] =	sst s2;
	s3 =	ssub.s32 $0x2, s3  }
0x6: {  	s1 =	rddreg [dreg:$0x2];
	s31 =	sshrl.u32 s3, $0x1;
	s6 =	sshrl.u32 s6, $0x3  }
0x7: {  	_ =	strace $0x80000047;
	s8 =	ssub.s32 s3, s31;
	s7 =	sadd.s32 s6, s4  }
0x8: {  	s4 =	sadd.s32 s5, s6;
	s6 =	smax.u32 s8, $0x1;
	s8 =	simm.s32 $0x2710  }
0x9: {  	v0 =	vimm.f32 $0.0e+00;
	s3 =	sadd.s32 $0xAA40, s7;
	s5 =	sadd.s32 $0x14800, s7;
	s7 =	simm.s32 $0x1  }
.LBB2_1:
0xa: {  	s11 =	simm.s32 $0x40;
	s12 =	simm.s32 $0x0  }
.LBB2_2:
0xb: {  	p0 =	sne.s32 s11, $0x9C00;
	[tilespmem:s12+$0x4E20] =	vst v0;
	s12 =	smov.u32 s11;
	s11 =	sadd.s32 $0x40, s11  }
.Ltmp0:
0xc: {  	(pc) =	sbr.rel @p0 .LBB2_2-.Ltmp0, $2  }
0xd: {  	_ =	sdelay $0x2  }
0xe: {  	s12 =	sshra.s32 s12, $0x2  }
0xf: {  	[tilespmem:s12+$0x4E20] =	vst v0;
	s11 =	simm.s32 $0x0  }
0x10: {  	[tilespmem:s2], [sflag:$0x1] =	stream.linear.gather [hbm4b:s3+s2], $0x2710, $0x38;
	[tilespmem:$0x7530] =	vst v63  }
0x11: {  	s23 =	sor.u32 $0x3, s11;
	s13 =	sor.u32 $0x1, s11  }
0x12: {  	s15 =	sor.u32 $0x2, s11;
	s11 =	smul.u32 $0xCCCD, s11;
	s14 =	sand.u32 $0xFFFF, s23  }
0x13: {  	s16 =	sand.u32 $0xFFFF, s13;
	s14 =	smul.u32 $0xCCCD, s14  }
0x14: {  	_ =	swait.ge [sflag:s7], $0x2710;
	s17 =	sand.u32 $0xFFFF, s15;
	s16 =	smul.u32 $0xCCCD, s16  }
0x15: {  	[sflag:s7] =	ssyncset.done $0x0;
	s17 =	smul.u32 $0xCCCD, s17;
	s19 =	sshrl.u32 s11, $0x12  }
0x16: {  	[sflag:s7] =	ssyncadd.s32 $0xFFFFD8F0;
	s26 =	smul.u32 $0x5, s19  }
0x17: {  	[tilespmem:s8], [sflag:$0x1] =	stream.linear.gather [hbm4b:s4+s2], $0x2710, $0x38;
	[tilespmem:$0x7530] =	vst v63  }
0x18: {  	s19 =	smul.u32 $0x50, s19;
	s14 =	sshrl.u32 s14, $0x12  }
0x19: {  	s18 =	smul.u32 $0x5, s14  }
0x1a: {  	s16 =	sshrl.u32 s16, $0x12;
	s14 =	smul.u32 $0x50, s14  }
0x1b: {  	s17 =	sshrl.u32 s17, $0x12;
	s24 =	smul.u32 $0x5, s16  }
0x1c: {  	_ =	swait.ge [sflag:s7], $0x2710;
	s25 =	smul.u32 $0x5, s17;
	s12 =	ssub.s32 s23, s18  }
0x1d: {  	s16 =	smul.u32 $0x50, s16;
	[sflag:s7] =	ssyncset.done $0x0;
	s12 =	sshll.u32 s12, $0x4  }
0x1e: {  	[sflag:s7] =	ssyncadd.s32 $0xFFFFD8F0;
	s11 =	ssub.s32 s15, s25;
	s12 =	sadd.s32 s12, s14  }
0x1f: {  	s15 =	sshll.u32 s11, $0x4;
	s11 =	simm.s32 $0x4;
	s12 =	sand.u32 $0xFFF0, s12  }
0x20: {  	s17 =	smul.u32 $0x50, s17;
	s13 =	ssub.s32 s13, s24;
	s28 =	sor.u32 $0x3, s11;
	v1 =	vld [tilespmem:s12+$0x0]  }
0x21: {  	s13 =	sshll.u32 s13, $0x4;
	s20 =	sor.u32 $0x1, s11;
	s29 =	sand.u32 $0xFFFF, s28  }
0x22: {  	s21 =	sor.u32 $0x2, s11;
	s22 =	sand.u32 $0xFFFF, s20;
	v3 =	vld [tilespmem:s12+$0x2710];
	s12 =	smul.u32 $0xCCCD, s29  }
0x23: {  	s14 =	ssub.s32 $0x0, s26;
	s23 =	sand.u32 $0xFFFF, s21;
	s30 =	smul.u32 $0xCCCD, s22  }
0x24: {  	s13 =	sadd.s32 s13, s16;
	s14 =	sshll.u32 s14, $0x4;
	s31 =	smul.u32 $0xCCCD, s23  }
0x25: {  	s13 =	sand.u32 $0xFFF0, s13;
	s23 =	smul.u32 $0xCCCD, s11;
	s12 =	sshrl.u32 s12, $0x12  }
0x26: {  	s15 =	sadd.s32 s15, s17;
	s14 =	sadd.s32 s14, s19;
	v2 =	vld [tilespmem:s13+$0x0];
	s19 =	smul.u32 $0x5, s12  }
0x27: {  	s15 =	sand.u32 $0xFFF0, s15;
	v7 =	vld [tilespmem:s13+$0x2710];
	s16 =	sshrl.u32 s30, $0x12;
	s24 =	smul.u32 $0x50, s12  }
0x28: {  	s14 =	sand.u32 $0xFFF0, s14;
	s22 =	sshrl.u32 s31, $0x12;
	s25 =	smul.u32 $0x5, s16;
	[tilespmem:v1+s9+$0x0] =	vst.idx.add.f32.msk $0xffff, v3  }
0x29: {  	s12 =	sshrl.u32 s23, $0x12;
	s26 =	smul.u32 $0x5, s22;
	s17 =	ssub.s32 s28, s19;
	v3 =	vld [tilespmem:s15+$0x0]  }
0x2a: {  	s29 =	smul.u32 $0x5, s12;
	s17 =	sshll.u32 s17, $0x4;
	v1 =	vld [tilespmem:s14+$0x0]  }
0x2b: {  	v6 =	vld [tilespmem:s15+$0x2710];
	s30 =	ssub.s32 s20, s25;
	s31 =	ssub.s32 s21, s26;
	s28 =	sadd.s32 s17, s24  }
0x2c: {  	v5 =	vld [tilespmem:s14+$0x2710];
	s13 =	sshll.u32 s30, $0x4;
	s17 =	smul.u32 $0x50, s22;
	s15 =	sand.u32 $0xFFF0, s28  }
0x2d: {  	s18 =	ssub.s32 $0x4, s29;
	s14 =	smul.u32 $0x50, s16;
	s16 =	sshll.u32 s31, $0x4;
	v4 =	vld [tilespmem:s15+$0x0]  }
.LBB2_4:
0x2e: {  	s11 =	sadd.s32 $0x4, s11;
	s18 =	sshll.u32 s18, $0x4  }
0x2f: {  	s12 =	smul.u32 $0x50, s12;
	[tilespmem:v2+s9+$0x0] =	vst.idx.add.f32.msk $0xffff, v7;
	s13 =	sadd.s32 s13, s14;
	s21 =	sor.u32 $0x3, s11  }
0x30: {  	s19 =	sor.u32 $0x1, s11;
	s20 =	sor.u32 $0x2, s11;
	v7 =	vld [tilespmem:s15+$0x2710];
	s23 =	sand.u32 $0xFFFF, s21  }
0x31: {  	s15 =	sand.u32 $0xFFFF, s19;
	s22 =	sand.u32 $0xFFFF, s20;
	[tilespmem:v3+s9+$0x0] =	vst.idx.add.f32.msk $0xffff, v6;
	s23 =	smul.u32 $0xCCCD, s23  }
0x32: {  	s14 =	sadd.s32 s16, s17;
	s13 =	sand.u32 $0xFFF0, s13;
	[tilespmem:v1+s9+$0x0] =	vst.idx.add.f32.msk $0xffff, v5;
	s15 =	smul.u32 $0xCCCD, s15  }
0x33: {  	s12 =	sadd.s32 s18, s12;
	s14 =	sand.u32 $0xFFF0, s14;
	s16 =	smul.u32 $0xCCCD, s22  }
0x34: {  	s22 =	sand.u32 $0xFFF0, s12;
	s12 =	smul.u32 $0xCCCD, s11;
	s17 =	sshrl.u32 s23, $0x12;
	v2 =	vld [tilespmem:s13+$0x0]  }
0x35: {  	s18 =	sshrl.u32 s15, $0x12;
	s15 =	smul.u32 $0x5, s17;
	[tilespmem:v4+s9+$0x0] =	vst.idx.add.f32.msk $0xffff, v7  }
0x36: {  	p0 =	slt.u32 s11, $0x26C;
	s23 =	sshrl.u32 s16, $0x12;
	s16 =	smul.u32 $0x50, s17;
	v3 =	vld [tilespmem:s14+$0x0]  }
0x37: {  	s17 =	smul.u32 $0x5, s18;
	s15 =	ssub.s32 s21, s15;
	v1 =	vld [tilespmem:s22+$0x0]  }
.Ltmp1:
0x38: {  	s12 =	sshrl.u32 s12, $0x12;
	s15 =	sshll.u32 s15, $0x4;
	v7 =	vld [tilespmem:s13+$0x2710];
	(pc) =	sbr.rel @p0 .LBB2_4-.Ltmp1, $4  }
0x39: {  	s21 =	smul.u32 $0x5, s23;
	s13 =	sadd.s32 s15, s16;
	v6 =	vld [tilespmem:s14+$0x2710]  }
0x3a: {  	s16 =	smul.u32 $0x5, s12;
	s14 =	ssub.s32 s19, s17;
	s15 =	sand.u32 $0xFFF0, s13;
	v5 =	vld [tilespmem:s22+$0x2710]  }
0x3b: {  	s17 =	ssub.s32 s20, s21;
	s13 =	sshll.u32 s14, $0x4;
	s14 =	smul.u32 $0x50, s18;
	v4 =	vld [tilespmem:s15+$0x0]  }
0x3c: {  	s18 =	ssub.s32 s11, s16;
	s16 =	sshll.u32 s17, $0x4;
	s17 =	smul.u32 $0x50, s23  }
0x3d: {  	_ =	sdelay $0x3  }
0x3e: {  	[tilespmem:v2+s9+$0x0] =	vst.idx.add.f32.msk $0xffff, v7  }
0x3f: {  	s11 =	smul.u32 $0x50, s12;
	v2 =	vld [tilespmem:s15+$0x2710];
	s28 =	sadd.s32 s13, s14  }
0x40: {  	s29 =	sshll.u32 s18, $0x4;
	[tilespmem:v3+s9+$0x0] =	vst.idx.add.f32.msk $0xffff, v6;
	s30 =	sadd.s32 s16, s17;
	s12 =	sand.u32 $0xFFF0, s28  }
0x41: {  	s11 =	sadd.s32 s29, s11;
	v3 =	vld [tilespmem:s12+$0x0];
	s31 =	sand.u32 $0xFFF0, s30  }
0x42: {  	s11 =	sand.u32 $0xFFF0, s11;
	v62 =	vld [tilespmem:s31+$0x0]  }
0x43: {  	v63 =	vld [tilespmem:s11+$0x0]  }
0x44: {  	v8 =	vld [tilespmem:s12+$0x2710]  }
0x45: {  	v9 =	vld [tilespmem:s31+$0x2710]  }
0x46: {  	v10 =	vld [tilespmem:s11+$0x2710]  }
0x47: {  	[tilespmem:v1+s9+$0x0] =	vst.idx.add.f32.msk $0xffff, v5  }
0x48: {  	[tilespmem:v4+s9+$0x0] =	vst.idx.add.f32.msk $0xffff, v2  }
0x49: {  	[tilespmem:v3+s9+$0x0] =	vst.idx.add.f32.msk $0xffff, v8  }
0x4a: {  	[tilespmem:v62+s9+$0x0] =	vst.idx.add.f32.msk $0xffff, v9  }
0x4b: {  	[tilespmem:v63+s9+$0x0] =	vst.idx.add.f32.msk $0xffff, v10  }
0x4c: {  	v1 =	vld [tilespmem:$0x2700];
	_ =	sdelay $0x2  }
0x4d: {  	v2 =	vld [tilespmem:$0x4E10];
	_ =	sdelay $0x2  }
0x4e: {  	s10 =	sadd.s32 $0x1, s10  }
0x4f: {  	p0 =	sne.s32 s10, s6  }
.Ltmp2:
0x50: {  	[tilespmem:v1+s9+$0x0] =	vst.idx.add.f32.msk $0xffff, v2;
	(pc) =	sbr.rel @p0 .LBB2_1-.Ltmp2, $4  }
0x51: {  	[hbm4b:s5+s2] =	stream.linear.scatter [tilespmem:s9], [sflag:$0x1], $0x2710, $0x38;
	[tilespmem:$0x7530] =	vst v63  }
0x52: {  	_ =	swait.ge [sflag:s7], $0x2710  }
0x53: {  	[sflag:s7] =	ssyncset.done $0x0  }
0x54: {  	[sflag:s7] =	ssyncadd.s32 $0xFFFFD8F0  }
0x55: {  	_ =	sfence.sel $0x180000  }
0x56: {  	[bflag:$0x0] =	sbarrier.arrive $0xFFFF  }
0x57: {  	p0 =	sne.s32 s0, $0x0;
	_ =	strace $0x90000047  }
0x58: {  	s0 =	sadd.s32 @!p0 $0x100000, s1;
	[bflag:$0x2] =	sbarrier.arrive $0xFFFF  }
0x59: {  	[sflag:s0] =	ssyncadd.tile.s32 @!p0 $0x1;
	_ =	shalt  }
.Lfunc_end2:
_tile_overlayer_lowered:
.L_overlay_start_2:
0x5a: {  	(tag) =	ssettag $0x2  }
0x5b: {  	s0 =	rddreg [dreg:$0x0];
	s2 =	stileid.u32  }
0x5c: {  	s1 =	rddreg [dreg:$0x1];
	p0 =	sne.s32 s2, $0x0  }
0x5d: {  	s3 =	rddreg [dreg:$0x2];
	[bflag:$0x3] =	sbarrier.arrive $0xFFFF;
	s2 =	simm.s32 @!p0 $0x1C01  }
0x5e: {  	[timem:s3], [sflag:s2] =	dma.local @!p0 [hbm:s0], s1  }
0x5f: {  	s0 =	simm.s32 @!p0 $0x1  }
0x60: {  	_ =	swait.ge @!p0 [sflag:s0], s1  }
0x61: {  	s1 =	ssub.s32 @!p0 $0x0, s1;
	[sflag:s0] =	ssyncset.done @!p0 $0x0  }
0x62: {  	[sflag:s0] =	ssyncadd.s32 @!p0 s1  }
0x63: {  	[bflag:$0x3] =	sbarrier.arrive $0xFFFF  }
0x64: {  	_ =	shalt  }

</sc_bundles>
